<compile_context>
chip_gen: v7x
topology: tpu7x:2x2x1
jax: 0.10.2.dev20260603
libtpu: 0.0.44.dev20260713+nightly
codegen_flags: <defaults>
</compile_context>

<pallas_src>
import jax
import jax.numpy as jnp
from jax import lax
from jax.experimental import pallas as pl
from jax.experimental.pallas import tpu as pltpu
from jax.experimental.pallas import tpu_sc as plsc

N_NODES = 100000
N_EDGES = 1600000

NC, NS = 2, 16
NT = NC * NS
NPAD = 100352
NSL = NPAD // NS
EPT = N_EDGES // NT
EK = 10000
NCHUNK = EPT // EK

BLK = 2048
NBLK = NPAD // BLK

_mesh = plsc.VectorSubcoreMesh(core_axis_name="c", subcore_axis_name="s",
                               num_cores=NC, num_subcores=NS)
_sc_params = pltpu.CompilerParams(use_tc_tiling_on_sc=False)


def _deg_body(dst_hbm, z1_hbm, ones_hbm, out_hbm, deg_sp, stage_v, idx_v,
              ones_v):
    cid = lax.axis_index("c")
    sid = lax.axis_index("s")
    nbase = sid * NSL
    pltpu.sync_copy(z1_hbm.at[pl.ds(nbase, NSL)], stage_v)
    pltpu.sync_copy(stage_v, deg_sp.at[pl.ds(nbase, NSL)])
    pltpu.sync_copy(ones_hbm, ones_v)
    plsc.subcore_barrier()
    ebase = (cid * NS + sid) * EPT
    for i in range(NCHUNK):
        pltpu.sync_copy(dst_hbm.at[pl.ds(ebase + i * EK, EK)], idx_v)
        pltpu.sync_copy(ones_v, deg_sp.at[idx_v], add=True)
    plsc.subcore_barrier()
    pltpu.sync_copy(deg_sp.at[pl.ds(nbase, NSL)], stage_v)
    pltpu.sync_copy(stage_v, out_hbm.at[cid, pl.ds(nbase, NSL)])


_DEG_KW = dict(
    out_type=jax.ShapeDtypeStruct((NC, NPAD), jnp.float32),
    mesh=_mesh,
    compiler_params=_sc_params,
    scratch_types=[
        pltpu.VMEM_SHARED((NPAD,), jnp.float32),
        pltpu.VMEM((NSL,), jnp.float32),
        pltpu.VMEM((EK,), jnp.int32),
        pltpu.VMEM((EK,), jnp.float32),
    ],
)
_deg_pass = pl.kernel(_deg_body, **_DEG_KW)


def _edge_body(src_hbm, dst_hbm, xd0_hbm, xd1_hbm, xd2_hbm, xd3_hbm,
               dinv_hbm, z1_hbm,
               agg0_hbm, agg1_hbm, agg2_hbm, agg3_hbm, craw_hbm,
               dinv_sp, agg0_sp, agg1_sp, agg2_sp, agg3_sp, craw_sp,
               stage1_v, src_a, dst_a,
               g0_a, g1_a, g2_a, g3_a, dd_a):
    cid = lax.axis_index("c")
    sid = lax.axis_index("s")
    nbase = sid * NSL
    nsl = pl.ds(nbase, NSL)
    agg_sps = (agg0_sp, agg1_sp, agg2_sp, agg3_sp)
    xd_hbms = (xd0_hbm, xd1_hbm, xd2_hbm, xd3_hbm)
    agg_hbms = (agg0_hbm, agg1_hbm, agg2_hbm, agg3_hbm)
    pltpu.sync_copy(z1_hbm.at[nsl], stage1_v)
    for t in agg_sps:
        pltpu.sync_copy(stage1_v, t.at[nsl])
    pltpu.sync_copy(stage1_v, craw_sp.at[nsl])
    pltpu.sync_copy(dinv_hbm.at[nsl], stage1_v)
    pltpu.sync_copy(stage1_v, dinv_sp.at[nsl])
    plsc.subcore_barrier()
    ebase = (cid * NS + sid) * EPT
    g_vs = (g0_a, g1_a, g2_a, g3_a)
    for i in range(NCHUNK):
        eds = pl.ds(ebase + i * EK, EK)
        pltpu.sync_copy(src_hbm.at[eds], src_a)
        pltpu.sync_copy(dst_hbm.at[eds], dst_a)
        for ch in range(4):
            pltpu.sync_copy(xd_hbms[ch].at[src_a], g_vs[ch])
        pltpu.sync_copy(dinv_sp.at[dst_a], dd_a)
        for ch in range(4):
            pltpu.sync_copy(g_vs[ch], agg_sps[ch].at[dst_a], add=True)
        pltpu.sync_copy(dd_a, craw_sp.at[src_a], add=True)
    plsc.subcore_barrier()
    for ch in range(4):
        pltpu.sync_copy(agg_sps[ch].at[nsl], stage1_v)
        pltpu.sync_copy(stage1_v, agg_hbms[ch].at[cid, nsl])
    pltpu.sync_copy(craw_sp.at[nsl], stage1_v)
    pltpu.sync_copy(stage1_v, craw_hbm.at[cid, nsl])


_EDGE_KW = dict(
    out_type=(
        jax.ShapeDtypeStruct((NC, NPAD), jnp.float32),
        jax.ShapeDtypeStruct((NC, NPAD), jnp.float32),
        jax.ShapeDtypeStruct((NC, NPAD), jnp.float32),
        jax.ShapeDtypeStruct((NC, NPAD), jnp.float32),
        jax.ShapeDtypeStruct((NC, NPAD), jnp.float32),
    ),
    mesh=_mesh,
    compiler_params=_sc_params,
    scratch_types=[
        pltpu.VMEM_SHARED((NPAD,), jnp.float32),
        pltpu.VMEM_SHARED((NPAD,), jnp.float32),
        pltpu.VMEM_SHARED((NPAD,), jnp.float32),
        pltpu.VMEM_SHARED((NPAD,), jnp.float32),
        pltpu.VMEM_SHARED((NPAD,), jnp.float32),
        pltpu.VMEM_SHARED((NPAD,), jnp.float32),
        pltpu.VMEM((NSL,), jnp.float32),
        pltpu.VMEM((EK,), jnp.int32),
        pltpu.VMEM((EK,), jnp.int32),
        pltpu.VMEM((EK,), jnp.float32),
        pltpu.VMEM((EK,), jnp.float32),
        pltpu.VMEM((EK,), jnp.float32),
        pltpu.VMEM((EK,), jnp.float32),
        pltpu.VMEM((EK,), jnp.float32),
    ],
)
_edge_pass = pl.kernel(_edge_body, **_EDGE_KW)


def _prep_body(degp_ref, xt_ref, dinv_ref, xdt_ref):
    deg = degp_ref[0] + degp_ref[1] + 1.0
    dv = lax.rsqrt(deg)
    dinv_ref[...] = dv
    xdt_ref[...] = dv[None, :, :] * xt_ref[...]


def _prep(degp, xt):
    return pl.pallas_call(
        _prep_body,
        out_shape=(
            jax.ShapeDtypeStruct((784, 128), jnp.float32),
            jax.ShapeDtypeStruct((4, 784, 128), jnp.float32),
        ),
    )(degp, xt)


def _finale_body(dinv_ref, aggp_ref, crawp_ref, xd_ref, w1_ref, b1_ref,
                 w2_ref, b2_ref, out_ref, s_ref):
    step = pl.program_id(0)
    dv = dinv_ref[...]
    agg = aggp_ref[0] + aggp_ref[1]
    ax = dv * (agg + xd_ref[...])
    h = jax.nn.relu(
        lax.dot_general(ax, w1_ref[...], (((0,), (0,)), ((), ())),
                        preferred_element_type=jnp.float32)
        + b1_ref[...])
    craw2 = crawp_ref[...]
    c = dv * (craw2[0:1] + craw2[1:2] + dv)
    cols = step * BLK + lax.broadcasted_iota(jnp.int32, (1, BLK), 1)
    c = jnp.where(cols < N_NODES, c, 0.0)
    part = jnp.dot(c, h, preferred_element_type=jnp.float32)

    @pl.when(step == 0)
    def _():
        s_ref[...] = jnp.zeros_like(s_ref)

    s_ref[...] += part

    @pl.when(step == NBLK - 1)
    def _():
        out_ref[...] = (
            jnp.dot(s_ref[...] * (1.0 / N_NODES), w2_ref[...],
                    preferred_element_type=jnp.float32) + b2_ref[...])


def _finale(dinv, aggp, crawp, xd, w1, b1, w2, b2):
    return pl.pallas_call(
        _finale_body,
        grid=(NBLK,),
        in_specs=[
            pl.BlockSpec((1, BLK), lambda i: (0, i)),
            pl.BlockSpec((NC, 4, BLK), lambda i: (0, 0, i)),
            pl.BlockSpec((NC, BLK), lambda i: (0, i)),
            pl.BlockSpec((4, BLK), lambda i: (0, i)),
            pl.BlockSpec((4, 64), lambda i: (0, 0)),
            pl.BlockSpec((1, 64), lambda i: (0, 0)),
            pl.BlockSpec((64, 32), lambda i: (0, 0)),
            pl.BlockSpec((1, 32), lambda i: (0, 0)),
        ],
        out_specs=pl.BlockSpec((1, 32), lambda i: (0, 0)),
        out_shape=jax.ShapeDtypeStruct((1, 32), jnp.float32),
        scratch_shapes=[pltpu.VMEM((1, 64), jnp.float32)],
    )(dinv, aggp, crawp, xd, w1, b1, w2, b2)


def kernel(x, edge_index, W1, b1, W2, b2):
    src = edge_index[0]
    dst = edge_index[1]
    xt = jnp.pad(x, ((0, NPAD - N_NODES), (0, 0))).T.reshape(4, 784, 128)
    z1 = jnp.zeros((NPAD,), jnp.float32)
    ones = jnp.ones((EK,), jnp.float32)

    degp = _deg_pass(dst, z1, ones).reshape(NC, 784, 128)
    dinv3, xdt3 = _prep(degp, xt)
    dinv = dinv3.reshape(NPAD)
    xdc = xdt3.reshape(4, NPAD)

    a0, a1, a2, a3, crawp = _edge_pass(
        src, dst, xdc[0], xdc[1], xdc[2], xdc[3], dinv, z1)
    aggp = jnp.stack([a0, a1, a2, a3], axis=1)

    out = _finale(
        dinv.reshape(1, NPAD),
        aggp,
        crawp,
        xdc,
        W1, b1.reshape(1, 64), W2, b2.reshape(1, 32),
    )
    return out.reshape(32)

# --- scband reference (transcript-rebuilt; emitter-appended) ---
"""Pipeline reference for scband-gnnmodel-33655363732257 (READ-ONLY COPY).

The authoritative reference and input builder live on the scoring server;
editing this copy changes nothing except your own understanding.
"""

import jax, jax.numpy as jnp
import numpy as np

N_NODES = 100000
N_EDGES = 1600000

def setup_inputs(seed: int = 0) -> dict:
    key = jax.random.key(seed)
    k1, k2, k3, k4, k5, k6 = jax.random.split(key, 6)
    x = jax.random.normal(k1, (N_NODES, 4), dtype=jnp.float32)
    edge_index = jax.random.randint(k2, (2, N_EDGES), 0, N_NODES, dtype=jnp.int32)
    # GCNConv layer 1: in=4, out=64 (glorot-ish init)
    W1 = jax.random.normal(k3, (4, 64), dtype=jnp.float32) * (1.0 / np.sqrt(4))
    b1 = jnp.zeros((64,), dtype=jnp.float32)
    # GCNConv layer 2: in=64, out=32
    W2 = jax.random.normal(k4, (64, 32), dtype=jnp.float32) * (1.0 / np.sqrt(64))
    b2 = jnp.zeros((32,), dtype=jnp.float32)
    return {"x": x, "edge_index": edge_index, "W1": W1, "b1": b1, "W2": W2, "b2": b2}


def _gcn_conv(x, src, dst, W, b, num_nodes):
    # x' = D^{-1/2} (A + I) D^{-1/2} X W + b   (PyG GCNConv defaults:
    # add_self_loops=True, normalize=True, bias=True)
    xw = x @ W
    deg = jax.ops.segment_sum(
        jnp.ones_like(dst, dtype=xw.dtype), dst, num_segments=num_nodes
    )
    dinv = jnp.where(deg > 0, 1.0 / jnp.sqrt(deg), 0.0)
    norm = dinv[src] * dinv[dst]
    msgs = norm[:, None] * jnp.take(xw, src, axis=0)
    out = jax.ops.segment_sum(msgs, dst, num_segments=num_nodes)
    return out + b


def reference(x, edge_index, W1, b1, W2, b2):
    num_nodes = x.shape[0]
    loop = jnp.arange(num_nodes, dtype=edge_index.dtype)
    src = jnp.concatenate([edge_index[0], loop])
    dst = jnp.concatenate([edge_index[1], loop])
    h = _gcn_conv(x, src, dst, W1, b1, num_nodes)
    h = jax.nn.relu(h)
    # F.dropout with training=False is identity (eval mode)
    h = _gcn_conv(h, src, dst, W2, b2, num_nodes)
    return jnp.mean(h, axis=0)

if __name__ == "__main__":
    import jax
    _d = setup_inputs()
    print(jax.jit(kernel)(*tuple(_d.values())))

</pallas_src>

<mosaic_0001>
#map = affine_map<(d0, d1) -> (0)>
#map1 = affine_map<(d0, d1) -> (0, 0)>
module attributes {stable_mosaic.version = 14 : i64} {
  func.func @_deg_body(%arg0: i32, %arg1: i32, %arg2: memref<1600000xi32, #tpu.memory_space<hbm>>, %arg3: memref<100352xf32, #tpu.memory_space<hbm>>, %arg4: memref<10000xf32, #tpu.memory_space<hbm>>, %arg5: memref<2x100352xf32, #tpu.memory_space<hbm>>, %arg6: memref<100352xf32, #tpu.memory_space<vmem_shared>>, %arg7: memref<6272xf32, #tpu.memory_space<vmem>>, %arg8: memref<10000xi32, #tpu.memory_space<vmem>>, %arg9: memref<10000xf32, #tpu.memory_space<vmem>>) attributes {dimension_semantics = [#tpu.dimension_semantics<core_parallel>, #tpu.dimension_semantics<subcore_parallel>], iteration_bounds = array<i64: 2, 16>, scalar_prefetch = 0 : i64, scratch_operands = 4 : i64, tpu.core_type = #tpu.core_type<sc_vector_subcore>, window_params = [{transform_indices = #map}, {transform_indices = #map}, {transform_indices = #map}, {transform_indices = #map1}]} {
    %mul3A = arith.constant 6272 : i32
    %mul3A_0 = arith.muli %arg1, %mul3A : i32
    "tpu.region"() ({
      %run_scoped3A = tpu.sem_alloc : memref<!tpu.dma_semaphore, #tpu.memory_space<semaphore_mem>>
      %dma_start3A = tpu.memref_slice %arg3[%mul3A_0] : memref<100352xf32, #tpu.memory_space<hbm>> -> memref<6272xf32, #tpu.memory_space<hbm>>
      %dma_start3A_16 = tpu.memref_slice %arg3[%mul3A_0] : memref<100352xf32, #tpu.memory_space<hbm>> -> memref<6272xf32, #tpu.memory_space<hbm>>
      tpu.enqueue_dma source(%dma_start3A_16 : memref<6272xf32, #tpu.memory_space<hbm>>) target(%arg7 : memref<6272xf32, #tpu.memory_space<vmem>>) target_semaphore(%run_scoped3A : memref<!tpu.dma_semaphore, #tpu.memory_space<semaphore_mem>>)
      %dma_wait3A = tpu.memref_slice %arg3[%mul3A_0] : memref<100352xf32, #tpu.memory_space<hbm>> -> memref<6272xf32, #tpu.memory_space<hbm>>
      %dma_wait3A_17 = tpu.memref_slice %arg3[%mul3A_0] : memref<100352xf32, #tpu.memory_space<hbm>> -> memref<6272xf32, #tpu.memory_space<hbm>>
      tpu.wait_dma2 semaphore(%run_scoped3A : memref<!tpu.dma_semaphore, #tpu.memory_space<semaphore_mem>>) src(%dma_wait3A_17 : memref<6272xf32, #tpu.memory_space<hbm>>) dst(%arg7 : memref<6272xf32, #tpu.memory_space<vmem>>)
      tpu.yield
    }) : () -> ()
    "tpu.region"() ({
      %run_scoped3A = tpu.sem_alloc : memref<!tpu.dma_semaphore, #tpu.memory_space<semaphore_mem>>
      %dma_start3A = tpu.memref_slice %arg6[%mul3A_0] : memref<100352xf32, #tpu.memory_space<vmem_shared>> -> memref<6272xf32, #tpu.memory_space<vmem_shared>>
      %dma_start3A_16 = tpu.memref_slice %arg6[%mul3A_0] : memref<100352xf32, #tpu.memory_space<vmem_shared>> -> memref<6272xf32, #tpu.memory_space<vmem_shared>>
      tpu.enqueue_dma source(%arg7 : memref<6272xf32, #tpu.memory_space<vmem>>) target(%dma_start3A_16 : memref<6272xf32, #tpu.memory_space<vmem_shared>>) target_semaphore(%run_scoped3A : memref<!tpu.dma_semaphore, #tpu.memory_space<semaphore_mem>>)
      %dma_wait3A = tpu.memref_slice %arg6[%mul3A_0] : memref<100352xf32, #tpu.memory_space<vmem_shared>> -> memref<6272xf32, #tpu.memory_space<vmem_shared>>
      %dma_wait3A_17 = tpu.memref_slice %arg6[%mul3A_0] : memref<100352xf32, #tpu.memory_space<vmem_shared>> -> memref<6272xf32, #tpu.memory_space<vmem_shared>>
      tpu.wait_dma2 semaphore(%run_scoped3A : memref<!tpu.dma_semaphore, #tpu.memory_space<semaphore_mem>>) src(%arg7 : memref<6272xf32, #tpu.memory_space<vmem>>) dst(%dma_wait3A_17 : memref<6272xf32, #tpu.memory_space<vmem_shared>>)
      tpu.yield
    }) : () -> ()
    "tpu.region"() ({
      %run_scoped3A = tpu.sem_alloc : memref<!tpu.dma_semaphore, #tpu.memory_space<semaphore_mem>>
      tpu.enqueue_dma source(%arg4 : memref<10000xf32, #tpu.memory_space<hbm>>) target(%arg9 : memref<10000xf32, #tpu.memory_space<vmem>>) target_semaphore(%run_scoped3A : memref<!tpu.dma_semaphore, #tpu.memory_space<semaphore_mem>>)
      tpu.wait_dma2 semaphore(%run_scoped3A : memref<!tpu.dma_semaphore, #tpu.memory_space<semaphore_mem>>) src(%arg4 : memref<10000xf32, #tpu.memory_space<hbm>>) dst(%arg9 : memref<10000xf32, #tpu.memory_space<vmem>>)
      tpu.yield
    }) : () -> ()
    %barrier3A = arith.constant 0 : index
    tpu.barrier barrier_id(%barrier3A)
    %mul3A_1 = arith.constant 16 : i32
    %mul3A_2 = arith.muli %arg0, %mul3A_1 : i32
    %add3A = arith.addi %mul3A_2, %arg1 : i32
    %mul3A_3 = arith.constant 50000 : i32
    %mul3A_4 = arith.muli %add3A, %mul3A_3 : i32
    %add3A_5 = arith.constant 0 : i32
    %add3A_6 = arith.addi %mul3A_4, %add3A_5 : i32
    "tpu.region"() ({
      %run_scoped3A = tpu.sem_alloc : memref<!tpu.dma_semaphore, #tpu.memory_space<semaphore_mem>>
      %dma_start3A = tpu.memref_slice %arg2[%add3A_6] : memref<1600000xi32, #tpu.memory_space<hbm>> -> memref<10000xi32, #tpu.memory_space<hbm>>
      %dma_start3A_16 = tpu.memref_slice %arg2[%add3A_6] : memref<1600000xi32, #tpu.memory_space<hbm>> -> memref<10000xi32, #tpu.memory_space<hbm>>
      tpu.enqueue_dma source(%dma_start3A_16 : memref<10000xi32, #tpu.memory_space<hbm>>) target(%arg8 : memref<10000xi32, #tpu.memory_space<vmem>>) target_semaphore(%run_scoped3A : memref<!tpu.dma_semaphore, #tpu.memory_space<semaphore_mem>>)
      %dma_wait3A = tpu.memref_slice %arg2[%add3A_6] : memref<1600000xi32, #tpu.memory_space<hbm>> -> memref<10000xi32, #tpu.memory_space<hbm>>
      %dma_wait3A_17 = tpu.memref_slice %arg2[%add3A_6] : memref<1600000xi32, #tpu.memory_space<hbm>> -> memref<10000xi32, #tpu.memory_space<hbm>>
      tpu.wait_dma2 semaphore(%run_scoped3A : memref<!tpu.dma_semaphore, #tpu.memory_space<semaphore_mem>>) src(%dma_wait3A_17 : memref<10000xi32, #tpu.memory_space<hbm>>) dst(%arg8 : memref<10000xi32, #tpu.memory_space<vmem>>)
      tpu.yield
    }) : () -> ()
    "tpu.region"() ({
      %run_scoped3A = tpu.sem_alloc : memref<!tpu.dma_semaphore, #tpu.memory_space<semaphore_mem>>
      %dma_start3A = arith.constant 0 : i32
      %dma_start3A_16 = tpu.memref_slice %arg6[%dma_start3A] : memref<100352xf32, #tpu.memory_space<vmem_shared>> -> memref<100352xf32, #tpu.memory_space<vmem_shared>>
      tpu.enqueue_indirect_dma source(%arg9 : memref<10000xf32, #tpu.memory_space<vmem>>) target(%dma_start3A_16 : memref<100352xf32, #tpu.memory_space<vmem_shared>>) offsets(%arg8 : memref<10000xi32, #tpu.memory_space<vmem>>) semaphore(%run_scoped3A : memref<!tpu.dma_semaphore, #tpu.memory_space<semaphore_mem>>) {add = true}
      %dma_wait3A = arith.constant 0 : i32
      %dma_wait3A_17 = tpu.memref_slice %arg6[%dma_wait3A] : memref<100352xf32, #tpu.memory_space<vmem_shared>> -> memref<100352xf32, #tpu.memory_space<vmem_shared>>
      tpu.wait_indirect_dma semaphore(%run_scoped3A : memref<!tpu.dma_semaphore, #tpu.memory_space<semaphore_mem>>) src(%arg9 : memref<10000xf32, #tpu.memory_space<vmem>>) dst(%dma_wait3A_17 : memref<100352xf32, #tpu.memory_space<vmem_shared>>)
      tpu.yield
    }) : () -> ()
    %add3A_7 = arith.constant 10000 : i32
    %add3A_8 = arith.addi %mul3A_4, %add3A_7 : i32
    "tpu.region"() ({
      %run_scoped3A = tpu.sem_alloc : memref<!tpu.dma_semaphore, #tpu.memory_space<semaphore_mem>>
      %dma_start3A = tpu.memref_slice %arg2[%add3A_8] : memref<1600000xi32, #tpu.memory_space<hbm>> -> memref<10000xi32, #tpu.memory_space<hbm>>
      %dma_start3A_16 = tpu.memref_slice %arg2[%add3A_8] : memref<1600000xi32, #tpu.memory_space<hbm>> -> memref<10000xi32, #tpu.memory_space<hbm>>
      tpu.enqueue_dma source(%dma_start3A_16 : memref<10000xi32, #tpu.memory_space<hbm>>) target(%arg8 : memref<10000xi32, #tpu.memory_space<vmem>>) target_semaphore(%run_scoped3A : memref<!tpu.dma_semaphore, #tpu.memory_space<semaphore_mem>>)
      %dma_wait3A = tpu.memref_slice %arg2[%add3A_8] : memref<1600000xi32, #tpu.memory_space<hbm>> -> memref<10000xi32, #tpu.memory_space<hbm>>
      %dma_wait3A_17 = tpu.memref_slice %arg2[%add3A_8] : memref<1600000xi32, #tpu.memory_space<hbm>> -> memref<10000xi32, #tpu.memory_space<hbm>>
      tpu.wait_dma2 semaphore(%run_scoped3A : memref<!tpu.dma_semaphore, #tpu.memory_space<semaphore_mem>>) src(%dma_wait3A_17 : memref<10000xi32, #tpu.memory_space<hbm>>) dst(%arg8 : memref<10000xi32, #tpu.memory_space<vmem>>)
      tpu.yield
    }) : () -> ()
    "tpu.region"() ({
      %run_scoped3A = tpu.sem_alloc : memref<!tpu.dma_semaphore, #tpu.memory_space<semaphore_mem>>
      %dma_start3A = arith.constant 0 : i32
      %dma_start3A_16 = tpu.memref_slice %arg6[%dma_start3A] : memref<100352xf32, #tpu.memory_space<vmem_shared>> -> memref<100352xf32, #tpu.memory_space<vmem_shared>>
      tpu.enqueue_indirect_dma source(%arg9 : memref<10000xf32, #tpu.memory_space<vmem>>) target(%dma_start3A_16 : memref<100352xf32, #tpu.memory_space<vmem_shared>>) offsets(%arg8 : memref<10000xi32, #tpu.memory_space<vmem>>) semaphore(%run_scoped3A : memref<!tpu.dma_semaphore, #tpu.memory_space<semaphore_mem>>) {add = true}
      %dma_wait3A = arith.constant 0 : i32
      %dma_wait3A_17 = tpu.memref_slice %arg6[%dma_wait3A] : memref<100352xf32, #tpu.memory_space<vmem_shared>> -> memref<100352xf32, #tpu.memory_space<vmem_shared>>
      tpu.wait_indirect_dma semaphore(%run_scoped3A : memref<!tpu.dma_semaphore, #tpu.memory_space<semaphore_mem>>) src(%arg9 : memref<10000xf32, #tpu.memory_space<vmem>>) dst(%dma_wait3A_17 : memref<100352xf32, #tpu.memory_space<vmem_shared>>)
      tpu.yield
    }) : () -> ()
    %add3A_9 = arith.constant 20000 : i32
    %add3A_10 = arith.addi %mul3A_4, %add3A_9 : i32
    "tpu.region"() ({
      %run_scoped3A = tpu.sem_alloc : memref<!tpu.dma_semaphore, #tpu.memory_space<semaphore_mem>>
      %dma_start3A = tpu.memref_slice %arg2[%add3A_10] : memref<1600000xi32, #tpu.memory_space<hbm>> -> memref<10000xi32, #tpu.memory_space<hbm>>
      %dma_start3A_16 = tpu.memref_slice %arg2[%add3A_10] : memref<1600000xi32, #tpu.memory_space<hbm>> -> memref<10000xi32, #tpu.memory_space<hbm>>
      tpu.enqueue_dma source(%dma_start3A_16 : memref<10000xi32, #tpu.memory_space<hbm>>) target(%arg8 : memref<10000xi32, #tpu.memory_space<vmem>>) target_semaphore(%run_scoped3A : memref<!tpu.dma_semaphore, #tpu.memory_space<semaphore_mem>>)
      %dma_wait3A = tpu.memref_slice %arg2[%add3A_10] : memref<1600000xi32, #tpu.memory_space<hbm>> -> memref<10000xi32, #tpu.memory_space<hbm>>
      %dma_wait3A_17 = tpu.memref_slice %arg2[%add3A_10] : memref<1600000xi32, #tpu.memory_space<hbm>> -> memref<10000xi32, #tpu.memory_space<hbm>>
      tpu.wait_dma2 semaphore(%run_scoped3A : memref<!tpu.dma_semaphore, #tpu.memory_space<semaphore_mem>>) src(%dma_wait3A_17 : memref<10000xi32, #tpu.memory_space<hbm>>) dst(%arg8 : memref<10000xi32, #tpu.memory_space<vmem>>)
      tpu.yield
    }) : () -> ()
    "tpu.region"() ({
      %run_scoped3A = tpu.sem_alloc : memref<!tpu.dma_semaphore, #tpu.memory_space<semaphore_mem>>
      %dma_start3A = arith.constant 0 : i32
      %dma_start3A_16 = tpu.memref_slice %arg6[%dma_start3A] : memref<100352xf32, #tpu.memory_space<vmem_shared>> -> memref<100352xf32, #tpu.memory_space<vmem_shared>>
      tpu.enqueue_indirect_dma source(%arg9 : memref<10000xf32, #tpu.memory_space<vmem>>) target(%dma_start3A_16 : memref<100352xf32, #tpu.memory_space<vmem_shared>>) offsets(%arg8 : memref<10000xi32, #tpu.memory_space<vmem>>) semaphore(%run_scoped3A : memref<!tpu.dma_semaphore, #tpu.memory_space<semaphore_mem>>) {add = true}
      %dma_wait3A = arith.constant 0 : i32
      %dma_wait3A_17 = tpu.memref_slice %arg6[%dma_wait3A] : memref<100352xf32, #tpu.memory_space<vmem_shared>> -> memref<100352xf32, #tpu.memory_space<vmem_shared>>
      tpu.wait_indirect_dma semaphore(%run_scoped3A : memref<!tpu.dma_semaphore, #tpu.memory_space<semaphore_mem>>) src(%arg9 : memref<10000xf32, #tpu.memory_space<vmem>>) dst(%dma_wait3A_17 : memref<100352xf32, #tpu.memory_space<vmem_shared>>)
      tpu.yield
    }) : () -> ()
    %add3A_11 = arith.constant 30000 : i32
    %add3A_12 = arith.addi %mul3A_4, %add3A_11 : i32
    "tpu.region"() ({
      %run_scoped3A = tpu.sem_alloc : memref<!tpu.dma_semaphore, #tpu.memory_space<semaphore_mem>>
      %dma_start3A = tpu.memref_slice %arg2[%add3A_12] : memref<1600000xi32, #tpu.memory_space<hbm>> -> memref<10000xi32, #tpu.memory_space<hbm>>
      %dma_start3A_16 = tpu.memref_slice %arg2[%add3A_12] : memref<1600000xi32, #tpu.memory_space<hbm>> -> memref<10000xi32, #tpu.memory_space<hbm>>
      tpu.enqueue_dma source(%dma_start3A_16 : memref<10000xi32, #tpu.memory_space<hbm>>) target(%arg8 : memref<10000xi32, #tpu.memory_space<vmem>>) target_semaphore(%run_scoped3A : memref<!tpu.dma_semaphore, #tpu.memory_space<semaphore_mem>>)
      %dma_wait3A = tpu.memref_slice %arg2[%add3A_12] : memref<1600000xi32, #tpu.memory_space<hbm>> -> memref<10000xi32, #tpu.memory_space<hbm>>
      %dma_wait3A_17 = tpu.memref_slice %arg2[%add3A_12] : memref<1600000xi32, #tpu.memory_space<hbm>> -> memref<10000xi32, #tpu.memory_space<hbm>>
      tpu.wait_dma2 semaphore(%run_scoped3A : memref<!tpu.dma_semaphore, #tpu.memory_space<semaphore_mem>>) src(%dma_wait3A_17 : memref<10000xi32, #tpu.memory_space<hbm>>) dst(%arg8 : memref<10000xi32, #tpu.memory_space<vmem>>)
      tpu.yield
    }) : () -> ()
    "tpu.region"() ({
      %run_scoped3A = tpu.sem_alloc : memref<!tpu.dma_semaphore, #tpu.memory_space<semaphore_mem>>
      %dma_start3A = arith.constant 0 : i32
      %dma_start3A_16 = tpu.memref_slice %arg6[%dma_start3A] : memref<100352xf32, #tpu.memory_space<vmem_shared>> -> memref<100352xf32, #tpu.memory_space<vmem_shared>>
      tpu.enqueue_indirect_dma source(%arg9 : memref<10000xf32, #tpu.memory_space<vmem>>) target(%dma_start3A_16 : memref<100352xf32, #tpu.memory_space<vmem_shared>>) offsets(%arg8 : memref<10000xi32, #tpu.memory_space<vmem>>) semaphore(%run_scoped3A : memref<!tpu.dma_semaphore, #tpu.memory_space<semaphore_mem>>) {add = true}
      %dma_wait3A = arith.constant 0 : i32
      %dma_wait3A_17 = tpu.memref_slice %arg6[%dma_wait3A] : memref<100352xf32, #tpu.memory_space<vmem_shared>> -> memref<100352xf32, #tpu.memory_space<vmem_shared>>
      tpu.wait_indirect_dma semaphore(%run_scoped3A : memref<!tpu.dma_semaphore, #tpu.memory_space<semaphore_mem>>) src(%arg9 : memref<10000xf32, #tpu.memory_space<vmem>>) dst(%dma_wait3A_17 : memref<100352xf32, #tpu.memory_space<vmem_shared>>)
      tpu.yield
    }) : () -> ()
    %add3A_13 = arith.constant 40000 : i32
    %add3A_14 = arith.addi %mul3A_4, %add3A_13 : i32
    "tpu.region"() ({
      %run_scoped3A = tpu.sem_alloc : memref<!tpu.dma_semaphore, #tpu.memory_space<semaphore_mem>>
      %dma_start3A = tpu.memref_slice %arg2[%add3A_14] : memref<1600000xi32, #tpu.memory_space<hbm>> -> memref<10000xi32, #tpu.memory_space<hbm>>
      %dma_start3A_16 = tpu.memref_slice %arg2[%add3A_14] : memref<1600000xi32, #tpu.memory_space<hbm>> -> memref<10000xi32, #tpu.memory_space<hbm>>
      tpu.enqueue_dma source(%dma_start3A_16 : memref<10000xi32, #tpu.memory_space<hbm>>) target(%arg8 : memref<10000xi32, #tpu.memory_space<vmem>>) target_semaphore(%run_scoped3A : memref<!tpu.dma_semaphore, #tpu.memory_space<semaphore_mem>>)
      %dma_wait3A = tpu.memref_slice %arg2[%add3A_14] : memref<1600000xi32, #tpu.memory_space<hbm>> -> memref<10000xi32, #tpu.memory_space<hbm>>
      %dma_wait3A_17 = tpu.memref_slice %arg2[%add3A_14] : memref<1600000xi32, #tpu.memory_space<hbm>> -> memref<10000xi32, #tpu.memory_space<hbm>>
      tpu.wait_dma2 semaphore(%run_scoped3A : memref<!tpu.dma_semaphore, #tpu.memory_space<semaphore_mem>>) src(%dma_wait3A_17 : memref<10000xi32, #tpu.memory_space<hbm>>) dst(%arg8 : memref<10000xi32, #tpu.memory_space<vmem>>)
      tpu.yield
    }) : () -> ()
    "tpu.region"() ({
      %run_scoped3A = tpu.sem_alloc : memref<!tpu.dma_semaphore, #tpu.memory_space<semaphore_mem>>
      %dma_start3A = arith.constant 0 : i32
      %dma_start3A_16 = tpu.memref_slice %arg6[%dma_start3A] : memref<100352xf32, #tpu.memory_space<vmem_shared>> -> memref<100352xf32, #tpu.memory_space<vmem_shared>>
      tpu.enqueue_indirect_dma source(%arg9 : memref<10000xf32, #tpu.memory_space<vmem>>) target(%dma_start3A_16 : memref<100352xf32, #tpu.memory_space<vmem_shared>>) offsets(%arg8 : memref<10000xi32, #tpu.memory_space<vmem>>) semaphore(%run_scoped3A : memref<!tpu.dma_semaphore, #tpu.memory_space<semaphore_mem>>) {add = true}
      %dma_wait3A = arith.constant 0 : i32
      %dma_wait3A_17 = tpu.memref_slice %arg6[%dma_wait3A] : memref<100352xf32, #tpu.memory_space<vmem_shared>> -> memref<100352xf32, #tpu.memory_space<vmem_shared>>
      tpu.wait_indirect_dma semaphore(%run_scoped3A : memref<!tpu.dma_semaphore, #tpu.memory_space<semaphore_mem>>) src(%arg9 : memref<10000xf32, #tpu.memory_space<vmem>>) dst(%dma_wait3A_17 : memref<100352xf32, #tpu.memory_space<vmem_shared>>)
      tpu.yield
    }) : () -> ()
    %barrier3A_15 = arith.constant 0 : index
    tpu.barrier barrier_id(%barrier3A_15)
    "tpu.region"() ({
      %run_scoped3A = tpu.sem_alloc : memref<!tpu.dma_semaphore, #tpu.memory_space<semaphore_mem>>
      %dma_start3A = tpu.memref_slice %arg6[%mul3A_0] : memref<100352xf32, #tpu.memory_space<vmem_shared>> -> memref<6272xf32, #tpu.memory_space<vmem_shared>>
      %dma_start3A_16 = tpu.memref_slice %arg6[%mul3A_0] : memref<100352xf32, #tpu.memory_space<vmem_shared>> -> memref<6272xf32, #tpu.memory_space<vmem_shared>>
      tpu.enqueue_dma source(%dma_start3A_16 : memref<6272xf32, #tpu.memory_space<vmem_shared>>) target(%arg7 : memref<6272xf32, #tpu.memory_space<vmem>>) target_semaphore(%run_scoped3A : memref<!tpu.dma_semaphore, #tpu.memory_space<semaphore_mem>>)
      %dma_wait3A = tpu.memref_slice %arg6[%mul3A_0] : memref<100352xf32, #tpu.memory_space<vmem_shared>> -> memref<6272xf32, #tpu.memory_space<vmem_shared>>
      %dma_wait3A_17 = tpu.memref_slice %arg6[%mul3A_0] : memref<100352xf32, #tpu.memory_space<vmem_shared>> -> memref<6272xf32, #tpu.memory_space<vmem_shared>>
      tpu.wait_dma2 semaphore(%run_scoped3A : memref<!tpu.dma_semaphore, #tpu.memory_space<semaphore_mem>>) src(%dma_wait3A_17 : memref<6272xf32, #tpu.memory_space<vmem_shared>>) dst(%arg7 : memref<6272xf32, #tpu.memory_space<vmem>>)
      tpu.yield
    }) : () -> ()
    "tpu.region"() ({
      %run_scoped3A = tpu.sem_alloc : memref<!tpu.dma_semaphore, #tpu.memory_space<semaphore_mem>>
      %dma_start3A = tpu.memref_slice %arg5[%arg0, %mul3A_0] : memref<2x100352xf32, #tpu.memory_space<hbm>> -> memref<1x6272xf32, #tpu.memory_space<hbm>>
      %dma_start3A_16 = tpu.memref_squeeze %dma_start3A : memref<1x6272xf32, #tpu.memory_space<hbm>> -> memref<6272xf32, #tpu.memory_space<hbm>>
      %dma_start3A_17 = tpu.memref_slice %arg5[%arg0, %mul3A_0] : memref<2x100352xf32, #tpu.memory_space<hbm>> -> memref<1x6272xf32, #tpu.memory_space<hbm>>
      %dma_start3A_18 = tpu.memref_squeeze %dma_start3A_17 : memref<1x6272xf32, #tpu.memory_space<hbm>> -> memref<6272xf32, #tpu.memory_space<hbm>>
      tpu.enqueue_dma source(%arg7 : memref<6272xf32, #tpu.memory_space<vmem>>) target(%dma_start3A_18 : memref<6272xf32, #tpu.memory_space<hbm>>) target_semaphore(%run_scoped3A : memref<!tpu.dma_semaphore, #tpu.memory_space<semaphore_mem>>)
      %dma_wait3A = tpu.memref_slice %arg5[%arg0, %mul3A_0] : memref<2x100352xf32, #tpu.memory_space<hbm>> -> memref<1x6272xf32, #tpu.memory_space<hbm>>
      %dma_wait3A_19 = tpu.memref_squeeze %dma_wait3A : memref<1x6272xf32, #tpu.memory_space<hbm>> -> memref<6272xf32, #tpu.memory_space<hbm>>
      %dma_wait3A_20 = tpu.memref_slice %arg5[%arg0, %mul3A_0] : memref<2x100352xf32, #tpu.memory_space<hbm>> -> memref<1x6272xf32, #tpu.memory_space<hbm>>
      %dma_wait3A_21 = tpu.memref_squeeze %dma_wait3A_20 : memref<1x6272xf32, #tpu.memory_space<hbm>> -> memref<6272xf32, #tpu.memory_space<hbm>>
      tpu.wait_dma2 semaphore(%run_scoped3A : memref<!tpu.dma_semaphore, #tpu.memory_space<semaphore_mem>>) src(%arg7 : memref<6272xf32, #tpu.memory_space<vmem>>) dst(%dma_wait3A_21 : memref<6272xf32, #tpu.memory_space<hbm>>)
      tpu.yield
    }) : () -> ()
    return
  }
}

#map = affine_map<(d0, d1) -> (0)>
#map1 = affine_map<(d0, d1) -> (0, 0)>
module attributes {stable_mosaic.version = 14 : i64} {
  func.func @_edge_body(%arg0: i32, %arg1: i32, %arg2: memref<1600000xi32, #tpu.memory_space<hbm>>, %arg3: memref<1600000xi32, #tpu.memory_space<hbm>>, %arg4: memref<100352xf32, #tpu.memory_space<hbm>>, %arg5: memref<100352xf32, #tpu.memory_space<hbm>>, %arg6: memref<100352xf32, #tpu.memory_space<hbm>>, %arg7: memref<100352xf32, #tpu.memory_space<hbm>>, %arg8: memref<100352xf32, #tpu.memory_space<hbm>>, %arg9: memref<100352xf32, #tpu.memory_space<hbm>>, %arg10: memref<2x100352xf32, #tpu.memory_space<hbm>>, %arg11: memref<2x100352xf32, #tpu.memory_space<hbm>>, %arg12: memref<2x100352xf32, #tpu.memory_space<hbm>>, %arg13: memref<2x100352xf32, #tpu.memory_space<hbm>>, %arg14: memref<2x100352xf32, #tpu.memory_space<hbm>>, %arg15: memref<100352xf32, #tpu.memory_space<vmem_shared>>, %arg16: memref<100352xf32, #tpu.memory_space<vmem_shared>>, %arg17: memref<100352xf32, #tpu.memory_space<vmem_shared>>, %arg18: memref<100352xf32, #tpu.memory_space<vmem_shared>>, %arg19: memref<100352xf32, #tpu.memory_space<vmem_shared>>, %arg20: memref<100352xf32, #tpu.memory_space<vmem_shared>>, %arg21: memref<6272xf32, #tpu.memory_space<vmem>>, %arg22: memref<10000xi32, #tpu.memory_space<vmem>>, %arg23: memref<10000xi32, #tpu.memory_space<vmem>>, %arg24: memref<10000xf32, #tpu.memory_space<vmem>>, %arg25: memref<10000xf32, #tpu.memory_space<vmem>>, %arg26: memref<10000xf32, #tpu.memory_space<vmem>>, %arg27: memref<10000xf32, #tpu.memory_space<vmem>>, %arg28: memref<10000xf32, #tpu.memory_space<vmem>>) attributes {dimension_semantics = [#tpu.dimension_semantics<core_parallel>, #tpu.dimension_semantics<subcore_parallel>], iteration_bounds = array<i64: 2, 16>, scalar_prefetch = 0 : i64, scratch_operands = 14 : i64, tpu.core_type = #tpu.core_type<sc_vector_subcore>, window_params = [{transform_indices = #map}, {transform_indices = #map}, {transform_indices = #map}, {transform_indices = #map}, {transform_indices = #map}, {transform_indices = #map}, {transform_indices = #map}, {transform_indices = #map}, {transform_indices = #map1}, {transform_indices = #map1}, {transform_indices = #map1}, {transform_indices = #map1}, {transform_indices = #map1}]} {
    %mul3A = arith.constant 6272 : i32
    %mul3A_0 = arith.muli %arg1, %mul3A : i32
    "tpu.region"() ({
      %run_scoped3A = tpu.sem_alloc : memref<!tpu.dma_semaphore, #tpu.memory_space<semaphore_mem>>
      %dma_start3A = tpu.memref_slice %arg9[%mul3A_0] : memref<100352xf32, #tpu.memory_space<hbm>> -> memref<6272xf32, #tpu.memory_space<hbm>>
      %dma_start3A_16 = tpu.memref_slice %arg9[%mul3A_0] : memref<100352xf32, #tpu.memory_space<hbm>> -> memref<6272xf32, #tpu.memory_space<hbm>>
      tpu.enqueue_dma source(%dma_start3A_16 : memref<6272xf32, #tpu.memory_space<hbm>>) target(%arg21 : memref<6272xf32, #tpu.memory_space<vmem>>) target_semaphore(%run_scoped3A : memref<!tpu.dma_semaphore, #tpu.memory_space<semaphore_mem>>)
      %dma_wait3A = tpu.memref_slice %arg9[%mul3A_0] : memref<100352xf32, #tpu.memory_space<hbm>> -> memref<6272xf32, #tpu.memory_space<hbm>>
      %dma_wait3A_17 = tpu.memref_slice %arg9[%mul3A_0] : memref<100352xf32, #tpu.memory_space<hbm>> -> memref<6272xf32, #tpu.memory_space<hbm>>
      tpu.wait_dma2 semaphore(%run_scoped3A : memref<!tpu.dma_semaphore, #tpu.memory_space<semaphore_mem>>) src(%dma_wait3A_17 : memref<6272xf32, #tpu.memory_space<hbm>>) dst(%arg21 : memref<6272xf32, #tpu.memory_space<vmem>>)
      tpu.yield
    }) : () -> ()
    "tpu.region"() ({
      %run_scoped3A = tpu.sem_alloc : memref<!tpu.dma_semaphore, #tpu.memory_space<semaphore_mem>>
      %dma_start3A = tpu.memref_slice %arg16[%mul3A_0] : memref<100352xf32, #tpu.memory_space<vmem_shared>> -> memref<6272xf32, #tpu.memory_space<vmem_shared>>
      %dma_start3A_16 = tpu.memref_slice %arg16[%mul3A_0] : memref<100352xf32, #tpu.memory_space<vmem_shared>> -> memref<6272xf32, #tpu.memory_space<vmem_shared>>
      tpu.enqueue_dma source(%arg21 : memref<6272xf32, #tpu.memory_space<vmem>>) target(%dma_start3A_16 : memref<6272xf32, #tpu.memory_space<vmem_shared>>) target_semaphore(%run_scoped3A : memref<!tpu.dma_semaphore, #tpu.memory_space<semaphore_mem>>)
      %dma_wait3A = tpu.memref_slice %arg16[%mul3A_0] : memref<100352xf32, #tpu.memory_space<vmem_shared>> -> memref<6272xf32, #tpu.memory_space<vmem_shared>>
      %dma_wait3A_17 = tpu.memref_slice %arg16[%mul3A_0] : memref<100352xf32, #tpu.memory_space<vmem_shared>> -> memref<6272xf32, #tpu.memory_space<vmem_shared>>
      tpu.wait_dma2 semaphore(%run_scoped3A : memref<!tpu.dma_semaphore, #tpu.memory_space<semaphore_mem>>) src(%arg21 : memref<6272xf32, #tpu.memory_space<vmem>>) dst(%dma_wait3A_17 : memref<6272xf32, #tpu.memory_space<vmem_shared>>)
      tpu.yield
    }) : () -> ()
    "tpu.region"() ({
      %run_scoped3A = tpu.sem_alloc : memref<!tpu.dma_semaphore, #tpu.memory_space<semaphore_mem>>
      %dma_start3A = tpu.memref_slice %arg17[%mul3A_0] : memref<100352xf32, #tpu.memory_space<vmem_shared>> -> memref<6272xf32, #tpu.memory_space<vmem_shared>>
      %dma_start3A_16 = tpu.memref_slice %arg17[%mul3A_0] : memref<100352xf32, #tpu.memory_space<vmem_shared>> -> memref<6272xf32, #tpu.memory_space<vmem_shared>>
      tpu.enqueue_dma source(%arg21 : memref<6272xf32, #tpu.memory_space<vmem>>) target(%dma_start3A_16 : memref<6272xf32, #tpu.memory_space<vmem_shared>>) target_semaphore(%run_scoped3A : memref<!tpu.dma_semaphore, #tpu.memory_space<semaphore_mem>>)
      %dma_wait3A = tpu.memref_slice %arg17[%mul3A_0] : memref<100352xf32, #tpu.memory_space<vmem_shared>> -> memref<6272xf32, #tpu.memory_space<vmem_shared>>
      %dma_wait3A_17 = tpu.memref_slice %arg17[%mul3A_0] : memref<100352xf32, #tpu.memory_space<vmem_shared>> -> memref<6272xf32, #tpu.memory_space<vmem_shared>>
      tpu.wait_dma2 semaphore(%run_scoped3A : memref<!tpu.dma_semaphore, #tpu.memory_space<semaphore_mem>>) src(%arg21 : memref<6272xf32, #tpu.memory_space<vmem>>) dst(%dma_wait3A_17 : memref<6272xf32, #tpu.memory_space<vmem_shared>>)
      tpu.yield
    }) : () -> ()
    "tpu.region"() ({
      %run_scoped3A = tpu.sem_alloc : memref<!tpu.dma_semaphore, #tpu.memory_space<semaphore_mem>>
      %dma_start3A = tpu.memref_slice %arg18[%mul3A_0] : memref<100352xf32, #tpu.memory_space<vmem_shared>> -> memref<6272xf32, #tpu.memory_space<vmem_shared>>
      %dma_start3A_16 = tpu.memref_slice %arg18[%mul3A_0] : memref<100352xf32, #tpu.memory_space<vmem_shared>> -> memref<6272xf32, #tpu.memory_space<vmem_shared>>
      tpu.enqueue_dma source(%arg21 : memref<6272xf32, #tpu.memory_space<vmem>>) target(%dma_start3A_16 : memref<6272xf32, #tpu.memory_space<vmem_shared>>) target_semaphore(%run_scoped3A : memref<!tpu.dma_semaphore, #tpu.memory_space<semaphore_mem>>)
      %dma_wait3A = tpu.memref_slice %arg18[%mul3A_0] : memref<100352xf32, #tpu.memory_space<vmem_shared>> -> memref<6272xf32, #tpu.memory_space<vmem_shared>>
      %dma_wait3A_17 = tpu.memref_slice %arg18[%mul3A_0] : memref<100352xf32, #tpu.memory_space<vmem_shared>> -> memref<6272xf32, #tpu.memory_space<vmem_shared>>
      tpu.wait_dma2 semaphore(%run_scoped3A : memref<!tpu.dma_semaphore, #tpu.memory_space<semaphore_mem>>) src(%arg21 : memref<6272xf32, #tpu.memory_space<vmem>>) dst(%dma_wait3A_17 : memref<6272xf32, #tpu.memory_space<vmem_shared>>)
      tpu.yield
    }) : () -> ()
    "tpu.region"() ({
      %run_scoped3A = tpu.sem_alloc : memref<!tpu.dma_semaphore, #tpu.memory_space<semaphore_mem>>
      %dma_start3A = tpu.memref_slice %arg19[%mul3A_0] : memref<100352xf32, #tpu.memory_space<vmem_shared>> -> memref<6272xf32, #tpu.memory_space<vmem_shared>>
      %dma_start3A_16 = tpu.memref_slice %arg19[%mul3A_0] : memref<100352xf32, #tpu.memory_space<vmem_shared>> -> memref<6272xf32, #tpu.memory_space<vmem_shared>>
      tpu.enqueue_dma source(%arg21 : memref<6272xf32, #tpu.memory_space<vmem>>) target(%dma_start3A_16 : memref<6272xf32, #tpu.memory_space<vmem_shared>>) target_semaphore(%run_scoped3A : memref<!tpu.dma_semaphore, #tpu.memory_space<semaphore_mem>>)
      %dma_wait3A = tpu.memref_slice %arg19[%mul3A_0] : memref<100352xf32, #tpu.memory_space<vmem_shared>> -> memref<6272xf32, #tpu.memory_space<vmem_shared>>
      %dma_wait3A_17 = tpu.memref_slice %arg19[%mul3A_0] : memref<100352xf32, #tpu.memory_space<vmem_shared>> -> memref<6272xf32, #tpu.memory_space<vmem_shared>>
      tpu.wait_dma2 semaphore(%run_scoped3A : memref<!tpu.dma_semaphore, #tpu.memory_space<semaphore_mem>>) src(%arg21 : memref<6272xf32, #tpu.memory_space<vmem>>) dst(%dma_wait3A_17 : memref<6272xf32, #tpu.memory_space<vmem_shared>>)
      tpu.yield
    }) : () -> ()
    "tpu.region"() ({
      %run_scoped3A = tpu.sem_alloc : memref<!tpu.dma_semaphore, #tpu.memory_space<semaphore_mem>>
      %dma_start3A = tpu.memref_slice %arg20[%mul3A_0] : memref<100352xf32, #tpu.memory_space<vmem_shared>> -> memref<6272xf32, #tpu.memory_space<vmem_shared>>
      %dma_start3A_16 = tpu.memref_slice %arg20[%mul3A_0] : memref<100352xf32, #tpu.memory_space<vmem_shared>> -> memref<6272xf32, #tpu.memory_space<vmem_shared>>
      tpu.enqueue_dma source(%arg21 : memref<6272xf32, #tpu.memory_space<vmem>>) target(%dma_start3A_16 : memref<6272xf32, #tpu.memory_space<vmem_shared>>) target_semaphore(%run_scoped3A : memref<!tpu.dma_semaphore, #tpu.memory_space<semaphore_mem>>)
      %dma_wait3A = tpu.memref_slice %arg20[%mul3A_0] : memref<100352xf32, #tpu.memory_space<vmem_shared>> -> memref<6272xf32, #tpu.memory_space<vmem_shared>>
      %dma_wait3A_17 = tpu.memref_slice %arg20[%mul3A_0] : memref<100352xf32, #tpu.memory_space<vmem_shared>> -> memref<6272xf32, #tpu.memory_space<vmem_shared>>
      tpu.wait_dma2 semaphore(%run_scoped3A : memref<!tpu.dma_semaphore, #tpu.memory_space<semaphore_mem>>) src(%arg21 : memref<6272xf32, #tpu.memory_space<vmem>>) dst(%dma_wait3A_17 : memref<6272xf32, #tpu.memory_space<vmem_shared>>)
      tpu.yield
    }) : () -> ()
    "tpu.region"() ({
      %run_scoped3A = tpu.sem_alloc : memref<!tpu.dma_semaphore, #tpu.memory_space<semaphore_mem>>
      %dma_start3A = tpu.memref_slice %arg8[%mul3A_0] : memref<100352xf32, #tpu.memory_space<hbm>> -> memref<6272xf32, #tpu.memory_space<hbm>>
      %dma_start3A_16 = tpu.memref_slice %arg8[%mul3A_0] : memref<100352xf32, #tpu.memory_space<hbm>> -> memref<6272xf32, #tpu.memory_space<hbm>>
      tpu.enqueue_dma source(%dma_start3A_16 : memref<6272xf32, #tpu.memory_space<hbm>>) target(%arg21 : memref<6272xf32, #tpu.memory_space<vmem>>) target_semaphore(%run_scoped3A : memref<!tpu.dma_semaphore, #tpu.memory_space<semaphore_mem>>)
      %dma_wait3A = tpu.memref_slice %arg8[%mul3A_0] : memref<100352xf32, #tpu.memory_space<hbm>> -> memref<6272xf32, #tpu.memory_space<hbm>>
      %dma_wait3A_17 = tpu.memref_slice %arg8[%mul3A_0] : memref<100352xf32, #tpu.memory_space<hbm>> -> memref<6272xf32, #tpu.memory_space<hbm>>
      tpu.wait_dma2 semaphore(%run_scoped3A : memref<!tpu.dma_semaphore, #tpu.memory_space<semaphore_mem>>) src(%dma_wait3A_17 : memref<6272xf32, #tpu.memory_space<hbm>>) dst(%arg21 : memref<6272xf32, #tpu.memory_space<vmem>>)
      tpu.yield
    }) : () -> ()
    "tpu.region"() ({
      %run_scoped3A = tpu.sem_alloc : memref<!tpu.dma_semaphore, #tpu.memory_space<semaphore_mem>>
      %dma_start3A = tpu.memref_slice %arg15[%mul3A_0] : memref<100352xf32, #tpu.memory_space<vmem_shared>> -> memref<6272xf32, #tpu.memory_space<vmem_shared>>
      %dma_start3A_16 = tpu.memref_slice %arg15[%mul3A_0] : memref<100352xf32, #tpu.memory_space<vmem_shared>> -> memref<6272xf32, #tpu.memory_space<vmem_shared>>
      tpu.enqueue_dma source(%arg21 : memref<6272xf32, #tpu.memory_space<vmem>>) target(%dma_start3A_16 : memref<6272xf32, #tpu.memory_space<vmem_shared>>) target_semaphore(%run_scoped3A : memref<!tpu.dma_semaphore, #tpu.memory_space<semaphore_mem>>)
      %dma_wait3A = tpu.memref_slice %arg15[%mul3A_0] : memref<100352xf32, #tpu.memory_space<vmem_shared>> -> memref<6272xf32, #tpu.memory_space<vmem_shared>>
      %dma_wait3A_17 = tpu.memref_slice %arg15[%mul3A_0] : memref<100352xf32, #tpu.memory_space<vmem_shared>> -> memref<6272xf32, #tpu.memory_space<vmem_shared>>
      tpu.wait_dma2 semaphore(%run_scoped3A : memref<!tpu.dma_semaphore, #tpu.memory_space<semaphore_mem>>) src(%arg21 : memref<6272xf32, #tpu.memory_space<vmem>>) dst(%dma_wait3A_17 : memref<6272xf32, #tpu.memory_space<vmem_shared>>)
      tpu.yield
    }) : () -> ()
    %barrier3A = arith.constant 0 : index
    tpu.barrier barrier_id(%barrier3A)
    %mul3A_1 = arith.constant 16 : i32
    %mul3A_2 = arith.muli %arg0, %mul3A_1 : i32
    %add3A = arith.addi %mul3A_2, %arg1 : i32
    %mul3A_3 = arith.constant 50000 : i32
    %mul3A_4 = arith.muli %add3A, %mul3A_3 : i32
    %add3A_5 = arith.constant 0 : i32
    %add3A_6 = arith.addi %mul3A_4, %add3A_5 : i32
    "tpu.region"() ({
      %run_scoped3A = tpu.sem_alloc : memref<!tpu.dma_semaphore, #tpu.memory_space<semaphore_mem>>
      %dma_start3A = tpu.memref_slice %arg2[%add3A_6] : memref<1600000xi32, #tpu.memory_space<hbm>> -> memref<10000xi32, #tpu.memory_space<hbm>>
      %dma_start3A_16 = tpu.memref_slice %arg2[%add3A_6] : memref<1600000xi32, #tpu.memory_space<hbm>> -> memref<10000xi32, #tpu.memory_space<hbm>>
      tpu.enqueue_dma source(%dma_start3A_16 : memref<10000xi32, #tpu.memory_space<hbm>>) target(%arg22 : memref<10000xi32, #tpu.memory_space<vmem>>) target_semaphore(%run_scoped3A : memref<!tpu.dma_semaphore, #tpu.memory_space<semaphore_mem>>)
      %dma_wait3A = tpu.memref_slice %arg2[%add3A_6] : memref<1600000xi32, #tpu.memory_space<hbm>> -> memref<10000xi32, #tpu.memory_space<hbm>>
      %dma_wait3A_17 = tpu.memref_slice %arg2[%add3A_6] : memref<1600000xi32, #tpu.memory_space<hbm>> -> memref<10000xi32, #tpu.memory_space<hbm>>
      tpu.wait_dma2 semaphore(%run_scoped3A : memref<!tpu.dma_semaphore, #tpu.memory_space<semaphore_mem>>) src(%dma_wait3A_17 : memref<10000xi32, #tpu.memory_space<hbm>>) dst(%arg22 : memref<10000xi32, #tpu.memory_space<vmem>>)
      tpu.yield
    }) : () -> ()
    "tpu.region"() ({
      %run_scoped3A = tpu.sem_alloc : memref<!tpu.dma_semaphore, #tpu.memory_space<semaphore_mem>>
      %dma_start3A = tpu.memref_slice %arg3[%add3A_6] : memref<1600000xi32, #tpu.memory_space<hbm>> -> memref<10000xi32, #tpu.memory_space<hbm>>
      %dma_start3A_16 = tpu.memref_slice %arg3[%add3A_6] : memref<1600000xi32, #tpu.memory_space<hbm>> -> memref<10000xi32, #tpu.memory_space<hbm>>
      tpu.enqueue_dma source(%dma_start3A_16 : memref<10000xi32, #tpu.memory_space<hbm>>) target(%arg23 : memref<10000xi32, #tpu.memory_space<vmem>>) target_semaphore(%run_scoped3A : memref<!tpu.dma_semaphore, #tpu.memory_space<semaphore_mem>>)
      %dma_wait3A = tpu.memref_slice %arg3[%add3A_6] : memref<1600000xi32, #tpu.memory_space<hbm>> -> memref<10000xi32, #tpu.memory_space<hbm>>
      %dma_wait3A_17 = tpu.memref_slice %arg3[%add3A_6] : memref<1600000xi32, #tpu.memory_space<hbm>> -> memref<10000xi32, #tpu.memory_space<hbm>>
      tpu.wait_dma2 semaphore(%run_scoped3A : memref<!tpu.dma_semaphore, #tpu.memory_space<semaphore_mem>>) src(%dma_wait3A_17 : memref<10000xi32, #tpu.memory_space<hbm>>) dst(%arg23 : memref<10000xi32, #tpu.memory_space<vmem>>)
      tpu.yield
    }) : () -> ()
    "tpu.region"() ({
      %run_scoped3A = tpu.sem_alloc : memref<!tpu.dma_semaphore, #tpu.memory_space<semaphore_mem>>
      %dma_start3A = arith.constant 0 : i32
      %dma_start3A_16 = tpu.memref_slice %arg4[%dma_start3A] : memref<100352xf32, #tpu.memory_space<hbm>> -> memref<100352xf32, #tpu.memory_space<hbm>>
      tpu.enqueue_indirect_dma source(%dma_start3A_16 : memref<100352xf32, #tpu.memory_space<hbm>>) target(%arg24 : memref<10000xf32, #tpu.memory_space<vmem>>) offsets(%arg22 : memref<10000xi32, #tpu.memory_space<vmem>>) semaphore(%run_scoped3A : memref<!tpu.dma_semaphore, #tpu.memory_space<semaphore_mem>>)
      %dma_wait3A = arith.constant 0 : i32
      %dma_wait3A_17 = tpu.memref_slice %arg4[%dma_wait3A] : memref<100352xf32, #tpu.memory_space<hbm>> -> memref<100352xf32, #tpu.memory_space<hbm>>
      tpu.wait_indirect_dma semaphore(%run_scoped3A : memref<!tpu.dma_semaphore, #tpu.memory_space<semaphore_mem>>) src(%dma_wait3A_17 : memref<100352xf32, #tpu.memory_space<hbm>>) dst(%arg24 : memref<10000xf32, #tpu.memory_space<vmem>>)
      tpu.yield
    }) : () -> ()
    "tpu.region"() ({
      %run_scoped3A = tpu.sem_alloc : memref<!tpu.dma_semaphore, #tpu.memory_space<semaphore_mem>>
      %dma_start3A = arith.constant 0 : i32
      %dma_start3A_16 = tpu.memref_slice %arg5[%dma_start3A] : memref<100352xf32, #tpu.memory_space<hbm>> -> memref<100352xf32, #tpu.memory_space<hbm>>
      tpu.enqueue_indirect_dma source(%dma_start3A_16 : memref<100352xf32, #tpu.memory_space<hbm>>) target(%arg25 : memref<10000xf32, #tpu.memory_space<vmem>>) offsets(%arg22 : memref<10000xi32, #tpu.memory_space<vmem>>) semaphore(%run_scoped3A : memref<!tpu.dma_semaphore, #tpu.memory_space<semaphore_mem>>)
      %dma_wait3A = arith.constant 0 : i32
      %dma_wait3A_17 = tpu.memref_slice %arg5[%dma_wait3A] : memref<100352xf32, #tpu.memory_space<hbm>> -> memref<100352xf32, #tpu.memory_space<hbm>>
      tpu.wait_indirect_dma semaphore(%run_scoped3A : memref<!tpu.dma_semaphore, #tpu.memory_space<semaphore_mem>>) src(%dma_wait3A_17 : memref<100352xf32, #tpu.memory_space<hbm>>) dst(%arg25 : memref<10000xf32, #tpu.memory_space<vmem>>)
      tpu.yield
    }) : () -> ()
    "tpu.region"() ({
      %run_scoped3A = tpu.sem_alloc : memref<!tpu.dma_semaphore, #tpu.memory_space<semaphore_mem>>
      %dma_start3A = arith.constant 0 : i32
      %dma_start3A_16 = tpu.memref_slice %arg6[%dma_start3A] : memref<100352xf32, #tpu.memory_space<hbm>> -> memref<100352xf32, #tpu.memory_space<hbm>>
      tpu.enqueue_indirect_dma source(%dma_start3A_16 : memref<100352xf32, #tpu.memory_space<hbm>>) target(%arg26 : memref<10000xf32, #tpu.memory_space<vmem>>) offsets(%arg22 : memref<10000xi32, #tpu.memory_space<vmem>>) semaphore(%run_scoped3A : memref<!tpu.dma_semaphore, #tpu.memory_space<semaphore_mem>>)
      %dma_wait3A = arith.constant 0 : i32
      %dma_wait3A_17 = tpu.memref_slice %arg6[%dma_wait3A] : memref<100352xf32, #tpu.memory_space<hbm>> -> memref<100352xf32, #tpu.memory_space<hbm>>
      tpu.wait_indirect_dma semaphore(%run_scoped3A : memref<!tpu.dma_semaphore, #tpu.memory_space<semaphore_mem>>) src(%dma_wait3A_17 : memref<100352xf32, #tpu.memory_space<hbm>>) dst(%arg26 : memref<10000xf32, #tpu.memory_space<vmem>>)
      tpu.yield
    }) : () -> ()
    "tpu.region"() ({
      %run_scoped3A = tpu.sem_alloc : memref<!tpu.dma_semaphore, #tpu.memory_space<semaphore_mem>>
      %dma_start3A = arith.constant 0 : i32
      %dma_start3A_16 = tpu.memref_slice %arg7[%dma_start3A] : memref<100352xf32, #tpu.memory_space<hbm>> -> memref<100352xf32, #tpu.memory_space<hbm>>
      tpu.enqueue_indirect_dma source(%dma_start3A_16 : memref<100352xf32, #tpu.memory_space<hbm>>) target(%arg27 : memref<10000xf32, #tpu.memory_space<vmem>>) offsets(%arg22 : memref<10000xi32, #tpu.memory_space<vmem>>) semaphore(%run_scoped3A : memref<!tpu.dma_semaphore, #tpu.memory_space<semaphore_mem>>)
      %dma_wait3A = arith.constant 0 : i32
      %dma_wait3A_17 = tpu.memref_slice %arg7[%dma_wait3A] : memref<100352xf32, #tpu.memory_space<hbm>> -> memref<100352xf32, #tpu.memory_space<hbm>>
      tpu.wait_indirect_dma semaphore(%run_scoped3A : memref<!tpu.dma_semaphore, #tpu.memory_space<semaphore_mem>>) src(%dma_wait3A_17 : memref<100352xf32, #tpu.memory_space<hbm>>) dst(%arg27 : memref<10000xf32, #tpu.memory_space<vmem>>)
      tpu.yield
    }) : () -> ()
    "tpu.region"() ({
      %run_scoped3A = tpu.sem_alloc : memref<!tpu.dma_semaphore, #tpu.memory_space<semaphore_mem>>
      %dma_start3A = arith.constant 0 : i32
      %dma_start3A_16 = tpu.memref_slice %arg15[%dma_start3A] : memref<100352xf32, #tpu.memory_space<vmem_shared>> -> memref<100352xf32, #tpu.memory_space<vmem_shared>>
      tpu.enqueue_indirect_dma source(%dma_start3A_16 : memref<100352xf32, #tpu.memory_space<vmem_shared>>) target(%arg28 : memref<10000xf32, #tpu.memory_space<vmem>>) offsets(%arg23 : memref<10000xi32, #tpu.memory_space<vmem>>) semaphore(%run_scoped3A : memref<!tpu.dma_semaphore, #tpu.memory_space<semaphore_mem>>)
      %dma_wait3A = arith.constant 0 : i32
      %dma_wait3A_17 = tpu.memref_slice %arg15[%dma_wait3A] : memref<100352xf32, #tpu.memory_space<vmem_shared>> -> memref<100352xf32, #tpu.memory_space<vmem_shared>>
      tpu.wait_indirect_dma semaphore(%run_scoped3A : memref<!tpu.dma_semaphore, #tpu.memory_space<semaphore_mem>>) src(%dma_wait3A_17 : memref<100352xf32, #tpu.memory_space<vmem_shared>>) dst(%arg28 : memref<10000xf32, #tpu.memory_space<vmem>>)
      tpu.yield
    }) : () -> ()
    "tpu.region"() ({
      %run_scoped3A = tpu.sem_alloc : memref<!tpu.dma_semaphore, #tpu.memory_space<semaphore_mem>>
      %dma_start3A = arith.constant 0 : i32
      %dma_start3A_16 = tpu.memref_slice %arg16[%dma_start3A] : memref<100352xf32, #tpu.memory_space<vmem_shared>> -> memref<100352xf32, #tpu.memory_space<vmem_shared>>
      tpu.enqueue_indirect_dma source(%arg24 : memref<10000xf32, #tpu.memory_space<vmem>>) target(%dma_start3A_16 : memref<100352xf32, #tpu.memory_space<vmem_shared>>) offsets(%arg23 : memref<10000xi32, #tpu.memory_space<vmem>>) semaphore(%run_scoped3A : memref<!tpu.dma_semaphore, #tpu.memory_space<semaphore_mem>>) {add = true}
      %dma_wait3A = arith.constant 0 : i32
      %dma_wait3A_17 = tpu.memref_slice %arg16[%dma_wait3A] : memref<100352xf32, #tpu.memory_space<vmem_shared>> -> memref<100352xf32, #tpu.memory_space<vmem_shared>>
      tpu.wait_indirect_dma semaphore(%run_scoped3A : memref<!tpu.dma_semaphore, #tpu.memory_space<semaphore_mem>>) src(%arg24 : memref<10000xf32, #tpu.memory_space<vmem>>) dst(%dma_wait3A_17 : memref<100352xf32, #tpu.memory_space<vmem_shared>>)
      tpu.yield
    }) : () -> ()
    "tpu.region"() ({
      %run_scoped3A = tpu.sem_alloc : memref<!tpu.dma_semaphore, #tpu.memory_space<semaphore_mem>>
      %dma_start3A = arith.constant 0 : i32
      %dma_start3A_16 = tpu.memref_slice %arg17[%dma_start3A] : memref<100352xf32, #tpu.memory_space<vmem_shared>> -> memref<100352xf32, #tpu.memory_space<vmem_shared>>
      tpu.enqueue_indirect_dma source(%arg25 : memref<10000xf32, #tpu.memory_space<vmem>>) target(%dma_start3A_16 : memref<100352xf32, #tpu.memory_space<vmem_shared>>) offsets(%arg23 : memref<10000xi32, #tpu.memory_space<vmem>>) semaphore(%run_scoped3A : memref<!tpu.dma_semaphore, #tpu.memory_space<semaphore_mem>>) {add = true}
      %dma_wait3A = arith.constant 0 : i32
      %dma_wait3A_17 = tpu.memref_slice %arg17[%dma_wait3A] : memref<100352xf32, #tpu.memory_space<vmem_shared>> -> memref<100352xf32, #tpu.memory_space<vmem_shared>>
      tpu.wait_indirect_dma semaphore(%run_scoped3A : memref<!tpu.dma_semaphore, #tpu.memory_space<semaphore_mem>>) src(%arg25 : memref<10000xf32, #tpu.memory_space<vmem>>) dst(%dma_wait3A_17 : memref<100352xf32, #tpu.memory_space<vmem_shared>>)
      tpu.yield
    }) : () -> ()
    "tpu.region"() ({
      %run_scoped3A = tpu.sem_alloc : memref<!tpu.dma_semaphore, #tpu.memory_space<semaphore_mem>>
      %dma_start3A = arith.constant 0 : i32
      %dma_start3A_16 = tpu.memref_slice %arg18[%dma_start3A] : memref<100352xf32, #tpu.memory_space<vmem_shared>> -> memref<100352xf32, #tpu.memory_space<vmem_shared>>
      tpu.enqueue_indirect_dma source(%arg26 : memref<10000xf32, #tpu.memory_space<vmem>>) target(%dma_start3A_16 : memref<100352xf32, #tpu.memory_space<vmem_shared>>) offsets(%arg23 : memref<10000xi32, #tpu.memory_space<vmem>>) semaphore(%run_scoped3A : memref<!tpu.dma_semaphore, #tpu.memory_space<semaphore_mem>>) {add = true}
      %dma_wait3A = arith.constant 0 : i32
      %dma_wait3A_17 = tpu.memref_slice %arg18[%dma_wait3A] : memref<100352xf32, #tpu.memory_space<vmem_shared>> -> memref<100352xf32, #tpu.memory_space<vmem_shared>>
      tpu.wait_indirect_dma semaphore(%run_scoped3A : memref<!tpu.dma_semaphore, #tpu.memory_space<semaphore_mem>>) src(%arg26 : memref<10000xf32, #tpu.memory_space<vmem>>) dst(%dma_wait3A_17 : memref<100352xf32, #tpu.memory_space<vmem_shared>>)
      tpu.yield
    }) : () -> ()
    "tpu.region"() ({
      %run_scoped3A = tpu.sem_alloc : memref<!tpu.dma_semaphore, #tpu.memory_space<semaphore_mem>>
      %dma_start3A = arith.constant 0 : i32
      %dma_start3A_16 = tpu.memref_slice %arg19[%dma_start3A] : memref<100352xf32, #tpu.memory_space<vmem_shared>> -> memref<100352xf32, #tpu.memory_space<vmem_shared>>
      tpu.enqueue_indirect_dma source(%arg27 : memref<10000xf32, #tpu.memory_space<vmem>>) target(%dma_start3A_16 : memref<100352xf32, #tpu.memory_space<vmem_shared>>) offsets(%arg23 : memref<10000xi32, #tpu.memory_space<vmem>>) semaphore(%run_scoped3A : memref<!tpu.dma_semaphore, #tpu.memory_space<semaphore_mem>>) {add = true}
      %dma_wait3A = arith.constant 0 : i32
      %dma_wait3A_17 = tpu.memref_slice %arg19[%dma_wait3A] : memref<100352xf32, #tpu.memory_space<vmem_shared>> -> memref<100352xf32, #tpu.memory_space<vmem_shared>>
      tpu.wait_indirect_dma semaphore(%run_scoped3A : memref<!tpu.dma_semaphore, #tpu.memory_space<semaphore_mem>>) src(%arg27 : memref<10000xf32, #tpu.memory_space<vmem>>) dst(%dma_wait3A_17 : memref<100352xf32, #tpu.memory_space<vmem_shared>>)
      tpu.yield
    }) : () -> ()
    "tpu.region"() ({
      %run_scoped3A = tpu.sem_alloc : memref<!tpu.dma_semaphore, #tpu.memory_space<semaphore_mem>>
      %dma_start3A = arith.constant 0 : i32
      %dma_start3A_16 = tpu.memref_slice %arg20[%dma_start3A] : memref<100352xf32, #tpu.memory_space<vmem_shared>> -> memref<100352xf32, #tpu.memory_space<vmem_shared>>
      tpu.enqueue_indirect_dma source(%arg28 : memref<10000xf32, #tpu.memory_space<vmem>>) target(%dma_start3A_16 : memref<100352xf32, #tpu.memory_space<vmem_shared>>) offsets(%arg22 : memref<10000xi32, #tpu.memory_space<vmem>>) semaphore(%run_scoped3A : memref<!tpu.dma_semaphore, #tpu.memory_space<semaphore_mem>>) {add = true}
      %dma_wait3A = arith.constant 0 : i32
      %dma_wait3A_17 = tpu.memref_slice %arg20[%dma_wait3A] : memref<100352xf32, #tpu.memory_space<vmem_shared>> -> memref<100352xf32, #tpu.memory_space<vmem_shared>>
      tpu.wait_indirect_dma semaphore(%run_scoped3A : memref<!tpu.dma_semaphore, #tpu.memory_space<semaphore_mem>>) src(%arg28 : memref<10000xf32, #tpu.memory_space<vmem>>) dst(%dma_wait3A_17 : memref<100352xf32, #tpu.memory_space<vmem_shared>>)
      tpu.yield
    }) : () -> ()
    %add3A_7 = arith.constant 10000 : i32
    %add3A_8 = arith.addi %mul3A_4, %add3A_7 : i32
    "tpu.region"() ({
      %run_scoped3A = tpu.sem_alloc : memref<!tpu.dma_semaphore, #tpu.memory_space<semaphore_mem>>
      %dma_start3A = tpu.memref_slice %arg2[%add3A_8] : memref<1600000xi32, #tpu.memory_space<hbm>> -> memref<10000xi32, #tpu.memory_space<hbm>>
      %dma_start3A_16 = tpu.memref_slice %arg2[%add3A_8] : memref<1600000xi32, #tpu.memory_space<hbm>> -> memref<10000xi32, #tpu.memory_space<hbm>>
      tpu.enqueue_dma source(%dma_start3A_16 : memref<10000xi32, #tpu.memory_space<hbm>>) target(%arg22 : memref<10000xi32, #tpu.memory_space<vmem>>) target_semaphore(%run_scoped3A : memref<!tpu.dma_semaphore, #tpu.memory_space<semaphore_mem>>)
      %dma_wait3A = tpu.memref_slice %arg2[%add3A_8] : memref<1600000xi32, #tpu.memory_space<hbm>> -> memref<10000xi32, #tpu.memory_space<hbm>>
      %dma_wait3A_17 = tpu.memref_slice %arg2[%add3A_8] : memref<1600000xi32, #tpu.memory_space<hbm>> -> memref<10000xi32, #tpu.memory_space<hbm>>
      tpu.wait_dma2 semaphore(%run_scoped3A : memref<!tpu.dma_semaphore, #tpu.memory_space<semaphore_mem>>) src(%dma_wait3A_17 : memref<10000xi32, #tpu.memory_space<hbm>>) dst(%arg22 : memref<10000xi32, #tpu.memory_space<vmem>>)
      tpu.yield
    }) : () -> ()
    "tpu.region"() ({
      %run_scoped3A = tpu.sem_alloc : memref<!tpu.dma_semaphore, #tpu.memory_space<semaphore_mem>>
      %dma_start3A = tpu.memref_slice %arg3[%add3A_8] : memref<1600000xi32, #tpu.memory_space<hbm>> -> memref<10000xi32, #tpu.memory_space<hbm>>
      %dma_start3A_16 = tpu.memref_slice %arg3[%add3A_8] : memref<1600000xi32, #tpu.memory_space<hbm>> -> memref<10000xi32, #tpu.memory_space<hbm>>
      tpu.enqueue_dma source(%dma_start3A_16 : memref<10000xi32, #tpu.memory_space<hbm>>) target(%arg23 : memref<10000xi32, #tpu.memory_space<vmem>>) target_semaphore(%run_scoped3A : memref<!tpu.dma_semaphore, #tpu.memory_space<semaphore_mem>>)
      %dma_wait3A = tpu.memref_slice %arg3[%add3A_8] : memref<1600000xi32, #tpu.memory_space<hbm>> -> memref<10000xi32, #tpu.memory_space<hbm>>
      %dma_wait3A_17 = tpu.memref_slice %arg3[%add3A_8] : memref<1600000xi32, #tpu.memory_space<hbm>> -> memref<10000xi32, #tpu.memory_space<hbm>>
      tpu.wait_dma2 semaphore(%run_scoped3A : memref<!tpu.dma_semaphore, #tpu.memory_space<semaphore_mem>>) src(%dma_wait3A_17 : memref<10000xi32, #tpu.memory_space<hbm>>) dst(%arg23 : memref<10000xi32, #tpu.memory_space<vmem>>)
      tpu.yield
    }) : () -> ()
    "tpu.region"() ({
      %run_scoped3A = tpu.sem_alloc : memref<!tpu.dma_semaphore, #tpu.memory_space<semaphore_mem>>
      %dma_start3A = arith.constant 0 : i32
      %dma_start3A_16 = tpu.memref_slice %arg4[%dma_start3A] : memref<100352xf32, #tpu.memory_space<hbm>> -> memref<100352xf32, #tpu.memory_space<hbm>>
      tpu.enqueue_indirect_dma source(%dma_start3A_16 : memref<100352xf32, #tpu.memory_space<hbm>>) target(%arg24 : memref<10000xf32, #tpu.memory_space<vmem>>) offsets(%arg22 : memref<10000xi32, #tpu.memory_space<vmem>>) semaphore(%run_scoped3A : memref<!tpu.dma_semaphore, #tpu.memory_space<semaphore_mem>>)
      %dma_wait3A = arith.constant 0 : i32
      %dma_wait3A_17 = tpu.memref_slice %arg4[%dma_wait3A] : memref<100352xf32, #tpu.memory_space<hbm>> -> memref<100352xf32, #tpu.memory_space<hbm>>
      tpu.wait_indirect_dma semaphore(%run_scoped3A : memref<!tpu.dma_semaphore, #tpu.memory_space<semaphore_mem>>) src(%dma_wait3A_17 : memref<100352xf32, #tpu.memory_space<hbm>>) dst(%arg24 : memref<10000xf32, #tpu.memory_space<vmem>>)
      tpu.yield
    }) : () -> ()
    "tpu.region"() ({
      %run_scoped3A = tpu.sem_alloc : memref<!tpu.dma_semaphore, #tpu.memory_space<semaphore_mem>>
      %dma_start3A = arith.constant 0 : i32
      %dma_start3A_16 = tpu.memref_slice %arg5[%dma_start3A] : memref<100352xf32, #tpu.memory_space<hbm>> -> memref<100352xf32, #tpu.memory_space<hbm>>
      tpu.enqueue_indirect_dma source(%dma_start3A_16 : memref<100352xf32, #tpu.memory_space<hbm>>) target(%arg25 : memref<10000xf32, #tpu.memory_space<vmem>>) offsets(%arg22 : memref<10000xi32, #tpu.memory_space<vmem>>) semaphore(%run_scoped3A : memref<!tpu.dma_semaphore, #tpu.memory_space<semaphore_mem>>)
      %dma_wait3A = arith.constant 0 : i32
      %dma_wait3A_17 = tpu.memref_slice %arg5[%dma_wait3A] : memref<100352xf32, #tpu.memory_space<hbm>> -> memref<100352xf32, #tpu.memory_space<hbm>>
      tpu.wait_indirect_dma semaphore(%run_scoped3A : memref<!tpu.dma_semaphore, #tpu.memory_space<semaphore_mem>>) src(%dma_wait3A_17 : memref<100352xf32, #tpu.memory_space<hbm>>) dst(%arg25 : memref<10000xf32, #tpu.memory_space<vmem>>)
      tpu.yield
    }) : () -> ()
    "tpu.region"() ({
      %run_scoped3A = tpu.sem_alloc : memref<!tpu.dma_semaphore, #tpu.memory_space<semaphore_mem>>
      %dma_start3A = arith.constant 0 : i32
      %dma_start3A_16 = tpu.memref_slice %arg6[%dma_start3A] : memref<100352xf32, #tpu.memory_space<hbm>> -> memref<100352xf32, #tpu.memory_space<hbm>>
      tpu.enqueue_indirect_dma source(%dma_start3A_16 : memref<100352xf32, #tpu.memory_space<hbm>>) target(%arg26 : memref<10000xf32, #tpu.memory_space<vmem>>) offsets(%arg22 : memref<10000xi32, #tpu.memory_space<vmem>>) semaphore(%run_scoped3A : memref<!tpu.dma_semaphore, #tpu.memory_space<semaphore_mem>>)
      %dma_wait3A = arith.constant 0 : i32
      %dma_wait3A_17 = tpu.memref_slice %arg6[%dma_wait3A] : memref<100352xf32, #tpu.memory_space<hbm>> -> memref<100352xf32, #tpu.memory_space<hbm>>
      tpu.wait_indirect_dma semaphore(%run_scoped3A : memref<!tpu.dma_semaphore, #tpu.memory_space<semaphore_mem>>) src(%dma_wait3A_17 : memref<100352xf32, #tpu.memory_space<hbm>>) dst(%arg26 : memref<10000xf32, #tpu.memory_space<vmem>>)
      tpu.yield
    }) : () -> ()
    "tpu.region"() ({
      %run_scoped3A = tpu.sem_alloc : memref<!tpu.dma_semaphore, #tpu.memory_space<semaphore_mem>>
      %dma_start3A = arith.constant 0 : i32
      %dma_start3A_16 = tpu.memref_slice %arg7[%dma_start3A] : memref<100352xf32, #tpu.memory_space<hbm>> -> memref<100352xf32, #tpu.memory_space<hbm>>
      tpu.enqueue_indirect_dma source(%dma_start3A_16 : memref<100352xf32, #tpu.memory_space<hbm>>) target(%arg27 : memref<10000xf32, #tpu.memory_space<vmem>>) offsets(%arg22 : memref<10000xi32, #tpu.memory_space<vmem>>) semaphore(%run_scoped3A : memref<!tpu.dma_semaphore, #tpu.memory_space<semaphore_mem>>)
      %dma_wait3A = arith.constant 0 : i32
      %dma_wait3A_17 = tpu.memref_slice %arg7[%dma_wait3A] : memref<100352xf32, #tpu.memory_space<hbm>> -> memref<100352xf32, #tpu.memory_space<hbm>>
      tpu.wait_indirect_dma semaphore(%run_scoped3A : memref<!tpu.dma_semaphore, #tpu.memory_space<semaphore_mem>>) src(%dma_wait3A_17 : memref<100352xf32, #tpu.memory_space<hbm>>) dst(%arg27 : memref<10000xf32, #tpu.memory_space<vmem>>)
      tpu.yield
    }) : () -> ()
    "tpu.region"() ({
      %run_scoped3A = tpu.sem_alloc : memref<!tpu.dma_semaphore, #tpu.memory_space<semaphore_mem>>
      %dma_start3A = arith.constant 0 : i32
      %dma_start3A_16 = tpu.memref_slice %arg15[%dma_start3A] : memref<100352xf32, #tpu.memory_space<vmem_shared>> -> memref<100352xf32, #tpu.memory_space<vmem_shared>>
      tpu.enqueue_indirect_dma source(%dma_start3A_16 : memref<100352xf32, #tpu.memory_space<vmem_shared>>) target(%arg28 : memref<10000xf32, #tpu.memory_space<vmem>>) offsets(%arg23 : memref<10000xi32, #tpu.memory_space<vmem>>) semaphore(%run_scoped3A : memref<!tpu.dma_semaphore, #tpu.memory_space<semaphore_mem>>)
      %dma_wait3A = arith.constant 0 : i32
      %dma_wait3A_17 = tpu.memref_slice %arg15[%dma_wait3A] : memref<100352xf32, #tpu.memory_space<vmem_shared>> -> memref<100352xf32, #tpu.memory_space<vmem_shared>>
      tpu.wait_indirect_dma semaphore(%run_scoped3A : memref<!tpu.dma_semaphore, #tpu.memory_space<semaphore_mem>>) src(%dma_wait3A_17 : memref<100352xf32, #tpu.memory_space<vmem_shared>>) dst(%arg28 : memref<10000xf32, #tpu.memory_space<vmem>>)
      tpu.yield
    }) : () -> ()
    "tpu.region"() ({
      %run_scoped3A = tpu.sem_alloc : memref<!tpu.dma_semaphore, #tpu.memory_space<semaphore_mem>>
      %dma_start3A = arith.constant 0 : i32
      %dma_start3A_16 = tpu.memref_slice %arg16[%dma_start3A] : memref<100352xf32, #tpu.memory_space<vmem_shared>> -> memref<100352xf32, #tpu.memory_space<vmem_shared>>
      tpu.enqueue_indirect_dma source(%arg24 : memref<10000xf32, #tpu.memory_space<vmem>>) target(%dma_start3A_16 : memref<100352xf32, #tpu.memory_space<vmem_shared>>) offsets(%arg23 : memref<10000xi32, #tpu.memory_space<vmem>>) semaphore(%run_scoped3A : memref<!tpu.dma_semaphore, #tpu.memory_space<semaphore_mem>>) {add = true}
      %dma_wait3A = arith.constant 0 : i32
      %dma_wait3A_17 = tpu.memref_slice %arg16[%dma_wait3A] : memref<100352xf32, #tpu.memory_space<vmem_shared>> -> memref<100352xf32, #tpu.memory_space<vmem_shared>>
      tpu.wait_indirect_dma semaphore(%run_scoped3A : memref<!tpu.dma_semaphore, #tpu.memory_space<semaphore_mem>>) src(%arg24 : memref<10000xf32, #tpu.memory_space<vmem>>) dst(%dma_wait3A_17 : memref<100352xf32, #tpu.memory_space<vmem_shared>>)
      tpu.yield
    }) : () -> ()
    "tpu.region"() ({
      %run_scoped3A = tpu.sem_alloc : memref<!tpu.dma_semaphore, #tpu.memory_space<semaphore_mem>>
      %dma_start3A = arith.constant 0 : i32
      %dma_start3A_16 = tpu.memref_slice %arg17[%dma_start3A] : memref<100352xf32, #tpu.memory_space<vmem_shared>> -> memref<100352xf32, #tpu.memory_space<vmem_shared>>
      tpu.enqueue_indirect_dma source(%arg25 : memref<10000xf32, #tpu.memory_space<vmem>>) target(%dma_start3A_16 : memref<100352xf32, #tpu.memory_space<vmem_shared>>) offsets(%arg23 : memref<10000xi32, #tpu.memory_space<vmem>>) semaphore(%run_scoped3A : memref<!tpu.dma_semaphore, #tpu.memory_space<semaphore_mem>>) {add = true}
      %dma_wait3A = arith.constant 0 : i32
      %dma_wait3A_17 = tpu.memref_slice %arg17[%dma_wait3A] : memref<100352xf32, #tpu.memory_space<vmem_shared>> -> memref<100352xf32, #tpu.memory_space<vmem_shared>>
      tpu.wait_indirect_dma semaphore(%run_scoped3A : memref<!tpu.dma_semaphore, #tpu.memory_space<semaphore_mem>>) src(%arg25 : memref<10000xf32, #tpu.memory_space<vmem>>) dst(%dma_wait3A_17 : memref<100352xf32, #tpu.memory_space<vmem_shared>>)
      tpu.yield
    }) : () -> ()
    "tpu.region"() ({
      %run_scoped3A = tpu.sem_alloc : memref<!tpu.dma_semaphore, #tpu.memory_space<semaphore_mem>>
      %dma_start3A = arith.constant 0 : i32
      %dma_start3A_16 = tpu.memref_slice %arg18[%dma_start3A] : memref<100352xf32, #tpu.memory_space<vmem_shared>> -> memref<100352xf32, #tpu.memory_space<vmem_shared>>
      tpu.enqueue_indirect_dma source(%arg26 : memref<10000xf32, #tpu.memory_space<vmem>>) target(%dma_start3A_16 : memref<100352xf32, #tpu.memory_space<vmem_shared>>) offsets(%arg23 : memref<10000xi32, #tpu.memory_space<vmem>>) semaphore(%run_scoped3A : memref<!tpu.dma_semaphore, #tpu.memory_space<semaphore_mem>>) {add = true}
      %dma_wait3A = arith.constant 0 : i32
      %dma_wait3A_17 = tpu.memref_slice %arg18[%dma_wait3A] : memref<100352xf32, #tpu.memory_space<vmem_shared>> -> memref<100352xf32, #tpu.memory_space<vmem_shared>>
      tpu.wait_indirect_dma semaphore(%run_scoped3A : memref<!tpu.dma_semaphore, #tpu.memory_space<semaphore_mem>>) src(%arg26 : memref<10000xf32, #tpu.memory_space<vmem>>) dst(%dma_wait3A_17 : memref<100352xf32, #tpu.memory_space<vmem_shared>>)
      tpu.yield
    }) : () -> ()
    "tpu.region"() ({
      %run_scoped3A = tpu.sem_alloc : memref<!tpu.dma_semaphore, #tpu.memory_space<semaphore_mem>>
      %dma_start3A = arith.constant 0 : i32
      %dma_start3A_16 = tpu.memref_slice %arg19[%dma_start3A] : memref<100352xf32, #tpu.memory_space<vmem_shared>> -> memref<100352xf32, #tpu.memory_space<vmem_shared>>
      tpu.enqueue_indirect_dma source(%arg27 : memref<10000xf32, #tpu.memory_space<vmem>>) target(%dma_start3A_16 : memref<100352xf32, #tpu.memory_space<vmem_shared>>) offsets(%arg23 : memref<10000xi32, #tpu.memory_space<vmem>>) semaphore(%run_scoped3A : memref<!tpu.dma_semaphore, #tpu.memory_space<semaphore_mem>>) {add = true}
      %dma_wait3A = arith.constant 0 : i32
      %dma_wait3A_17 = tpu.memref_slice %arg19[%dma_wait3A] : memref<100352xf32, #tpu.memory_space<vmem_shared>> -> memref<100352xf32, #tpu.memory_space<vmem_shared>>
      tpu.wait_indirect_dma semaphore(%run_scoped3A : memref<!tpu.dma_semaphore, #tpu.memory_space<semaphore_mem>>) src(%arg27 : memref<10000xf32, #tpu.memory_space<vmem>>) dst(%dma_wait3A_17 : memref<100352xf32, #tpu.memory_space<vmem_shared>>)
      tpu.yield
    }) : () -> ()
    "tpu.region"() ({
      %run_scoped3A = tpu.sem_alloc : memref<!tpu.dma_semaphore, #tpu.memory_space<semaphore_mem>>
      %dma_start3A = arith.constant 0 : i32
      %dma_start3A_16 = tpu.memref_slice %arg20[%dma_start3A] : memref<100352xf32, #tpu.memory_space<vmem_shared>> -> memref<100352xf32, #tpu.memory_space<vmem_shared>>
      tpu.enqueue_indirect_dma source(%arg28 : memref<10000xf32, #tpu.memory_space<vmem>>) target(%dma_start3A_16 : memref<100352xf32, #tpu.memory_space<vmem_shared>>) offsets(%arg22 : memref<10000xi32, #tpu.memory_space<vmem>>) semaphore(%run_scoped3A : memref<!tpu.dma_semaphore, #tpu.memory_space<semaphore_mem>>) {add = true}
      %dma_wait3A = arith.constant 0 : i32
      %dma_wait3A_17 = tpu.memref_slice %arg20[%dma_wait3A] : memref<100352xf32, #tpu.memory_space<vmem_shared>> -> memref<100352xf32, #tpu.memory_space<vmem_shared>>
      tpu.wait_indirect_dma semaphore(%run_scoped3A : memref<!tpu.dma_semaphore, #tpu.memory_space<semaphore_mem>>) src(%arg28 : memref<10000xf32, #tpu.memory_space<vmem>>) dst(%dma_wait3A_17 : memref<100352xf32, #tpu.memory_space<vmem_shared>>)
      tpu.yield
    }) : () -> ()
    %add3A_9 = arith.constant 20000 : i32
    %add3A_10 = arith.addi %mul3A_4, %add3A_9 : i32
    "tpu.region"() ({
      %run_scoped3A = tpu.sem_alloc : memref<!tpu.dma_semaphore, #tpu.memory_space<semaphore_mem>>
      %dma_start3A = tpu.memref_slice %arg2[%add3A_10] : memref<1600000xi32, #tpu.memory_space<hbm>> -> memref<10000xi32, #tpu.memory_space<hbm>>
      %dma_start3A_16 = tpu.memref_slice %arg2[%add3A_10] : memref<1600000xi32, #tpu.memory_space<hbm>> -> memref<10000xi32, #tpu.memory_space<hbm>>
      tpu.enqueue_dma source(%dma_start3A_16 : memref<10000xi32, #tpu.memory_space<hbm>>) target(%arg22 : memref<10000xi32, #tpu.memory_space<vmem>>) target_semaphore(%run_scoped3A : memref<!tpu.dma_semaphore, #tpu.memory_space<semaphore_mem>>)
      %dma_wait3A = tpu.memref_slice %arg2[%add3A_10] : memref<1600000xi32, #tpu.memory_space<hbm>> -> memref<10000xi32, #tpu.memory_space<hbm>>
      %dma_wait3A_17 = tpu.memref_slice %arg2[%add3A_10] : memref<1600000xi32, #tpu.memory_space<hbm>> -> memref<10000xi32, #tpu.memory_space<hbm>>
      tpu.wait_dma2 semaphore(%run_scoped3A : memref<!tpu.dma_semaphore, #tpu.memory_space<semaphore_mem>>) src(%dma_wait3A_17 : memref<10000xi32, #tpu.memory_space<hbm>>) dst(%arg22 : memref<10000xi32, #tpu.memory_space<vmem>>)
      tpu.yield
    }) : () -> ()
    "tpu.region"() ({
      %run_scoped3A = tpu.sem_alloc : memref<!tpu.dma_semaphore, #tpu.memory_space<semaphore_mem>>
      %dma_start3A = tpu.memref_slice %arg3[%add3A_10] : memref<1600000xi32, #tpu.memory_space<hbm>> -> memref<10000xi32, #tpu.memory_space<hbm>>
      %dma_start3A_16 = tpu.memref_slice %arg3[%add3A_10] : memref<1600000xi32, #tpu.memory_space<hbm>> -> memref<10000xi32, #tpu.memory_space<hbm>>
      tpu.enqueue_dma source(%dma_start3A_16 : memref<10000xi32, #tpu.memory_space<hbm>>) target(%arg23 : memref<10000xi32, #tpu.memory_space<vmem>>) target_semaphore(%run_scoped3A : memref<!tpu.dma_semaphore, #tpu.memory_space<semaphore_mem>>)
      %dma_wait3A = tpu.memref_slice %arg3[%add3A_10] : memref<1600000xi32, #tpu.memory_space<hbm>> -> memref<10000xi32, #tpu.memory_space<hbm>>
      %dma_wait3A_17 = tpu.memref_slice %arg3[%add3A_10] : memref<1600000xi32, #tpu.memory_space<hbm>> -> memref<10000xi32, #tpu.memory_space<hbm>>
      tpu.wait_dma2 semaphore(%run_scoped3A : memref<!tpu.dma_semaphore, #tpu.memory_space<semaphore_mem>>) src(%dma_wait3A_17 : memref<10000xi32, #tpu.memory_space<hbm>>) dst(%arg23 : memref<10000xi32, #tpu.memory_space<vmem>>)
      tpu.yield
    }) : () -> ()
    "tpu.region"() ({
      %run_scoped3A = tpu.sem_alloc : memref<!tpu.dma_semaphore, #tpu.memory_space<semaphore_mem>>
      %dma_start3A = arith.constant 0 : i32
      %dma_start3A_16 = tpu.memref_slice %arg4[%dma_start3A] : memref<100352xf32, #tpu.memory_space<hbm>> -> memref<100352xf32, #tpu.memory_space<hbm>>
      tpu.enqueue_indirect_dma source(%dma_start3A_16 : memref<100352xf32, #tpu.memory_space<hbm>>) target(%arg24 : memref<10000xf32, #tpu.memory_space<vmem>>) offsets(%arg22 : memref<10000xi32, #tpu.memory_space<vmem>>) semaphore(%run_scoped3A : memref<!tpu.dma_semaphore, #tpu.memory_space<semaphore_mem>>)
      %dma_wait3A = arith.constant 0 : i32
      %dma_wait3A_17 = tpu.memref_slice %arg4[%dma_wait3A] : memref<100352xf32, #tpu.memory_space<hbm>> -> memref<100352xf32, #tpu.memory_space<hbm>>
      tpu.wait_indirect_dma semaphore(%run_scoped3A : memref<!tpu.dma_semaphore, #tpu.memory_space<semaphore_mem>>) src(%dma_wait3A_17 : memref<100352xf32, #tpu.memory_space<hbm>>) dst(%arg24 : memref<10000xf32, #tpu.memory_space<vmem>>)
      tpu.yield
    }) : () -> ()
    "tpu.region"() ({
      %run_scoped3A = tpu.sem_alloc : memref<!tpu.dma_semaphore, #tpu.memory_space<semaphore_mem>>
      %dma_start3A = arith.constant 0 : i32
      %dma_start3A_16 = tpu.memref_slice %arg5[%dma_start3A] : memref<100352xf32, #tpu.memory_space<hbm>> -> memref<100352xf32, #tpu.memory_space<hbm>>
      tpu.enqueue_indirect_dma source(%dma_start3A_16 : memref<100352xf32, #tpu.memory_space<hbm>>) target(%arg25 : memref<10000xf32, #tpu.memory_space<vmem>>) offsets(%arg22 : memref<10000xi32, #tpu.memory_space<vmem>>) semaphore(%run_scoped3A : memref<!tpu.dma_semaphore, #tpu.memory_space<semaphore_mem>>)
      %dma_wait3A = arith.constant 0 : i32
      %dma_wait3A_17 = tpu.memref_slice %arg5[%dma_wait3A] : memref<100352xf32, #tpu.memory_space<hbm>> -> memref<100352xf32, #tpu.memory_space<hbm>>
      tpu.wait_indirect_dma semaphore(%run_scoped3A : memref<!tpu.dma_semaphore, #tpu.memory_space<semaphore_mem>>) src(%dma_wait3A_17 : memref<100352xf32, #tpu.memory_space<hbm>>) dst(%arg25 : memref<10000xf32, #tpu.memory_space<vmem>>)
      tpu.yield
    }) : () -> ()
    "tpu.region"() ({
      %run_scoped3A = tpu.sem_alloc : memref<!tpu.dma_semaphore, #tpu.memory_space<semaphore_mem>>
      %dma_start3A = arith.constant 0 : i32
      %dma_start3A_16 = tpu.memref_slice %arg6[%dma_start3A] : memref<100352xf32, #tpu.memory_space<hbm>> -> memref<100352xf32, #tpu.memory_space<hbm>>
      tpu.enqueue_indirect_dma source(%dma_start3A_16 : memref<100352xf32, #tpu.memory_space<hbm>>) target(%arg26 : memref<10000xf32, #tpu.memory_space<vmem>>) offsets(%arg22 : memref<10000xi32, #tpu.memory_space<vmem>>) semaphore(%run_scoped3A : memref<!tpu.dma_semaphore, #tpu.memory_space<semaphore_mem>>)
      %dma_wait3A = arith.constant 0 : i32
      %dma_wait3A_17 = tpu.memref_slice %arg6[%dma_wait3A] : memref<100352xf32, #tpu.memory_space<hbm>> -> memref<100352xf32, #tpu.memory_space<hbm>>
      tpu.wait_indirect_dma semaphore(%run_scoped3A : memref<!tpu.dma_semaphore, #tpu.memory_space<semaphore_mem>>) src(%dma_wait3A_17 : memref<100352xf32, #tpu.memory_space<hbm>>) dst(%arg26 : memref<10000xf32, #tpu.memory_space<vmem>>)
      tpu.yield
    }) : () -> ()
    "tpu.region"() ({
      %run_scoped3A = tpu.sem_alloc : memref<!tpu.dma_semaphore, #tpu.memory_space<semaphore_mem>>
      %dma_start3A = arith.constant 0 : i32
      %dma_start3A_16 = tpu.memref_slice %arg7[%dma_start3A] : memref<100352xf32, #tpu.memory_space<hbm>> -> memref<100352xf32, #tpu.memory_space<hbm>>
      tpu.enqueue_indirect_dma source(%dma_start3A_16 : memref<100352xf32, #tpu.memory_space<hbm>>) target(%arg27 : memref<10000xf32, #tpu.memory_space<vmem>>) offsets(%arg22 : memref<10000xi32, #tpu.memory_space<vmem>>) semaphore(%run_scoped3A : memref<!tpu.dma_semaphore, #tpu.memory_space<semaphore_mem>>)
      %dma_wait3A = arith.constant 0 : i32
      %dma_wait3A_17 = tpu.memref_slice %arg7[%dma_wait3A] : memref<100352xf32, #tpu.memory_space<hbm>> -> memref<100352xf32, #tpu.memory_space<hbm>>
      tpu.wait_indirect_dma semaphore(%run_scoped3A : memref<!tpu.dma_semaphore, #tpu.memory_space<semaphore_mem>>) src(%dma_wait3A_17 : memref<100352xf32, #tpu.memory_space<hbm>>) dst(%arg27 : memref<10000xf32, #tpu.memory_space<vmem>>)
      tpu.yield
    }) : () -> ()
    "tpu.region"() ({
      %run_scoped3A = tpu.sem_alloc : memref<!tpu.dma_semaphore, #tpu.memory_space<semaphore_mem>>
      %dma_start3A = arith.constant 0 : i32
      %dma_start3A_16 = tpu.memref_slice %arg15[%dma_start3A] : memref<100352xf32, #tpu.memory_space<vmem_shared>> -> memref<100352xf32, #tpu.memory_space<vmem_shared>>
      tpu.enqueue_indirect_dma source(%dma_start3A_16 : memref<100352xf32, #tpu.memory_space<vmem_shared>>) target(%arg28 : memref<10000xf32, #tpu.memory_space<vmem>>) offsets(%arg23 : memref<10000xi32, #tpu.memory_space<vmem>>) semaphore(%run_scoped3A : memref<!tpu.dma_semaphore, #tpu.memory_space<semaphore_mem>>)
      %dma_wait3A = arith.constant 0 : i32
      %dma_wait3A_17 = tpu.memref_slice %arg15[%dma_wait3A] : memref<100352xf32, #tpu.memory_space<vmem_shared>> -> memref<100352xf32, #tpu.memory_space<vmem_shared>>
      tpu.wait_indirect_dma semaphore(%run_scoped3A : memref<!tpu.dma_semaphore, #tpu.memory_space<semaphore_mem>>) src(%dma_wait3A_17 : memref<100352xf32, #tpu.memory_space<vmem_shared>>) dst(%arg28 : memref<10000xf32, #tpu.memory_space<vmem>>)
      tpu.yield
    }) : () -> ()
    "tpu.region"() ({
      %run_scoped3A = tpu.sem_alloc : memref<!tpu.dma_semaphore, #tpu.memory_space<semaphore_mem>>
      %dma_start3A = arith.constant 0 : i32
      %dma_start3A_16 = tpu.memref_slice %arg16[%dma_start3A] : memref<100352xf32, #tpu.memory_space<vmem_shared>> -> memref<100352xf32, #tpu.memory_space<vmem_shared>>
      tpu.enqueue_indirect_dma source(%arg24 : memref<10000xf32, #tpu.memory_space<vmem>>) target(%dma_start3A_16 : memref<100352xf32, #tpu.memory_space<vmem_shared>>) offsets(%arg23 : memref<10000xi32, #tpu.memory_space<vmem>>) semaphore(%run_scoped3A : memref<!tpu.dma_semaphore, #tpu.memory_space<semaphore_mem>>) {add = true}
      %dma_wait3A = arith.constant 0 : i32
      %dma_wait3A_17 = tpu.memref_slice %arg16[%dma_wait3A] : memref<100352xf32, #tpu.memory_space<vmem_shared>> -> memref<100352xf32, #tpu.memory_space<vmem_shared>>
      tpu.wait_indirect_dma semaphore(%run_scoped3A : memref<!tpu.dma_semaphore, #tpu.memory_space<semaphore_mem>>) src(%arg24 : memref<10000xf32, #tpu.memory_space<vmem>>) dst(%dma_wait3A_17 : memref<100352xf32, #tpu.memory_space<vmem_shared>>)
      tpu.yield
    }) : () -> ()
    "tpu.region"() ({
      %run_scoped3A = tpu.sem_alloc : memref<!tpu.dma_semaphore, #tpu.memory_space<semaphore_mem>>
      %dma_start3A = arith.constant 0 : i32
      %dma_start3A_16 = tpu.memref_slice %arg17[%dma_start3A] : memref<100352xf32, #tpu.memory_space<vmem_shared>> -> memref<100352xf32, #tpu.memory_space<vmem_shared>>
      tpu.enqueue_indirect_dma source(%arg25 : memref<10000xf32, #tpu.memory_space<vmem>>) target(%dma_start3A_16 : memref<100352xf32, #tpu.memory_space<vmem_shared>>) offsets(%arg23 : memref<10000xi32, #tpu.memory_space<vmem>>) semaphore(%run_scoped3A : memref<!tpu.dma_semaphore, #tpu.memory_space<semaphore_mem>>) {add = true}
      %dma_wait3A = arith.constant 0 : i32
      %dma_wait3A_17 = tpu.memref_slice %arg17[%dma_wait3A] : memref<100352xf32, #tpu.memory_space<vmem_shared>> -> memref<100352xf32, #tpu.memory_space<vmem_shared>>
      tpu.wait_indirect_dma semaphore(%run_scoped3A : memref<!tpu.dma_semaphore, #tpu.memory_space<semaphore_mem>>) src(%arg25 : memref<10000xf32, #tpu.memory_space<vmem>>) dst(%dma_wait3A_17 : memref<100352xf32, #tpu.memory_space<vmem_shared>>)
      tpu.yield
    }) : () -> ()
    "tpu.region"() ({
      %run_scoped3A = tpu.sem_alloc : memref<!tpu.dma_semaphore, #tpu.memory_space<semaphore_mem>>
      %dma_start3A = arith.constant 0 : i32
      %dma_start3A_16 = tpu.memref_slice %arg18[%dma_start3A] : memref<100352xf32, #tpu.memory_space<vmem_shared>> -> memref<100352xf32, #tpu.memory_space<vmem_shared>>
      tpu.enqueue_indirect_dma source(%arg26 : memref<10000xf32, #tpu.memory_space<vmem>>) target(%dma_start3A_16 : memref<100352xf32, #tpu.memory_space<vmem_shared>>) offsets(%arg23 : memref<10000xi32, #tpu.memory_space<vmem>>) semaphore(%run_scoped3A : memref<!tpu.dma_semaphore, #tpu.memory_space<semaphore_mem>>) {add = true}
      %dma_wait3A = arith.constant 0 : i32
      %dma_wait3A_17 = tpu.memref_slice %arg18[%dma_wait3A] : memref<100352xf32, #tpu.memory_space<vmem_shared>> -> memref<100352xf32, #tpu.memory_space<vmem_shared>>
      tpu.wait_indirect_dma semaphore(%run_scoped3A : memref<!tpu.dma_semaphore, #tpu.memory_space<semaphore_mem>>) src(%arg26 : memref<10000xf32, #tpu.memory_space<vmem>>) dst(%dma_wait3A_17 : memref<100352xf32, #tpu.memory_space<vmem_shared>>)
      tpu.yield
    }) : () -> ()
    "tpu.region"() ({
      %run_scoped3A = tpu.sem_alloc : memref<!tpu.dma_semaphore, #tpu.memory_space<semaphore_mem>>
      %dma_start3A = arith.constant 0 : i32
      %dma_start3A_16 = tpu.memref_slice %arg19[%dma_start3A] : memref<100352xf32, #tpu.memory_space<vmem_shared>> -> memref<100352xf32, #tpu.memory_space<vmem_shared>>
      tpu.enqueue_indirect_dma source(%arg27 : memref<10000xf32, #tpu.memory_space<vmem>>) target(%dma_start3A_16 : memref<100352xf32, #tpu.memory_space<vmem_shared>>) offsets(%arg23 : memref<10000xi32, #tpu.memory_space<vmem>>) semaphore(%run_scoped3A : memref<!tpu.dma_semaphore, #tpu.memory_space<semaphore_mem>>) {add = true}
      %dma_wait3A = arith.constant 0 : i32
      %dma_wait3A_17 = tpu.memref_slice %arg19[%dma_wait3A] : memref<100352xf32, #tpu.memory_space<vmem_shared>> -> memref<100352xf32, #tpu.memory_space<vmem_shared>>
      tpu.wait_indirect_dma semaphore(%run_scoped3A : memref<!tpu.dma_semaphore, #tpu.memory_space<semaphore_mem>>) src(%arg27 : memref<10000xf32, #tpu.memory_space<vmem>>) dst(%dma_wait3A_17 : memref<100352xf32, #tpu.memory_space<vmem_shared>>)
      tpu.yield
    }) : () -> ()
    "tpu.region"() ({
      %run_scoped3A = tpu.sem_alloc : memref<!tpu.dma_semaphore, #tpu.memory_space<semaphore_mem>>
      %dma_start3A = arith.constant 0 : i32
      %dma_start3A_16 = tpu.memref_slice %arg20[%dma_start3A] : memref<100352xf32, #tpu.memory_space<vmem_shared>> -> memref<100352xf32, #tpu.memory_space<vmem_shared>>
      tpu.enqueue_indirect_dma source(%arg28 : memref<10000xf32, #tpu.memory_space<vmem>>) target(%dma_start3A_16 : memref<100352xf32, #tpu.memory_space<vmem_shared>>) offsets(%arg22 : memref<10000xi32, #tpu.memory_space<vmem>>) semaphore(%run_scoped3A : memref<!tpu.dma_semaphore, #tpu.memory_space<semaphore_mem>>) {add = true}
      %dma_wait3A = arith.constant 0 : i32
      %dma_wait3A_17 = tpu.memref_slice %arg20[%dma_wait3A] : memref<100352xf32, #tpu.memory_space<vmem_shared>> -> memref<100352xf32, #tpu.memory_space<vmem_shared>>
      tpu.wait_indirect_dma semaphore(%run_scoped3A : memref<!tpu.dma_semaphore, #tpu.memory_space<semaphore_mem>>) src(%arg28 : memref<10000xf32, #tpu.memory_space<vmem>>) dst(%dma_wait3A_17 : memref<100352xf32, #tpu.memory_space<vmem_shared>>)
      tpu.yield
    }) : () -> ()
    %add3A_11 = arith.constant 30000 : i32
    %add3A_12 = arith.addi %mul3A_4, %add3A_11 : i32
    "tpu.region"() ({
      %run_scoped3A = tpu.sem_alloc : memref<!tpu.dma_semaphore, #tpu.memory_space<semaphore_mem>>
      %dma_start3A = tpu.memref_slice %arg2[%add3A_12] : memref<1600000xi32, #tpu.memory_space<hbm>> -> memref<10000xi32, #tpu.memory_space<hbm>>
      %dma_start3A_16 = tpu.memref_slice %arg2[%add3A_12] : memref<1600000xi32, #tpu.memory_space<hbm>> -> memref<10000xi32, #tpu.memory_space<hbm>>
      tpu.enqueue_dma source(%dma_start3A_16 : memref<10000xi32, #tpu.memory_space<hbm>>) target(%arg22 : memref<10000xi32, #tpu.memory_space<vmem>>) target_semaphore(%run_scoped3A : memref<!tpu.dma_semaphore, #tpu.memory_space<semaphore_mem>>)
      %dma_wait3A = tpu.memref_slice %arg2[%add3A_12] : memref<1600000xi32, #tpu.memory_space<hbm>> -> memref<10000xi32, #tpu.memory_space<hbm>>
      %dma_wait3A_17 = tpu.memref_slice %arg2[%add3A_12] : memref<1600000xi32, #tpu.memory_space<hbm>> -> memref<10000xi32, #tpu.memory_space<hbm>>
      tpu.wait_dma2 semaphore(%run_scoped3A : memref<!tpu.dma_semaphore, #tpu.memory_space<semaphore_mem>>) src(%dma_wait3A_17 : memref<10000xi32, #tpu.memory_space<hbm>>) dst(%arg22 : memref<10000xi32, #tpu.memory_space<vmem>>)
      tpu.yield
    }) : () -> ()
    "tpu.region"() ({
      %run_scoped3A = tpu.sem_alloc : memref<!tpu.dma_semaphore, #tpu.memory_space<semaphore_mem>>
      %dma_start3A = tpu.memref_slice %arg3[%add3A_12] : memref<1600000xi32, #tpu.memory_space<hbm>> -> memref<10000xi32, #tpu.memory_space<hbm>>
      %dma_start3A_16 = tpu.memref_slice %arg3[%add3A_12] : memref<1600000xi32, #tpu.memory_space<hbm>> -> memref<10000xi32, #tpu.memory_space<hbm>>
      tpu.enqueue_dma source(%dma_start3A_16 : memref<10000xi32, #tpu.memory_space<hbm>>) target(%arg23 : memref<10000xi32, #tpu.memory_space<vmem>>) target_semaphore(%run_scoped3A : memref<!tpu.dma_semaphore, #tpu.memory_space<semaphore_mem>>)
      %dma_wait3A = tpu.memref_slice %arg3[%add3A_12] : memref<1600000xi32, #tpu.memory_space<hbm>> -> memref<10000xi32, #tpu.memory_space<hbm>>
      %dma_wait3A_17 = tpu.memref_slice %arg3[%add3A_12] : memref<1600000xi32, #tpu.memory_space<hbm>> -> memref<10000xi32, #tpu.memory_space<hbm>>
      tpu.wait_dma2 semaphore(%run_scoped3A : memref<!tpu.dma_semaphore, #tpu.memory_space<semaphore_mem>>) src(%dma_wait3A_17 : memref<10000xi32, #tpu.memory_space<hbm>>) dst(%arg23 : memref<10000xi32, #tpu.memory_space<vmem>>)
      tpu.yield
    }) : () -> ()
    "tpu.region"() ({
      %run_scoped3A = tpu.sem_alloc : memref<!tpu.dma_semaphore, #tpu.memory_space<semaphore_mem>>
      %dma_start3A = arith.constant 0 : i32
      %dma_start3A_16 = tpu.memref_slice %arg4[%dma_start3A] : memref<100352xf32, #tpu.memory_space<hbm>> -> memref<100352xf32, #tpu.memory_space<hbm>>
      tpu.enqueue_indirect_dma source(%dma_start3A_16 : memref<100352xf32, #tpu.memory_space<hbm>>) target(%arg24 : memref<10000xf32, #tpu.memory_space<vmem>>) offsets(%arg22 : memref<10000xi32, #tpu.memory_space<vmem>>) semaphore(%run_scoped3A : memref<!tpu.dma_semaphore, #tpu.memory_space<semaphore_mem>>)
      %dma_wait3A = arith.constant 0 : i32
      %dma_wait3A_17 = tpu.memref_slice %arg4[%dma_wait3A] : memref<100352xf32, #tpu.memory_space<hbm>> -> memref<100352xf32, #tpu.memory_space<hbm>>
      tpu.wait_indirect_dma semaphore(%run_scoped3A : memref<!tpu.dma_semaphore, #tpu.memory_space<semaphore_mem>>) src(%dma_wait3A_17 : memref<100352xf32, #tpu.memory_space<hbm>>) dst(%arg24 : memref<10000xf32, #tpu.memory_space<vmem>>)
      tpu.yield
    }) : () -> ()
    "tpu.region"() ({
      %run_scoped3A = tpu.sem_alloc : memref<!tpu.dma_semaphore, #tpu.memory_space<semaphore_mem>>
      %dma_start3A = arith.constant 0 : i32
      %dma_start3A_16 = tpu.memref_slice %arg5[%dma_start3A] : memref<100352xf32, #tpu.memory_space<hbm>> -> memref<100352xf32, #tpu.memory_space<hbm>>
      tpu.enqueue_indirect_dma source(%dma_start3A_16 : memref<100352xf32, #tpu.memory_space<hbm>>) target(%arg25 : memref<10000xf32, #tpu.memory_space<vmem>>) offsets(%arg22 : memref<10000xi32, #tpu.memory_space<vmem>>) semaphore(%run_scoped3A : memref<!tpu.dma_semaphore, #tpu.memory_space<semaphore_mem>>)
      %dma_wait3A = arith.constant 0 : i32
      %dma_wait3A_17 = tpu.memref_slice %arg5[%dma_wait3A] : memref<100352xf32, #tpu.memory_space<hbm>> -> memref<100352xf32, #tpu.memory_space<hbm>>
      tpu.wait_indirect_dma semaphore(%run_scoped3A : memref<!tpu.dma_semaphore, #tpu.memory_space<semaphore_mem>>) src(%dma_wait3A_17 : memref<100352xf32, #tpu.memory_space<hbm>>) dst(%arg25 : memref<10000xf32, #tpu.memory_space<vmem>>)
      tpu.yield
    }) : () -> ()
    "tpu.region"() ({
      %run_scoped3A = tpu.sem_alloc : memref<!tpu.dma_semaphore, #tpu.memory_space<semaphore_mem>>
      %dma_start3A = arith.constant 0 : i32
      %dma_start3A_16 = tpu.memref_slice %arg6[%dma_start3A] : memref<100352xf32, #tpu.memory_space<hbm>> -> memref<100352xf32, #tpu.memory_space<hbm>>
      tpu.enqueue_indirect_dma source(%dma_start3A_16 : memref<100352xf32, #tpu.memory_space<hbm>>) target(%arg26 : memref<10000xf32, #tpu.memory_space<vmem>>) offsets(%arg22 : memref<10000xi32, #tpu.memory_space<vmem>>) semaphore(%run_scoped3A : memref<!tpu.dma_semaphore, #tpu.memory_space<semaphore_mem>>)
      %dma_wait3A = arith.constant 0 : i32
      %dma_wait3A_17 = tpu.memref_slice %arg6[%dma_wait3A] : memref<100352xf32, #tpu.memory_space<hbm>> -> memref<100352xf32, #tpu.memory_space<hbm>>
      tpu.wait_indirect_dma semaphore(%run_scoped3A : memref<!tpu.dma_semaphore, #tpu.memory_space<semaphore_mem>>) src(%dma_wait3A_17 : memref<100352xf32, #tpu.memory_space<hbm>>) dst(%arg26 : memref<10000xf32, #tpu.memory_space<vmem>>)
      tpu.yield
    }) : () -> ()
    "tpu.region"() ({
      %run_scoped3A = tpu.sem_alloc : memref<!tpu.dma_semaphore, #tpu.memory_space<semaphore_mem>>
      %dma_start3A = arith.constant 0 : i32
      %dma_start3A_16 = tpu.memref_slice %arg7[%dma_start3A] : memref<100352xf32, #tpu.memory_space<hbm>> -> memref<100352xf32, #tpu.memory_space<hbm>>
      tpu.enqueue_indirect_dma source(%dma_start3A_16 : memref<100352xf32, #tpu.memory_space<hbm>>) target(%arg27 : memref<10000xf32, #tpu.memory_space<vmem>>) offsets(%arg22 : memref<10000xi32, #tpu.memory_space<vmem>>) semaphore(%run_scoped3A : memref<!tpu.dma_semaphore, #tpu.memory_space<semaphore_mem>>)
      %dma_wait3A = arith.constant 0 : i32
      %dma_wait3A_17 = tpu.memref_slice %arg7[%dma_wait3A] : memref<100352xf32, #tpu.memory_space<hbm>> -> memref<100352xf32, #tpu.memory_space<hbm>>
      tpu.wait_indirect_dma semaphore(%run_scoped3A : memref<!tpu.dma_semaphore, #tpu.memory_space<semaphore_mem>>) src(%dma_wait3A_17 : memref<100352xf32, #tpu.memory_space<hbm>>) dst(%arg27 : memref<10000xf32, #tpu.memory_space<vmem>>)
      tpu.yield
    }) : () -> ()
    "tpu.region"() ({
      %run_scoped3A = tpu.sem_alloc : memref<!tpu.dma_semaphore, #tpu.memory_space<semaphore_mem>>
      %dma_start3A = arith.constant 0 : i32
      %dma_start3A_16 = tpu.memref_slice %arg15[%dma_start3A] : memref<100352xf32, #tpu.memory_space<vmem_shared>> -> memref<100352xf32, #tpu.memory_space<vmem_shared>>
      tpu.enqueue_indirect_dma source(%dma_start3A_16 : memref<100352xf32, #tpu.memory_space<vmem_shared>>) target(%arg28 : memref<10000xf32, #tpu.memory_space<vmem>>) offsets(%arg23 : memref<10000xi32, #tpu.memory_space<vmem>>) semaphore(%run_scoped3A : memref<!tpu.dma_semaphore, #tpu.memory_space<semaphore_mem>>)
      %dma_wait3A = arith.constant 0 : i32
      %dma_wait3A_17 = tpu.memref_slice %arg15[%dma_wait3A] : memref<100352xf32, #tpu.memory_space<vmem_shared>> -> memref<100352xf32, #tpu.memory_space<vmem_shared>>
      tpu.wait_indirect_dma semaphore(%run_scoped3A : memref<!tpu.dma_semaphore, #tpu.memory_space<semaphore_mem>>) src(%dma_wait3A_17 : memref<100352xf32, #tpu.memory_space<vmem_shared>>) dst(%arg28 : memref<10000xf32, #tpu.memory_space<vmem>>)
      tpu.yield
    }) : () -> ()
    "tpu.region"() ({
      %run_scoped3A = tpu.sem_alloc : memref<!tpu.dma_semaphore, #tpu.memory_space<semaphore_mem>>
      %dma_start3A = arith.constant 0 : i32
      %dma_start3A_16 = tpu.memref_slice %arg16[%dma_start3A] : memref<100352xf32, #tpu.memory_space<vmem_shared>> -> memref<100352xf32, #tpu.memory_space<vmem_shared>>
      tpu.enqueue_indirect_dma source(%arg24 : memref<10000xf32, #tpu.memory_space<vmem>>) target(%dma_start3A_16 : memref<100352xf32, #tpu.memory_space<vmem_shared>>) offsets(%arg23 : memref<10000xi32, #tpu.memory_space<vmem>>) semaphore(%run_scoped3A : memref<!tpu.dma_semaphore, #tpu.memory_space<semaphore_mem>>) {add = true}
      %dma_wait3A = arith.constant 0 : i32
      %dma_wait3A_17 = tpu.memref_slice %arg16[%dma_wait3A] : memref<100352xf32, #tpu.memory_space<vmem_shared>> -> memref<100352xf32, #tpu.memory_space<vmem_shared>>
      tpu.wait_indirect_dma semaphore(%run_scoped3A : memref<!tpu.dma_semaphore, #tpu.memory_space<semaphore_mem>>) src(%arg24 : memref<10000xf32, #tpu.memory_space<vmem>>) dst(%dma_wait3A_17 : memref<100352xf32, #tpu.memory_space<vmem_shared>>)
      tpu.yield
    }) : () -> ()
    "tpu.region"() ({
      %run_scoped3A = tpu.sem_alloc : memref<!tpu.dma_semaphore, #tpu.memory_space<semaphore_mem>>
      %dma_start3A = arith.constant 0 : i32
      %dma_start3A_16 = tpu.memref_slice %arg17[%dma_start3A] : memref<100352xf32, #tpu.memory_space<vmem_shared>> -> memref<100352xf32, #tpu.memory_space<vmem_shared>>
      tpu.enqueue_indirect_dma source(%arg25 : memref<10000xf32, #tpu.memory_space<vmem>>) target(%dma_start3A_16 : memref<100352xf32, #tpu.memory_space<vmem_shared>>) offsets(%arg23 : memref<10000xi32, #tpu.memory_space<vmem>>) semaphore(%run_scoped3A : memref<!tpu.dma_semaphore, #tpu.memory_space<semaphore_mem>>) {add = true}
      %dma_wait3A = arith.constant 0 : i32
      %dma_wait3A_17 = tpu.memref_slice %arg17[%dma_wait3A] : memref<100352xf32, #tpu.memory_space<vmem_shared>> -> memref<100352xf32, #tpu.memory_space<vmem_shared>>
      tpu.wait_indirect_dma semaphore(%run_scoped3A : memref<!tpu.dma_semaphore, #tpu.memory_space<semaphore_mem>>) src(%arg25 : memref<10000xf32, #tpu.memory_space<vmem>>) dst(%dma_wait3A_17 : memref<100352xf32, #tpu.memory_space<vmem_shared>>)
      tpu.yield
    }) : () -> ()
    "tpu.region"() ({
      %run_scoped3A = tpu.sem_alloc : memref<!tpu.dma_semaphore, #tpu.memory_space<semaphore_mem>>
      %dma_start3A = arith.constant 0 : i32
      %dma_start3A_16 = tpu.memref_slice %arg18[%dma_start3A] : memref<100352xf32, #tpu.memory_space<vmem_shared>> -> memref<100352xf32, #tpu.memory_space<vmem_shared>>
      tpu.enqueue_indirect_dma source(%arg26 : memref<10000xf32, #tpu.memory_space<vmem>>) target(%dma_start3A_16 : memref<100352xf32, #tpu.memory_space<vmem_shared>>) offsets(%arg23 : memref<10000xi32, #tpu.memory_space<vmem>>) semaphore(%run_scoped3A : memref<!tpu.dma_semaphore, #tpu.memory_space<semaphore_mem>>) {add = true}
      %dma_wait3A = arith.constant 0 : i32
      %dma_wait3A_17 = tpu.memref_slice %arg18[%dma_wait3A] : memref<100352xf32, #tpu.memory_space<vmem_shared>> -> memref<100352xf32, #tpu.memory_space<vmem_shared>>
      tpu.wait_indirect_dma semaphore(%run_scoped3A : memref<!tpu.dma_semaphore, #tpu.memory_space<semaphore_mem>>) src(%arg26 : memref<10000xf32, #tpu.memory_space<vmem>>) dst(%dma_wait3A_17 : memref<100352xf32, #tpu.memory_space<vmem_shared>>)
      tpu.yield
    }) : () -> ()
    "tpu.region"() ({
      %run_scoped3A = tpu.sem_alloc : memref<!tpu.dma_semaphore, #tpu.memory_space<semaphore_mem>>
      %dma_start3A = arith.constant 0 : i32
      %dma_start3A_16 = tpu.memref_slice %arg19[%dma_start3A] : memref<100352xf32, #tpu.memory_space<vmem_shared>> -> memref<100352xf32, #tpu.memory_space<vmem_shared>>
      tpu.enqueue_indirect_dma source(%arg27 : memref<10000xf32, #tpu.memory_space<vmem>>) target(%dma_start3A_16 : memref<100352xf32, #tpu.memory_space<vmem_shared>>) offsets(%arg23 : memref<10000xi32, #tpu.memory_space<vmem>>) semaphore(%run_scoped3A : memref<!tpu.dma_semaphore, #tpu.memory_space<semaphore_mem>>) {add = true}
      %dma_wait3A = arith.constant 0 : i32
      %dma_wait3A_17 = tpu.memref_slice %arg19[%dma_wait3A] : memref<100352xf32, #tpu.memory_space<vmem_shared>> -> memref<100352xf32, #tpu.memory_space<vmem_shared>>
      tpu.wait_indirect_dma semaphore(%run_scoped3A : memref<!tpu.dma_semaphore, #tpu.memory_space<semaphore_mem>>) src(%arg27 : memref<10000xf32, #tpu.memory_space<vmem>>) dst(%dma_wait3A_17 : memref<100352xf32, #tpu.memory_space<vmem_shared>>)
      tpu.yield
    }) : () -> ()
    "tpu.region"() ({
      %run_scoped3A = tpu.sem_alloc : memref<!tpu.dma_semaphore, #tpu.memory_space<semaphore_mem>>
      %dma_start3A = arith.constant 0 : i32
      %dma_start3A_16 = tpu.memref_slice %arg20[%dma_start3A] : memref<100352xf32, #tpu.memory_space<vmem_shared>> -> memref<100352xf32, #tpu.memory_space<vmem_shared>>
      tpu.enqueue_indirect_dma source(%arg28 : memref<10000xf32, #tpu.memory_space<vmem>>) target(%dma_start3A_16 : memref<100352xf32, #tpu.memory_space<vmem_shared>>) offsets(%arg22 : memref<10000xi32, #tpu.memory_space<vmem>>) semaphore(%run_scoped3A : memref<!tpu.dma_semaphore, #tpu.memory_space<semaphore_mem>>) {add = true}
      %dma_wait3A = arith.constant 0 : i32
      %dma_wait3A_17 = tpu.memref_slice %arg20[%dma_wait3A] : memref<100352xf32, #tpu.memory_space<vmem_shared>> -> memref<100352xf32, #tpu.memory_space<vmem_shared>>
      tpu.wait_indirect_dma semaphore(%run_scoped3A : memref<!tpu.dma_semaphore, #tpu.memory_space<semaphore_mem>>) src(%arg28 : memref<10000xf32, #tpu.memory_space<vmem>>) dst(%dma_wait3A_17 : memref<100352xf32, #tpu.memory_space<vmem_shared>>)
      tpu.yield
    }) : () -> ()
    %add3A_13 = arith.constant 40000 : i32
    %add3A_14 = arith.addi %mul3A_4, %add3A_13 : i32
    "tpu.region"() ({
      %run_scoped3A = tpu.sem_alloc : memref<!tpu.dma_semaphore, #tpu.memory_space<semaphore_mem>>
      %dma_start3A = tpu.memref_slice %arg2[%add3A_14] : memref<1600000xi32, #tpu.memory_space<hbm>> -> memref<10000xi32, #tpu.memory_space<hbm>>
      %dma_start3A_16 = tpu.memref_slice %arg2[%add3A_14] : memref<1600000xi32, #tpu.memory_space<hbm>> -> memref<10000xi32, #tpu.memory_space<hbm>>
      tpu.enqueue_dma source(%dma_start3A_16 : memref<10000xi32, #tpu.memory_space<hbm>>) target(%arg22 : memref<10000xi32, #tpu.memory_space<vmem>>) target_semaphore(%run_scoped3A : memref<!tpu.dma_semaphore, #tpu.memory_space<semaphore_mem>>)
      %dma_wait3A = tpu.memref_slice %arg2[%add3A_14] : memref<1600000xi32, #tpu.memory_space<hbm>> -> memref<10000xi32, #tpu.memory_space<hbm>>
      %dma_wait3A_17 = tpu.memref_slice %arg2[%add3A_14] : memref<1600000xi32, #tpu.memory_space<hbm>> -> memref<10000xi32, #tpu.memory_space<hbm>>
      tpu.wait_dma2 semaphore(%run_scoped3A : memref<!tpu.dma_semaphore, #tpu.memory_space<semaphore_mem>>) src(%dma_wait3A_17 : memref<10000xi32, #tpu.memory_space<hbm>>) dst(%arg22 : memref<10000xi32, #tpu.memory_space<vmem>>)
      tpu.yield
    }) : () -> ()
    "tpu.region"() ({
      %run_scoped3A = tpu.sem_alloc : memref<!tpu.dma_semaphore, #tpu.memory_space<semaphore_mem>>
      %dma_start3A = tpu.memref_slice %arg3[%add3A_14] : memref<1600000xi32, #tpu.memory_space<hbm>> -> memref<10000xi32, #tpu.memory_space<hbm>>
      %dma_start3A_16 = tpu.memref_slice %arg3[%add3A_14] : memref<1600000xi32, #tpu.memory_space<hbm>> -> memref<10000xi32, #tpu.memory_space<hbm>>
      tpu.enqueue_dma source(%dma_start3A_16 : memref<10000xi32, #tpu.memory_space<hbm>>) target(%arg23 : memref<10000xi32, #tpu.memory_space<vmem>>) target_semaphore(%run_scoped3A : memref<!tpu.dma_semaphore, #tpu.memory_space<semaphore_mem>>)
      %dma_wait3A = tpu.memref_slice %arg3[%add3A_14] : memref<1600000xi32, #tpu.memory_space<hbm>> -> memref<10000xi32, #tpu.memory_space<hbm>>
      %dma_wait3A_17 = tpu.memref_slice %arg3[%add3A_14] : memref<1600000xi32, #tpu.memory_space<hbm>> -> memref<10000xi32, #tpu.memory_space<hbm>>
      tpu.wait_dma2 semaphore(%run_scoped3A : memref<!tpu.dma_semaphore, #tpu.memory_space<semaphore_mem>>) src(%dma_wait3A_17 : memref<10000xi32, #tpu.memory_space<hbm>>) dst(%arg23 : memref<10000xi32, #tpu.memory_space<vmem>>)
      tpu.yield
    }) : () -> ()
    "tpu.region"() ({
      %run_scoped3A = tpu.sem_alloc : memref<!tpu.dma_semaphore, #tpu.memory_space<semaphore_mem>>
      %dma_start3A = arith.constant 0 : i32
      %dma_start3A_16 = tpu.memref_slice %arg4[%dma_start3A] : memref<100352xf32, #tpu.memory_space<hbm>> -> memref<100352xf32, #tpu.memory_space<hbm>>
      tpu.enqueue_indirect_dma source(%dma_start3A_16 : memref<100352xf32, #tpu.memory_space<hbm>>) target(%arg24 : memref<10000xf32, #tpu.memory_space<vmem>>) offsets(%arg22 : memref<10000xi32, #tpu.memory_space<vmem>>) semaphore(%run_scoped3A : memref<!tpu.dma_semaphore, #tpu.memory_space<semaphore_mem>>)
      %dma_wait3A = arith.constant 0 : i32
      %dma_wait3A_17 = tpu.memref_slice %arg4[%dma_wait3A] : memref<100352xf32, #tpu.memory_space<hbm>> -> memref<100352xf32, #tpu.memory_space<hbm>>
      tpu.wait_indirect_dma semaphore(%run_scoped3A : memref<!tpu.dma_semaphore, #tpu.memory_space<semaphore_mem>>) src(%dma_wait3A_17 : memref<100352xf32, #tpu.memory_space<hbm>>) dst(%arg24 : memref<10000xf32, #tpu.memory_space<vmem>>)
      tpu.yield
    }) : () -> ()
    "tpu.region"() ({
      %run_scoped3A = tpu.sem_alloc : memref<!tpu.dma_semaphore, #tpu.memory_space<semaphore_mem>>
      %dma_start3A = arith.constant 0 : i32
      %dma_start3A_16 = tpu.memref_slice %arg5[%dma_start3A] : memref<100352xf32, #tpu.memory_space<hbm>> -> memref<100352xf32, #tpu.memory_space<hbm>>
      tpu.enqueue_indirect_dma source(%dma_start3A_16 : memref<100352xf32, #tpu.memory_space<hbm>>) target(%arg25 : memref<10000xf32, #tpu.memory_space<vmem>>) offsets(%arg22 : memref<10000xi32, #tpu.memory_space<vmem>>) semaphore(%run_scoped3A : memref<!tpu.dma_semaphore, #tpu.memory_space<semaphore_mem>>)
      %dma_wait3A = arith.constant 0 : i32
      %dma_wait3A_17 = tpu.memref_slice %arg5[%dma_wait3A] : memref<100352xf32, #tpu.memory_space<hbm>> -> memref<100352xf32, #tpu.memory_space<hbm>>
      tpu.wait_indirect_dma semaphore(%run_scoped3A : memref<!tpu.dma_semaphore, #tpu.memory_space<semaphore_mem>>) src(%dma_wait3A_17 : memref<100352xf32, #tpu.memory_space<hbm>>) dst(%arg25 : memref<10000xf32, #tpu.memory_space<vmem>>)
      tpu.yield
    }) : () -> ()
    "tpu.region"() ({
      %run_scoped3A = tpu.sem_alloc : memref<!tpu.dma_semaphore, #tpu.memory_space<semaphore_mem>>
      %dma_start3A = arith.constant 0 : i32
      %dma_start3A_16 = tpu.memref_slice %arg6[%dma_start3A] : memref<100352xf32, #tpu.memory_space<hbm>> -> memref<100352xf32, #tpu.memory_space<hbm>>
      tpu.enqueue_indirect_dma source(%dma_start3A_16 : memref<100352xf32, #tpu.memory_space<hbm>>) target(%arg26 : memref<10000xf32, #tpu.memory_space<vmem>>) offsets(%arg22 : memref<10000xi32, #tpu.memory_space<vmem>>) semaphore(%run_scoped3A : memref<!tpu.dma_semaphore, #tpu.memory_space<semaphore_mem>>)
      %dma_wait3A = arith.constant 0 : i32
      %dma_wait3A_17 = tpu.memref_slice %arg6[%dma_wait3A] : memref<100352xf32, #tpu.memory_space<hbm>> -> memref<100352xf32, #tpu.memory_space<hbm>>
      tpu.wait_indirect_dma semaphore(%run_scoped3A : memref<!tpu.dma_semaphore, #tpu.memory_space<semaphore_mem>>) src(%dma_wait3A_17 : memref<100352xf32, #tpu.memory_space<hbm>>) dst(%arg26 : memref<10000xf32, #tpu.memory_space<vmem>>)
      tpu.yield
    }) : () -> ()
    "tpu.region"() ({
      %run_scoped3A = tpu.sem_alloc : memref<!tpu.dma_semaphore, #tpu.memory_space<semaphore_mem>>
      %dma_start3A = arith.constant 0 : i32
      %dma_start3A_16 = tpu.memref_slice %arg7[%dma_start3A] : memref<100352xf32, #tpu.memory_space<hbm>> -> memref<100352xf32, #tpu.memory_space<hbm>>
      tpu.enqueue_indirect_dma source(%dma_start3A_16 : memref<100352xf32, #tpu.memory_space<hbm>>) target(%arg27 : memref<10000xf32, #tpu.memory_space<vmem>>) offsets(%arg22 : memref<10000xi32, #tpu.memory_space<vmem>>) semaphore(%run_scoped3A : memref<!tpu.dma_semaphore, #tpu.memory_space<semaphore_mem>>)
      %dma_wait3A = arith.constant 0 : i32
      %dma_wait3A_17 = tpu.memref_slice %arg7[%dma_wait3A] : memref<100352xf32, #tpu.memory_space<hbm>> -> memref<100352xf32, #tpu.memory_space<hbm>>
      tpu.wait_indirect_dma semaphore(%run_scoped3A : memref<!tpu.dma_semaphore, #tpu.memory_space<semaphore_mem>>) src(%dma_wait3A_17 : memref<100352xf32, #tpu.memory_space<hbm>>) dst(%arg27 : memref<10000xf32, #tpu.memory_space<vmem>>)
      tpu.yield
    }) : () -> ()
    "tpu.region"() ({
      %run_scoped3A = tpu.sem_alloc : memref<!tpu.dma_semaphore, #tpu.memory_space<semaphore_mem>>
      %dma_start3A = arith.constant 0 : i32
      %dma_start3A_16 = tpu.memref_slice %arg15[%dma_start3A] : memref<100352xf32, #tpu.memory_space<vmem_shared>> -> memref<100352xf32, #tpu.memory_space<vmem_shared>>
      tpu.enqueue_indirect_dma source(%dma_start3A_16 : memref<100352xf32, #tpu.memory_space<vmem_shared>>) target(%arg28 : memref<10000xf32, #tpu.memory_space<vmem>>) offsets(%arg23 : memref<10000xi32, #tpu.memory_space<vmem>>) semaphore(%run_scoped3A : memref<!tpu.dma_semaphore, #tpu.memory_space<semaphore_mem>>)
      %dma_wait3A = arith.constant 0 : i32
      %dma_wait3A_17 = tpu.memref_slice %arg15[%dma_wait3A] : memref<100352xf32, #tpu.memory_space<vmem_shared>> -> memref<100352xf32, #tpu.memory_space<vmem_shared>>
      tpu.wait_indirect_dma semaphore(%run_scoped3A : memref<!tpu.dma_semaphore, #tpu.memory_space<semaphore_mem>>) src(%dma_wait3A_17 : memref<100352xf32, #tpu.memory_space<vmem_shared>>) dst(%arg28 : memref<10000xf32, #tpu.memory_space<vmem>>)
      tpu.yield
    }) : () -> ()
    "tpu.region"() ({
      %run_scoped3A = tpu.sem_alloc : memref<!tpu.dma_semaphore, #tpu.memory_space<semaphore_mem>>
      %dma_start3A = arith.constant 0 : i32
      %dma_start3A_16 = tpu.memref_slice %arg16[%dma_start3A] : memref<100352xf32, #tpu.memory_space<vmem_shared>> -> memref<100352xf32, #tpu.memory_space<vmem_shared>>
      tpu.enqueue_indirect_dma source(%arg24 : memref<10000xf32, #tpu.memory_space<vmem>>) target(%dma_start3A_16 : memref<100352xf32, #tpu.memory_space<vmem_shared>>) offsets(%arg23 : memref<10000xi32, #tpu.memory_space<vmem>>) semaphore(%run_scoped3A : memref<!tpu.dma_semaphore, #tpu.memory_space<semaphore_mem>>) {add = true}
      %dma_wait3A = arith.constant 0 : i32
      %dma_wait3A_17 = tpu.memref_slice %arg16[%dma_wait3A] : memref<100352xf32, #tpu.memory_space<vmem_shared>> -> memref<100352xf32, #tpu.memory_space<vmem_shared>>
      tpu.wait_indirect_dma semaphore(%run_scoped3A : memref<!tpu.dma_semaphore, #tpu.memory_space<semaphore_mem>>) src(%arg24 : memref<10000xf32, #tpu.memory_space<vmem>>) dst(%dma_wait3A_17 : memref<100352xf32, #tpu.memory_space<vmem_shared>>)
      tpu.yield
    }) : () -> ()
    "tpu.region"() ({
      %run_scoped3A = tpu.sem_alloc : memref<!tpu.dma_semaphore, #tpu.memory_space<semaphore_mem>>
      %dma_start3A = arith.constant 0 : i32
      %dma_start3A_16 = tpu.memref_slice %arg17[%dma_start3A] : memref<100352xf32, #tpu.memory_space<vmem_shared>> -> memref<100352xf32, #tpu.memory_space<vmem_shared>>
      tpu.enqueue_indirect_dma source(%arg25 : memref<10000xf32, #tpu.memory_space<vmem>>) target(%dma_start3A_16 : memref<100352xf32, #tpu.memory_space<vmem_shared>>) offsets(%arg23 : memref<10000xi32, #tpu.memory_space<vmem>>) semaphore(%run_scoped3A : memref<!tpu.dma_semaphore, #tpu.memory_space<semaphore_mem>>) {add = true}
      %dma_wait3A = arith.constant 0 : i32
      %dma_wait3A_17 = tpu.memref_slice %arg17[%dma_wait3A] : memref<100352xf32, #tpu.memory_space<vmem_shared>> -> memref<100352xf32, #tpu.memory_space<vmem_shared>>
      tpu.wait_indirect_dma semaphore(%run_scoped3A : memref<!tpu.dma_semaphore, #tpu.memory_space<semaphore_mem>>) src(%arg25 : memref<10000xf32, #tpu.memory_space<vmem>>) dst(%dma_wait3A_17 : memref<100352xf32, #tpu.memory_space<vmem_shared>>)
      tpu.yield
    }) : () -> ()
    "tpu.region"() ({
      %run_scoped3A = tpu.sem_alloc : memref<!tpu.dma_semaphore, #tpu.memory_space<semaphore_mem>>
      %dma_start3A = arith.constant 0 : i32
      %dma_start3A_16 = tpu.memref_slice %arg18[%dma_start3A] : memref<100352xf32, #tpu.memory_space<vmem_shared>> -> memref<100352xf32, #tpu.memory_space<vmem_shared>>
      tpu.enqueue_indirect_dma source(%arg26 : memref<10000xf32, #tpu.memory_space<vmem>>) target(%dma_start3A_16 : memref<100352xf32, #tpu.memory_space<vmem_shared>>) offsets(%arg23 : memref<10000xi32, #tpu.memory_space<vmem>>) semaphore(%run_scoped3A : memref<!tpu.dma_semaphore, #tpu.memory_space<semaphore_mem>>) {add = true}
      %dma_wait3A = arith.constant 0 : i32
      %dma_wait3A_17 = tpu.memref_slice %arg18[%dma_wait3A] : memref<100352xf32, #tpu.memory_space<vmem_shared>> -> memref<100352xf32, #tpu.memory_space<vmem_shared>>
      tpu.wait_indirect_dma semaphore(%run_scoped3A : memref<!tpu.dma_semaphore, #tpu.memory_space<semaphore_mem>>) src(%arg26 : memref<10000xf32, #tpu.memory_space<vmem>>) dst(%dma_wait3A_17 : memref<100352xf32, #tpu.memory_space<vmem_shared>>)
      tpu.yield
    }) : () -> ()
    "tpu.region"() ({
      %run_scoped3A = tpu.sem_alloc : memref<!tpu.dma_semaphore, #tpu.memory_space<semaphore_mem>>
      %dma_start3A = arith.constant 0 : i32
      %dma_start3A_16 = tpu.memref_slice %arg19[%dma_start3A] : memref<100352xf32, #tpu.memory_space<vmem_shared>> -> memref<100352xf32, #tpu.memory_space<vmem_shared>>
      tpu.enqueue_indirect_dma source(%arg27 : memref<10000xf32, #tpu.memory_space<vmem>>) target(%dma_start3A_16 : memref<100352xf32, #tpu.memory_space<vmem_shared>>) offsets(%arg23 : memref<10000xi32, #tpu.memory_space<vmem>>) semaphore(%run_scoped3A : memref<!tpu.dma_semaphore, #tpu.memory_space<semaphore_mem>>) {add = true}
      %dma_wait3A = arith.constant 0 : i32
      %dma_wait3A_17 = tpu.memref_slice %arg19[%dma_wait3A] : memref<100352xf32, #tpu.memory_space<vmem_shared>> -> memref<100352xf32, #tpu.memory_space<vmem_shared>>
      tpu.wait_indirect_dma semaphore(%run_scoped3A : memref<!tpu.dma_semaphore, #tpu.memory_space<semaphore_mem>>) src(%arg27 : memref<10000xf32, #tpu.memory_space<vmem>>) dst(%dma_wait3A_17 : memref<100352xf32, #tpu.memory_space<vmem_shared>>)
      tpu.yield
    }) : () -> ()
    "tpu.region"() ({
      %run_scoped3A = tpu.sem_alloc : memref<!tpu.dma_semaphore, #tpu.memory_space<semaphore_mem>>
      %dma_start3A = arith.constant 0 : i32
      %dma_start3A_16 = tpu.memref_slice %arg20[%dma_start3A] : memref<100352xf32, #tpu.memory_space<vmem_shared>> -> memref<100352xf32, #tpu.memory_space<vmem_shared>>
      tpu.enqueue_indirect_dma source(%arg28 : memref<10000xf32, #tpu.memory_space<vmem>>) target(%dma_start3A_16 : memref<100352xf32, #tpu.memory_space<vmem_shared>>) offsets(%arg22 : memref<10000xi32, #tpu.memory_space<vmem>>) semaphore(%run_scoped3A : memref<!tpu.dma_semaphore, #tpu.memory_space<semaphore_mem>>) {add = true}
      %dma_wait3A = arith.constant 0 : i32
      %dma_wait3A_17 = tpu.memref_slice %arg20[%dma_wait3A] : memref<100352xf32, #tpu.memory_space<vmem_shared>> -> memref<100352xf32, #tpu.memory_space<vmem_shared>>
      tpu.wait_indirect_dma semaphore(%run_scoped3A : memref<!tpu.dma_semaphore, #tpu.memory_space<semaphore_mem>>) src(%arg28 : memref<10000xf32, #tpu.memory_space<vmem>>) dst(%dma_wait3A_17 : memref<100352xf32, #tpu.memory_space<vmem_shared>>)
      tpu.yield
    }) : () -> ()
    %barrier3A_15 = arith.constant 0 : index
    tpu.barrier barrier_id(%barrier3A_15)
    "tpu.region"() ({
      %run_scoped3A = tpu.sem_alloc : memref<!tpu.dma_semaphore, #tpu.memory_space<semaphore_mem>>
      %dma_start3A = tpu.memref_slice %arg16[%mul3A_0] : memref<100352xf32, #tpu.memory_space<vmem_shared>> -> memref<6272xf32, #tpu.memory_space<vmem_shared>>
      %dma_start3A_16 = tpu.memref_slice %arg16[%mul3A_0] : memref<100352xf32, #tpu.memory_space<vmem_shared>> -> memref<6272xf32, #tpu.memory_space<vmem_shared>>
      tpu.enqueue_dma source(%dma_start3A_16 : memref<6272xf32, #tpu.memory_space<vmem_shared>>) target(%arg21 : memref<6272xf32, #tpu.memory_space<vmem>>) target_semaphore(%run_scoped3A : memref<!tpu.dma_semaphore, #tpu.memory_space<semaphore_mem>>)
      %dma_wait3A = tpu.memref_slice %arg16[%mul3A_0] : memref<100352xf32, #tpu.memory_space<vmem_shared>> -> memref<6272xf32, #tpu.memory_space<vmem_shared>>
      %dma_wait3A_17 = tpu.memref_slice %arg16[%mul3A_0] : memref<100352xf32, #tpu.memory_space<vmem_shared>> -> memref<6272xf32, #tpu.memory_space<vmem_shared>>
      tpu.wait_dma2 semaphore(%run_scoped3A : memref<!tpu.dma_semaphore, #tpu.memory_space<semaphore_mem>>) src(%dma_wait3A_17 : memref<6272xf32, #tpu.memory_space<vmem_shared>>) dst(%arg21 : memref<6272xf32, #tpu.memory_space<vmem>>)
      tpu.yield
    }) : () -> ()
    "tpu.region"() ({
      %run_scoped3A = tpu.sem_alloc : memref<!tpu.dma_semaphore, #tpu.memory_space<semaphore_mem>>
      %dma_start3A = tpu.memref_slice %arg10[%arg0, %mul3A_0] : memref<2x100352xf32, #tpu.memory_space<hbm>> -> memref<1x6272xf32, #tpu.memory_space<hbm>>
      %dma_start3A_16 = tpu.memref_squeeze %dma_start3A : memref<1x6272xf32, #tpu.memory_space<hbm>> -> memref<6272xf32, #tpu.memory_space<hbm>>
      %dma_start3A_17 = tpu.memref_slice %arg10[%arg0, %mul3A_0] : memref<2x100352xf32, #tpu.memory_space<hbm>> -> memref<1x6272xf32, #tpu.memory_space<hbm>>
      %dma_start3A_18 = tpu.memref_squeeze %dma_start3A_17 : memref<1x6272xf32, #tpu.memory_space<hbm>> -> memref<6272xf32, #tpu.memory_space<hbm>>
      tpu.enqueue_dma source(%arg21 : memref<6272xf32, #tpu.memory_space<vmem>>) target(%dma_start3A_18 : memref<6272xf32, #tpu.memory_space<hbm>>) target_semaphore(%run_scoped3A : memref<!tpu.dma_semaphore, #tpu.memory_space<semaphore_mem>>)
      %dma_wait3A = tpu.memref_slice %arg10[%arg0, %mul3A_0] : memref<2x100352xf32, #tpu.memory_space<hbm>> -> memref<1x6272xf32, #tpu.memory_space<hbm>>
      %dma_wait3A_19 = tpu.memref_squeeze %dma_wait3A : memref<1x6272xf32, #tpu.memory_space<hbm>> -> memref<6272xf32, #tpu.memory_space<hbm>>
      %dma_wait3A_20 = tpu.memref_slice %arg10[%arg0, %mul3A_0] : memref<2x100352xf32, #tpu.memory_space<hbm>> -> memref<1x6272xf32, #tpu.memory_space<hbm>>
      %dma_wait3A_21 = tpu.memref_squeeze %dma_wait3A_20 : memref<1x6272xf32, #tpu.memory_space<hbm>> -> memref<6272xf32, #tpu.memory_space<hbm>>
      tpu.wait_dma2 semaphore(%run_scoped3A : memref<!tpu.dma_semaphore, #tpu.memory_space<semaphore_mem>>) src(%arg21 : memref<6272xf32, #tpu.memory_space<vmem>>) dst(%dma_wait3A_21 : memref<6272xf32, #tpu.memory_space<hbm>>)
      tpu.yield
    }) : () -> ()
    "tpu.region"() ({
      %run_scoped3A = tpu.sem_alloc : memref<!tpu.dma_semaphore, #tpu.memory_space<semaphore_mem>>
      %dma_start3A = tpu.memref_slice %arg17[%mul3A_0] : memref<100352xf32, #tpu.memory_space<vmem_shared>> -> memref<6272xf32, #tpu.memory_space<vmem_shared>>
      %dma_start3A_16 = tpu.memref_slice %arg17[%mul3A_0] : memref<100352xf32, #tpu.memory_space<vmem_shared>> -> memref<6272xf32, #tpu.memory_space<vmem_shared>>
      tpu.enqueue_dma source(%dma_start3A_16 : memref<6272xf32, #tpu.memory_space<vmem_shared>>) target(%arg21 : memref<6272xf32, #tpu.memory_space<vmem>>) target_semaphore(%run_scoped3A : memref<!tpu.dma_semaphore, #tpu.memory_space<semaphore_mem>>)
      %dma_wait3A = tpu.memref_slice %arg17[%mul3A_0] : memref<100352xf32, #tpu.memory_space<vmem_shared>> -> memref<6272xf32, #tpu.memory_space<vmem_shared>>
      %dma_wait3A_17 = tpu.memref_slice %arg17[%mul3A_0] : memref<100352xf32, #tpu.memory_space<vmem_shared>> -> memref<6272xf32, #tpu.memory_space<vmem_shared>>
      tpu.wait_dma2 semaphore(%run_scoped3A : memref<!tpu.dma_semaphore, #tpu.memory_space<semaphore_mem>>) src(%dma_wait3A_17 : memref<6272xf32, #tpu.memory_space<vmem_shared>>) dst(%arg21 : memref<6272xf32, #tpu.memory_space<vmem>>)
      tpu.yield
    }) : () -> ()
    "tpu.region"() ({
      %run_scoped3A = tpu.sem_alloc : memref<!tpu.dma_semaphore, #tpu.memory_space<semaphore_mem>>
      %dma_start3A = tpu.memref_slice %arg11[%arg0, %mul3A_0] : memref<2x100352xf32, #tpu.memory_space<hbm>> -> memref<1x6272xf32, #tpu.memory_space<hbm>>
      %dma_start3A_16 = tpu.memref_squeeze %dma_start3A : memref<1x6272xf32, #tpu.memory_space<hbm>> -> memref<6272xf32, #tpu.memory_space<hbm>>
      %dma_start3A_17 = tpu.memref_slice %arg11[%arg0, %mul3A_0] : memref<2x100352xf32, #tpu.memory_space<hbm>> -> memref<1x6272xf32, #tpu.memory_space<hbm>>
      %dma_start3A_18 = tpu.memref_squeeze %dma_start3A_17 : memref<1x6272xf32, #tpu.memory_space<hbm>> -> memref<6272xf32, #tpu.memory_space<hbm>>
      tpu.enqueue_dma source(%arg21 : memref<6272xf32, #tpu.memory_space<vmem>>) target(%dma_start3A_18 : memref<6272xf32, #tpu.memory_space<hbm>>) target_semaphore(%run_scoped3A : memref<!tpu.dma_semaphore, #tpu.memory_space<semaphore_mem>>)
      %dma_wait3A = tpu.memref_slice %arg11[%arg0, %mul3A_0] : memref<2x100352xf32, #tpu.memory_space<hbm>> -> memref<1x6272xf32, #tpu.memory_space<hbm>>
      %dma_wait3A_19 = tpu.memref_squeeze %dma_wait3A : memref<1x6272xf32, #tpu.memory_space<hbm>> -> memref<6272xf32, #tpu.memory_space<hbm>>
      %dma_wait3A_20 = tpu.memref_slice %arg11[%arg0, %mul3A_0] : memref<2x100352xf32, #tpu.memory_space<hbm>> -> memref<1x6272xf32, #tpu.memory_space<hbm>>
      %dma_wait3A_21 = tpu.memref_squeeze %dma_wait3A_20 : memref<1x6272xf32, #tpu.memory_space<hbm>> -> memref<6272xf32, #tpu.memory_space<hbm>>
      tpu.wait_dma2 semaphore(%run_scoped3A : memref<!tpu.dma_semaphore, #tpu.memory_space<semaphore_mem>>) src(%arg21 : memref<6272xf32, #tpu.memory_space<vmem>>) dst(%dma_wait3A_21 : memref<6272xf32, #tpu.memory_space<hbm>>)
      tpu.yield
    }) : () -> ()
    "tpu.region"() ({
      %run_scoped3A = tpu.sem_alloc : memref<!tpu.dma_semaphore, #tpu.memory_space<semaphore_mem>>
      %dma_start3A = tpu.memref_slice %arg18[%mul3A_0] : memref<100352xf32, #tpu.memory_space<vmem_shared>> -> memref<6272xf32, #tpu.memory_space<vmem_shared>>
      %dma_start3A_16 = tpu.memref_slice %arg18[%mul3A_0] : memref<100352xf32, #tpu.memory_space<vmem_shared>> -> memref<6272xf32, #tpu.memory_space<vmem_shared>>
      tpu.enqueue_dma source(%dma_start3A_16 : memref<6272xf32, #tpu.memory_space<vmem_shared>>) target(%arg21 : memref<6272xf32, #tpu.memory_space<vmem>>) target_semaphore(%run_scoped3A : memref<!tpu.dma_semaphore, #tpu.memory_space<semaphore_mem>>)
      %dma_wait3A = tpu.memref_slice %arg18[%mul3A_0] : memref<100352xf32, #tpu.memory_space<vmem_shared>> -> memref<6272xf32, #tpu.memory_space<vmem_shared>>
      %dma_wait3A_17 = tpu.memref_slice %arg18[%mul3A_0] : memref<100352xf32, #tpu.memory_space<vmem_shared>> -> memref<6272xf32, #tpu.memory_space<vmem_shared>>
      tpu.wait_dma2 semaphore(%run_scoped3A : memref<!tpu.dma_semaphore, #tpu.memory_space<semaphore_mem>>) src(%dma_wait3A_17 : memref<6272xf32, #tpu.memory_space<vmem_shared>>) dst(%arg21 : memref<6272xf32, #tpu.memory_space<vmem>>)
      tpu.yield
    }) : () -> ()
    "tpu.region"() ({
      %run_scoped3A = tpu.sem_alloc : memref<!tpu.dma_semaphore, #tpu.memory_space<semaphore_mem>>
      %dma_start3A = tpu.memref_slice %arg12[%arg0, %mul3A_0] : memref<2x100352xf32, #tpu.memory_space<hbm>> -> memref<1x6272xf32, #tpu.memory_space<hbm>>
      %dma_start3A_16 = tpu.memref_squeeze %dma_start3A : memref<1x6272xf32, #tpu.memory_space<hbm>> -> memref<6272xf32, #tpu.memory_space<hbm>>
      %dma_start3A_17 = tpu.memref_slice %arg12[%arg0, %mul3A_0] : memref<2x100352xf32, #tpu.memory_space<hbm>> -> memref<1x6272xf32, #tpu.memory_space<hbm>>
      %dma_start3A_18 = tpu.memref_squeeze %dma_start3A_17 : memref<1x6272xf32, #tpu.memory_space<hbm>> -> memref<6272xf32, #tpu.memory_space<hbm>>
      tpu.enqueue_dma source(%arg21 : memref<6272xf32, #tpu.memory_space<vmem>>) target(%dma_start3A_18 : memref<6272xf32, #tpu.memory_space<hbm>>) target_semaphore(%run_scoped3A : memref<!tpu.dma_semaphore, #tpu.memory_space<semaphore_mem>>)
      %dma_wait3A = tpu.memref_slice %arg12[%arg0, %mul3A_0] : memref<2x100352xf32, #tpu.memory_space<hbm>> -> memref<1x6272xf32, #tpu.memory_space<hbm>>
      %dma_wait3A_19 = tpu.memref_squeeze %dma_wait3A : memref<1x6272xf32, #tpu.memory_space<hbm>> -> memref<6272xf32, #tpu.memory_space<hbm>>
      %dma_wait3A_20 = tpu.memref_slice %arg12[%arg0, %mul3A_0] : memref<2x100352xf32, #tpu.memory_space<hbm>> -> memref<1x6272xf32, #tpu.memory_space<hbm>>
      %dma_wait3A_21 = tpu.memref_squeeze %dma_wait3A_20 : memref<1x6272xf32, #tpu.memory_space<hbm>> -> memref<6272xf32, #tpu.memory_space<hbm>>
      tpu.wait_dma2 semaphore(%run_scoped3A : memref<!tpu.dma_semaphore, #tpu.memory_space<semaphore_mem>>) src(%arg21 : memref<6272xf32, #tpu.memory_space<vmem>>) dst(%dma_wait3A_21 : memref<6272xf32, #tpu.memory_space<hbm>>)
      tpu.yield
    }) : () -> ()
    "tpu.region"() ({
      %run_scoped3A = tpu.sem_alloc : memref<!tpu.dma_semaphore, #tpu.memory_space<semaphore_mem>>
      %dma_start3A = tpu.memref_slice %arg19[%mul3A_0] : memref<100352xf32, #tpu.memory_space<vmem_shared>> -> memref<6272xf32, #tpu.memory_space<vmem_shared>>
      %dma_start3A_16 = tpu.memref_slice %arg19[%mul3A_0] : memref<100352xf32, #tpu.memory_space<vmem_shared>> -> memref<6272xf32, #tpu.memory_space<vmem_shared>>
      tpu.enqueue_dma source(%dma_start3A_16 : memref<6272xf32, #tpu.memory_space<vmem_shared>>) target(%arg21 : memref<6272xf32, #tpu.memory_space<vmem>>) target_semaphore(%run_scoped3A : memref<!tpu.dma_semaphore, #tpu.memory_space<semaphore_mem>>)
      %dma_wait3A = tpu.memref_slice %arg19[%mul3A_0] : memref<100352xf32, #tpu.memory_space<vmem_shared>> -> memref<6272xf32, #tpu.memory_space<vmem_shared>>
      %dma_wait3A_17 = tpu.memref_slice %arg19[%mul3A_0] : memref<100352xf32, #tpu.memory_space<vmem_shared>> -> memref<6272xf32, #tpu.memory_space<vmem_shared>>
      tpu.wait_dma2 semaphore(%run_scoped3A : memref<!tpu.dma_semaphore, #tpu.memory_space<semaphore_mem>>) src(%dma_wait3A_17 : memref<6272xf32, #tpu.memory_space<vmem_shared>>) dst(%arg21 : memref<6272xf32, #tpu.memory_space<vmem>>)
      tpu.yield
    }) : () -> ()
    "tpu.region"() ({
      %run_scoped3A = tpu.sem_alloc : memref<!tpu.dma_semaphore, #tpu.memory_space<semaphore_mem>>
      %dma_start3A = tpu.memref_slice %arg13[%arg0, %mul3A_0] : memref<2x100352xf32, #tpu.memory_space<hbm>> -> memref<1x6272xf32, #tpu.memory_space<hbm>>
      %dma_start3A_16 = tpu.memref_squeeze %dma_start3A : memref<1x6272xf32, #tpu.memory_space<hbm>> -> memref<6272xf32, #tpu.memory_space<hbm>>
      %dma_start3A_17 = tpu.memref_slice %arg13[%arg0, %mul3A_0] : memref<2x100352xf32, #tpu.memory_space<hbm>> -> memref<1x6272xf32, #tpu.memory_space<hbm>>
      %dma_start3A_18 = tpu.memref_squeeze %dma_start3A_17 : memref<1x6272xf32, #tpu.memory_space<hbm>> -> memref<6272xf32, #tpu.memory_space<hbm>>
      tpu.enqueue_dma source(%arg21 : memref<6272xf32, #tpu.memory_space<vmem>>) target(%dma_start3A_18 : memref<6272xf32, #tpu.memory_space<hbm>>) target_semaphore(%run_scoped3A : memref<!tpu.dma_semaphore, #tpu.memory_space<semaphore_mem>>)
      %dma_wait3A = tpu.memref_slice %arg13[%arg0, %mul3A_0] : memref<2x100352xf32, #tpu.memory_space<hbm>> -> memref<1x6272xf32, #tpu.memory_space<hbm>>
      %dma_wait3A_19 = tpu.memref_squeeze %dma_wait3A : memref<1x6272xf32, #tpu.memory_space<hbm>> -> memref<6272xf32, #tpu.memory_space<hbm>>
      %dma_wait3A_20 = tpu.memref_slice %arg13[%arg0, %mul3A_0] : memref<2x100352xf32, #tpu.memory_space<hbm>> -> memref<1x6272xf32, #tpu.memory_space<hbm>>
      %dma_wait3A_21 = tpu.memref_squeeze %dma_wait3A_20 : memref<1x6272xf32, #tpu.memory_space<hbm>> -> memref<6272xf32, #tpu.memory_space<hbm>>
      tpu.wait_dma2 semaphore(%run_scoped3A : memref<!tpu.dma_semaphore, #tpu.memory_space<semaphore_mem>>) src(%arg21 : memref<6272xf32, #tpu.memory_space<vmem>>) dst(%dma_wait3A_21 : memref<6272xf32, #tpu.memory_space<hbm>>)
      tpu.yield
    }) : () -> ()
    "tpu.region"() ({
      %run_scoped3A = tpu.sem_alloc : memref<!tpu.dma_semaphore, #tpu.memory_space<semaphore_mem>>
      %dma_start3A = tpu.memref_slice %arg20[%mul3A_0] : memref<100352xf32, #tpu.memory_space<vmem_shared>> -> memref<6272xf32, #tpu.memory_space<vmem_shared>>
      %dma_start3A_16 = tpu.memref_slice %arg20[%mul3A_0] : memref<100352xf32, #tpu.memory_space<vmem_shared>> -> memref<6272xf32, #tpu.memory_space<vmem_shared>>
      tpu.enqueue_dma source(%dma_start3A_16 : memref<6272xf32, #tpu.memory_space<vmem_shared>>) target(%arg21 : memref<6272xf32, #tpu.memory_space<vmem>>) target_semaphore(%run_scoped3A : memref<!tpu.dma_semaphore, #tpu.memory_space<semaphore_mem>>)
      %dma_wait3A = tpu.memref_slice %arg20[%mul3A_0] : memref<100352xf32, #tpu.memory_space<vmem_shared>> -> memref<6272xf32, #tpu.memory_space<vmem_shared>>
      %dma_wait3A_17 = tpu.memref_slice %arg20[%mul3A_0] : memref<100352xf32, #tpu.memory_space<vmem_shared>> -> memref<6272xf32, #tpu.memory_space<vmem_shared>>
      tpu.wait_dma2 semaphore(%run_scoped3A : memref<!tpu.dma_semaphore, #tpu.memory_space<semaphore_mem>>) src(%dma_wait3A_17 : memref<6272xf32, #tpu.memory_space<vmem_shared>>) dst(%arg21 : memref<6272xf32, #tpu.memory_space<vmem>>)
      tpu.yield
    }) : () -> ()
    "tpu.region"() ({
      %run_scoped3A = tpu.sem_alloc : memref<!tpu.dma_semaphore, #tpu.memory_space<semaphore_mem>>
      %dma_start3A = tpu.memref_slice %arg14[%arg0, %mul3A_0] : memref<2x100352xf32, #tpu.memory_space<hbm>> -> memref<1x6272xf32, #tpu.memory_space<hbm>>
      %dma_start3A_16 = tpu.memref_squeeze %dma_start3A : memref<1x6272xf32, #tpu.memory_space<hbm>> -> memref<6272xf32, #tpu.memory_space<hbm>>
      %dma_start3A_17 = tpu.memref_slice %arg14[%arg0, %mul3A_0] : memref<2x100352xf32, #tpu.memory_space<hbm>> -> memref<1x6272xf32, #tpu.memory_space<hbm>>
      %dma_start3A_18 = tpu.memref_squeeze %dma_start3A_17 : memref<1x6272xf32, #tpu.memory_space<hbm>> -> memref<6272xf32, #tpu.memory_space<hbm>>
      tpu.enqueue_dma source(%arg21 : memref<6272xf32, #tpu.memory_space<vmem>>) target(%dma_start3A_18 : memref<6272xf32, #tpu.memory_space<hbm>>) target_semaphore(%run_scoped3A : memref<!tpu.dma_semaphore, #tpu.memory_space<semaphore_mem>>)
      %dma_wait3A = tpu.memref_slice %arg14[%arg0, %mul3A_0] : memref<2x100352xf32, #tpu.memory_space<hbm>> -> memref<1x6272xf32, #tpu.memory_space<hbm>>
      %dma_wait3A_19 = tpu.memref_squeeze %dma_wait3A : memref<1x6272xf32, #tpu.memory_space<hbm>> -> memref<6272xf32, #tpu.memory_space<hbm>>
      %dma_wait3A_20 = tpu.memref_slice %arg14[%arg0, %mul3A_0] : memref<2x100352xf32, #tpu.memory_space<hbm>> -> memref<1x6272xf32, #tpu.memory_space<hbm>>
      %dma_wait3A_21 = tpu.memref_squeeze %dma_wait3A_20 : memref<1x6272xf32, #tpu.memory_space<hbm>> -> memref<6272xf32, #tpu.memory_space<hbm>>
      tpu.wait_dma2 semaphore(%run_scoped3A : memref<!tpu.dma_semaphore, #tpu.memory_space<semaphore_mem>>) src(%arg21 : memref<6272xf32, #tpu.memory_space<vmem>>) dst(%dma_wait3A_21 : memref<6272xf32, #tpu.memory_space<hbm>>)
      tpu.yield
    }) : () -> ()
    return
  }
}

module attributes {stable_mosaic.version = 14 : i64} {
  func.func @_prep_body(%arg0: memref<2x784x128xf32, #tpu.memory_space<vmem>>, %arg1: memref<4x784x128xf32, #tpu.memory_space<vmem>>, %arg2: memref<784x128xf32, #tpu.memory_space<vmem>>, %arg3: memref<4x784x128xf32, #tpu.memory_space<vmem>>) attributes {dimension_semantics = [], scalar_prefetch = 0 : i64, scratch_operands = 0 : i64, tpu.core_type = #tpu.core_type<tc>} {
    %get3A = arith.constant 0 : index
    %get3A_0 = arith.constant 0 : index
    %get3A_1 = arith.constant 0 : index
    %get3A_2 = vector.load %arg0[%get3A, %get3A_0, %get3A_1] : memref<2x784x128xf32, #tpu.memory_space<vmem>>, vector<1x784x128xf32>
    %get3A_3 = vector.shape_cast %get3A_2 : vector<1x784x128xf32> to vector<784x128xf32>
    %get3A_4 = arith.constant 1 : index
    %get3A_5 = arith.constant 0 : index
    %get3A_6 = arith.constant 0 : index
    %get3A_7 = vector.load %arg0[%get3A_4, %get3A_5, %get3A_6] : memref<2x784x128xf32, #tpu.memory_space<vmem>>, vector<1x784x128xf32>
    %get3A_8 = vector.shape_cast %get3A_7 : vector<1x784x128xf32> to vector<784x128xf32>
    %add3A = arith.addf %get3A_3, %get3A_8 : vector<784x128xf32>
    %add3A_9 = arith.constant 1.000000e+00 : f32
    %add3A_10 = vector.broadcast %add3A_9 : f32 to vector<784x128xf32>
    %add3A_11 = arith.addf %add3A, %add3A_10 : vector<784x128xf32>
    %rsqrt3A = math.rsqrt %add3A_11 : vector<784x128xf32>
    %swap3A = arith.constant 0 : index
    %swap3A_12 = arith.constant 0 : index
    %swap3A_13 = vector.load %arg2[%swap3A, %swap3A_12] : memref<784x128xf32, #tpu.memory_space<vmem>>, vector<784x128xf32>
    tpu.vector_store %arg2[%swap3A, %swap3A_12], %rsqrt3A {strides = array<i32>} : memref<784x128xf32, #tpu.memory_space<vmem>>, vector<784x128xf32>,
    %broadcast_in_dim3A = vector.shape_cast %rsqrt3A : vector<784x128xf32> to vector<1x784x128xf32>
    %get3A_14 = arith.constant 0 : index
    %get3A_15 = arith.constant 0 : index
    %get3A_16 = arith.constant 0 : index
    %get3A_17 = vector.load %arg1[%get3A_14, %get3A_15, %get3A_16] : memref<4x784x128xf32, #tpu.memory_space<vmem>>, vector<4x784x128xf32>
    %mul3A = vector.broadcast %broadcast_in_dim3A : vector<1x784x128xf32> to vector<4x784x128xf32>
    %mul3A_18 = arith.mulf %mul3A, %get3A_17 : vector<4x784x128xf32>
    %swap3A_19 = arith.constant 0 : index
    %swap3A_20 = arith.constant 0 : index
    %swap3A_21 = arith.constant 0 : index
    %swap3A_22 = vector.load %arg3[%swap3A_19, %swap3A_20, %swap3A_21] : memref<4x784x128xf32, #tpu.memory_space<vmem>>, vector<4x784x128xf32>
    tpu.vector_store %arg3[%swap3A_19, %swap3A_20, %swap3A_21], %mul3A_18 {strides = array<i32>} : memref<4x784x128xf32, #tpu.memory_space<vmem>>, vector<4x784x128xf32>,
    return
  }
}

module attributes {stable_mosaic.version = 14 : i64} {
  func.func @_finale_body(%arg0: i32, %arg1: memref<1x2048xf32, #tpu.memory_space<vmem>>, %arg2: memref<2x4x2048xf32, #tpu.memory_space<vmem>>, %arg3: memref<2x2048xf32, #tpu.memory_space<vmem>>, %arg4: memref<4x2048xf32, #tpu.memory_space<vmem>>, %arg5: memref<4x64xf32, #tpu.memory_space<vmem>>, %arg6: memref<1x64xf32, #tpu.memory_space<vmem>>, %arg7: memref<64x32xf32, #tpu.memory_space<vmem>>, %arg8: memref<1x32xf32, #tpu.memory_space<vmem>>, %arg9: memref<1x32xf32, #tpu.memory_space<vmem>>, %arg10: memref<1x64xf32, #tpu.memory_space<vmem>>) attributes {dimension_semantics = [#tpu.dimension_semantics<arbitrary>], iteration_bounds = array<i64: 49>, scalar_prefetch = 0 : i64, scratch_operands = 1 : i64, tpu.core_type = #tpu.core_type<tc>, window_params = [{transform_indices = @transform_0, window_bounds = array<i64: 1, 2048>}, {transform_indices = @transform_1, window_bounds = array<i64: 2, 4, 2048>}, {transform_indices = @transform_2, window_bounds = array<i64: 2, 2048>}, {transform_indices = @transform_3, window_bounds = array<i64: 4, 2048>}, {pipeline_mode = #tpu.pipeline_mode<synchronous>, transform_indices = @transform_4, window_bounds = array<i64: 4, 64>}, {pipeline_mode = #tpu.pipeline_mode<synchronous>, transform_indices = @transform_5, window_bounds = array<i64: 1, 64>}, {pipeline_mode = #tpu.pipeline_mode<synchronous>, transform_indices = @transform_6, window_bounds = array<i64: 64, 32>}, {pipeline_mode = #tpu.pipeline_mode<synchronous>, transform_indices = @transform_7, window_bounds = array<i64: 1, 32>}, {pipeline_mode = #tpu.pipeline_mode<synchronous>, transform_indices = @transform_8, window_bounds = array<i64: 1, 32>}]} {
    %get3A = arith.constant 0 : index
    %get3A_0 = arith.constant 0 : index
    %get3A_1 = vector.load %arg1[%get3A, %get3A_0] : memref<1x2048xf32, #tpu.memory_space<vmem>>, vector<1x2048xf32>
    %get3A_2 = arith.constant 0 : index
    %get3A_3 = arith.constant 0 : index
    %get3A_4 = arith.constant 0 : index
    %get3A_5 = vector.load %arg2[%get3A_2, %get3A_3, %get3A_4] : memref<2x4x2048xf32, #tpu.memory_space<vmem>>, vector<1x4x2048xf32>
    %get3A_6 = vector.shape_cast %get3A_5 : vector<1x4x2048xf32> to vector<4x2048xf32>
    %get3A_7 = arith.constant 1 : index
    %get3A_8 = arith.constant 0 : index
    %get3A_9 = arith.constant 0 : index
    %get3A_10 = vector.load %arg2[%get3A_7, %get3A_8, %get3A_9] : memref<2x4x2048xf32, #tpu.memory_space<vmem>>, vector<1x4x2048xf32>
    %get3A_11 = vector.shape_cast %get3A_10 : vector<1x4x2048xf32> to vector<4x2048xf32>
    %add3A = arith.addf %get3A_6, %get3A_11 : vector<4x2048xf32>
    %get3A_12 = arith.constant 0 : index
    %get3A_13 = arith.constant 0 : index
    %get3A_14 = vector.load %arg4[%get3A_12, %get3A_13] : memref<4x2048xf32, #tpu.memory_space<vmem>>, vector<4x2048xf32>
    %add3A_15 = arith.addf %add3A, %get3A_14 : vector<4x2048xf32>
    %mul3A = vector.broadcast %get3A_1 : vector<1x2048xf32> to vector<4x2048xf32>
    %mul3A_16 = arith.mulf %mul3A, %add3A_15 : vector<4x2048xf32>
    %get3A_17 = arith.constant 0 : index
    %get3A_18 = arith.constant 0 : index
    %get3A_19 = vector.load %arg5[%get3A_17, %get3A_18] : memref<4x64xf32, #tpu.memory_space<vmem>>, vector<4x64xf32>
    %dot_general3A = arith.constant dense<0.000000e+00> : vector<2048x64xf32>
    %dot_general3A_20 = tpu.matmul %mul3A_16, %get3A_19, %dot_general3A {dimension_numbers = #tpu.dot_dimension_numbers<[0], [0], [1], [1], [0, 1, 1, 1], [], []>, transpose_lhs_hint = false} : vector<4x2048xf32>, vector<4x64xf32>, vector<2048x64xf32> -> vector<2048x64xf32>
    %get3A_21 = arith.constant 0 : index
    %get3A_22 = arith.constant 0 : index
    %get3A_23 = vector.load %arg6[%get3A_21, %get3A_22] : memref<1x64xf32, #tpu.memory_space<vmem>>, vector<1x64xf32>
    %add3A_24 = vector.broadcast %get3A_23 : vector<1x64xf32> to vector<2048x64xf32>
    %add3A_25 = arith.addf %dot_general3A_20, %add3A_24 : vector<2048x64xf32>
    %max3A = arith.constant 0.000000e+00 : f32
    %max3A_26 = vector.broadcast %max3A : f32 to vector<2048x64xf32>
    %max3A_27 = arith.maximumf %add3A_25, %max3A_26 : vector<2048x64xf32>
    %get3A_28 = arith.constant 0 : index
    %get3A_29 = arith.constant 0 : index
    %get3A_30 = vector.load %arg3[%get3A_28, %get3A_29] : memref<2x2048xf32, #tpu.memory_space<vmem>>, vector<2x2048xf32>
    %slice3A = vector.extract_strided_slice %get3A_30 {offsets = [0, 0], sizes = [1, 2048], strides = [1, 1]} : vector<2x2048xf32> to vector<1x2048xf32>
    %slice3A_31 = vector.extract_strided_slice %get3A_30 {offsets = [1, 0], sizes = [1, 2048], strides = [1, 1]} : vector<2x2048xf32> to vector<1x2048xf32>
    %add3A_32 = arith.addf %slice3A, %slice3A_31 : vector<1x2048xf32>
    %add3A_33 = arith.addf %add3A_32, %get3A_1 : vector<1x2048xf32>
    %mul3A_34 = arith.mulf %get3A_1, %add3A_33 : vector<1x2048xf32>
    %mul3A_35 = arith.constant 2048 : i32
    %mul3A_36 = arith.muli %arg0, %mul3A_35 : i32
    %iota3A = tpu.iota {dimensions = array<i32: 1>} : vector<1x2048xi32>
    %add3A_37 = vector.broadcast %mul3A_36 : i32 to vector<1x2048xi32>
    %add3A_38 = arith.addi %add3A_37, %iota3A : vector<1x2048xi32>
    %lt3A = arith.constant 100000 : i32
    %lt3A_39 = vector.broadcast %lt3A : i32 to vector<1x2048xi32>
    %lt3A_40 = arith.cmpi slt, %add3A_38, %lt3A_39 : vector<1x2048xi32>
    %jit3A = arith.constant 0.000000e+00 : f32
    %broadcast_in_dim3A = vector.broadcast %jit3A : f32 to vector<1x2048xf32>
    %select_n3A = arith.select %lt3A_40, %mul3A_34, %broadcast_in_dim3A : vector<1x2048xi1>, vector<1x2048xf32>
    %dot_general3A_41 = arith.constant dense<0.000000e+00> : vector<1x64xf32>
    %dot_general3A_42 = tpu.matmul %select_n3A, %max3A_27, %dot_general3A_41 {dimension_numbers = #tpu.dot_dimension_numbers<[1], [0], [0], [1], [0, 0, 1, 1], [], []>, transpose_lhs_hint = false} : vector<1x2048xf32>, vector<2048x64xf32>, vector<1x64xf32> -> vector<1x64xf32>
    %eq3A = arith.constant 0 : i32
    %eq3A_43 = arith.cmpi eq, %arg0, %eq3A : i32
    %convert_element_type3A = arith.extui %eq3A_43 : i1 to i32
    %cond3A = arith.constant 0 : i32
    %cond3A_44 = arith.cmpi ne, %convert_element_type3A, %cond3A : i32
    scf.if %cond3A_44 {
      %broadcast_in_dim3A_56 = arith.constant 0.000000e+00 : f32
      %broadcast_in_dim3A_57 = vector.broadcast %broadcast_in_dim3A_56 : f32 to vector<1x64xf32>
      %swap3A_58 = arith.constant 0 : index
      %swap3A_59 = arith.constant 0 : index
      %swap3A_60 = vector.load %arg10[%swap3A_58, %swap3A_59] : memref<1x64xf32, #tpu.memory_space<vmem>>, vector<1x64xf32>
      tpu.vector_store %arg10[%swap3A_58, %swap3A_59], %broadcast_in_dim3A_57 {strides = array<i32>} : memref<1x64xf32, #tpu.memory_space<vmem>>, vector<1x64xf32>,
    } else {
    }
    %get3A_45 = arith.constant 0 : index
    %get3A_46 = arith.constant 0 : index
    %get3A_47 = vector.load %arg10[%get3A_45, %get3A_46] : memref<1x64xf32, #tpu.memory_space<vmem>>, vector<1x64xf32>
    %add3A_48 = arith.addf %get3A_47, %dot_general3A_42 : vector<1x64xf32>
    %swap3A = arith.constant 0 : index
    %swap3A_49 = arith.constant 0 : index
    %swap3A_50 = vector.load %arg10[%swap3A, %swap3A_49] : memref<1x64xf32, #tpu.memory_space<vmem>>, vector<1x64xf32>
    tpu.vector_store %arg10[%swap3A, %swap3A_49], %add3A_48 {strides = array<i32>} : memref<1x64xf32, #tpu.memory_space<vmem>>, vector<1x64xf32>,
    %eq3A_51 = arith.constant 48 : i32
    %eq3A_52 = arith.cmpi eq, %arg0, %eq3A_51 : i32
    %convert_element_type3A_53 = arith.extui %eq3A_52 : i1 to i32
    %cond3A_54 = arith.constant 0 : i32
    %cond3A_55 = arith.cmpi ne, %convert_element_type3A_53, %cond3A_54 : i32
    scf.if %cond3A_55 {
      %get3A_56 = arith.constant 0 : index
      %get3A_57 = arith.constant 0 : index
      %get3A_58 = vector.load %arg10[%get3A_56, %get3A_57] : memref<1x64xf32, #tpu.memory_space<vmem>>, vector<1x64xf32>
      %mul3A_59 = arith.constant 9.99999974E-6 : f32
      %mul3A_60 = vector.broadcast %mul3A_59 : f32 to vector<1x64xf32>
      %mul3A_61 = arith.mulf %get3A_58, %mul3A_60 : vector<1x64xf32>
      %get3A_62 = arith.constant 0 : index
      %get3A_63 = arith.constant 0 : index
      %get3A_64 = vector.load %arg7[%get3A_62, %get3A_63] : memref<64x32xf32, #tpu.memory_space<vmem>>, vector<64x32xf32>
      %dot_general3A_65 = arith.constant dense<0.000000e+00> : vector<1x32xf32>
      %dot_general3A_66 = tpu.matmul %mul3A_61, %get3A_64, %dot_general3A_65 {dimension_numbers = #tpu.dot_dimension_numbers<[1], [0], [0], [1], [0, 0, 1, 1], [], []>, transpose_lhs_hint = false} : vector<1x64xf32>, vector<64x32xf32>, vector<1x32xf32> -> vector<1x32xf32>
      %get3A_67 = arith.constant 0 : index
      %get3A_68 = arith.constant 0 : index
      %get3A_69 = vector.load %arg8[%get3A_67, %get3A_68] : memref<1x32xf32, #tpu.memory_space<vmem>>, vector<1x32xf32>
      %add3A_70 = arith.addf %dot_general3A_66, %get3A_69 : vector<1x32xf32>
      %swap3A_71 = arith.constant 0 : index
      %swap3A_72 = arith.constant 0 : index
      %swap3A_73 = vector.load %arg9[%swap3A_71, %swap3A_72] : memref<1x32xf32, #tpu.memory_space<vmem>>, vector<1x32xf32>
      tpu.vector_store %arg9[%swap3A_71, %swap3A_72], %add3A_70 {strides = array<i32>} : memref<1x32xf32, #tpu.memory_space<vmem>>, vector<1x32xf32>,
    } else {
    }
    return
  }
  func.func @transform_0(%arg0: i32) -> (i32, i32) {
    %c0_i32 = arith.constant 0 : i32
    %c0_i32_0 = arith.constant 0 : i32
    return %c0_i32, %arg0 : i32, i32
  }
  func.func @transform_1(%arg0: i32) -> (i32, i32, i32) {
    %c0_i32 = arith.constant 0 : i32
    %c0_i32_0 = arith.constant 0 : i32
    %c0_i32_1 = arith.constant 0 : i32
    return %c0_i32, %c0_i32_0, %arg0 : i32, i32, i32
  }
  func.func @transform_2(%arg0: i32) -> (i32, i32) {
    %c0_i32 = arith.constant 0 : i32
    %c0_i32_0 = arith.constant 0 : i32
    return %c0_i32, %arg0 : i32, i32
  }
  func.func @transform_3(%arg0: i32) -> (i32, i32) {
    %c0_i32 = arith.constant 0 : i32
    %c0_i32_0 = arith.constant 0 : i32
    return %c0_i32, %arg0 : i32, i32
  }
  func.func @transform_4(%arg0: i32) -> (i32, i32) {
    %c0_i32 = arith.constant 0 : i32
    %c0_i32_0 = arith.constant 0 : i32
    %c0_i32_1 = arith.constant 0 : i32
    return %c0_i32, %c0_i32_0 : i32, i32
  }
  func.func @transform_5(%arg0: i32) -> (i32, i32) {
    %c0_i32 = arith.constant 0 : i32
    %c0_i32_0 = arith.constant 0 : i32
    %c0_i32_1 = arith.constant 0 : i32
    return %c0_i32, %c0_i32_0 : i32, i32
  }
  func.func @transform_6(%arg0: i32) -> (i32, i32) {
    %c0_i32 = arith.constant 0 : i32
    %c0_i32_0 = arith.constant 0 : i32
    %c0_i32_1 = arith.constant 0 : i32
    return %c0_i32, %c0_i32_0 : i32, i32
  }
  func.func @transform_7(%arg0: i32) -> (i32, i32) {
    %c0_i32 = arith.constant 0 : i32
    %c0_i32_0 = arith.constant 0 : i32
    %c0_i32_1 = arith.constant 0 : i32
    return %c0_i32, %c0_i32_0 : i32, i32
  }
  func.func @transform_8(%arg0: i32) -> (i32, i32) {
    %c0_i32 = arith.constant 0 : i32
    %c0_i32_0 = arith.constant 0 : i32
    %c0_i32_1 = arith.constant 0 : i32
    return %c0_i32, %c0_i32_0 : i32, i32
  }
}

</mosaic_0001>

<sc_bundles>
// kernel: kernel.6.cloned.1.call-start
scs
__scs_entry_jumppad:
0x0: {  	(pc) =	sbr.rel $0x88, $3  }
0x1: {  	(tag) =	ssettag $0x0;
	lr =	simm.s32 $0x1  }
0x2: {  	[smem:$0x3F9B] =	sst lr;
	_ =	strace $0xD0000000  }
0x3: {  	_ = 	snop  }
0x4: {  	_ = 	snop  }
0x5: {  	_ = 	snop  }
0x6: {  	_ = 	snop  }
0x7: {  	_ = 	snop  }
__scs_overlays_trampoline_lowered:
0x8: {  	[smem:$0x3FAA] =	sst s0  }
0x9: {  	[smem:$0x3FAB] =	sst s1  }
0xa: {  	[smem:$0x3FAC] =	sst s2  }
0xb: {  	[smem:$0x3FAD] =	sst s3  }
0xc: {  	[smem:$0x3FAE] =	sst s4  }
0xd: {  	[smem:$0x3FAF] =	sst s5  }
0xe: {  	[smem:$0x3FB0] =	sst s6  }
0xf: {  	[smem:$0x3FB1] =	sst s7  }
0x10: {  	[smem:$0x3FB2] =	sst s8  }
0x11: {  	[smem:$0x3FB3] =	sst s9;
	s0 =	simm.s32 @!p0 $0x0  }
0x12: {  	s1 =	sld [smem:$0x3F99];
	s0 =	simm.s32 @p0 $0x1  }
0x13: {  	[smem:$0x3FB4] =	sst s0;
	s0 =	simm.s32 @!p1 $0x0  }
0x14: {  	s2 =	sld [smem:$0x3F98];
	s0 =	simm.s32 @p1 $0x1  }
0x15: {  	[smem:$0x3FB5] =	sst s0;
	s0 =	simm.s32 @!p2 $0x0  }
0x16: {  	s3 =	sld [smem:$0x3FDB];
	s0 =	simm.s32 @p2 $0x1  }
0x17: {  	s4 =	simm.s32 $0x1BF5;
	[smem:$0x3FB7] =	sst s0  }
0x18: {  	s0 =	sld [smem:$0x3F9A];
	_ =	swait.ge [sflag:s4], $0x0  }
0x19: {  	s7 =	sld [smem:$0x3F9B]  }
0x1a: {  	s8 =	sadd.s32 $0xFFFFE003, lr  }
0x1b: {  	s9 =	sadd.s32 $0xFFFFFEF7, lr;
	s5 =	simm.s32 $0xFFFFFFFF;
	p2 =	slt.u32 s8, $0xFFFFF086  }
0x1c: {  	p1 =	slt.u32 s9, $0xF7A;
	s5 =	simm.s32 @!p2 $0x0  }
0x1d: {  	s5 =	simm.s32 @p1 $0x1;
	p0 =	seq.s32 s7, s2  }
0x1e: {  	s7 =	smul.u32 @!p0 $0xF7A, s2;
	p2 =	seq.s32 @!p0 s5, $0x0  }
0x1f: {  	s9 =	smul.u32 $0xF7A, s1;
	s8 =	simm.s32 @!p0 $0x1BF5;
	p2 =	por !p2, p0  }
0x20: {  	[sflag:s8] =	ssyncset.s32 @!p0 $0xFFFFF086;
	s6 =	sadd.s32 @!p0 s3, s7;
	s7 =	simm.s32 @!p0 $0x108  }
0x21: {  	s3 =	sadd.s32 s3, s9;
	s6 =	sadd.s32 @!p0 $0x88, s6;
	s7 =	simm.s32 @p2 $0x1082  }
0x22: {  	[simem:s7], [sflag:s8] =	dma.local @!p0 [hbm:s6], $0xF7A  }
0x23: {  	s9 =	sor.u32 $0xD0000000, s2;
	s6 =	simm.s32 $0x108;
	_ =	swait.ge @!p0 [sflag:s8], $0x0  }
0x24: {  	s3 =	sadd.s32 $0x88, s3;
	s6 =	simm.s32 @!p1 $0x1082;
	[sflag:s4] =	ssyncset.s32 $0xFFFFF086  }
0x25: {  	[simem:s6], [sflag:s4] =	dma.local [hbm:s3], $0xF7A  }
0x26: {  	[smem:$0x3F9B] =	sst s1;
	(tag) =	ssettag s2;
	_ =	strace s9  }
0x27: {  	s1 =	sld [smem:$0x3FAB]  }
0x28: {  	s2 =	sld [smem:$0x3FAC]  }
0x29: {  	s4 =	sld [smem:$0x3FAE]  }
0x2a: {  	p0 =	seq.s32 s5, $0x0;
	s5 =	sld [smem:$0x3FAF]  }
0x2b: {  	s6 =	sld [smem:$0x3FB0]  }
0x2c: {  	s7 =	sld [smem:$0x3FB1]  }
0x2d: {  	s3 =	simm.s32 $0x108;
	s8 =	sld [smem:$0x3FB2]  }
0x2e: {  	s3 =	simm.s32 @!p0 $0x1082;
	s9 =	sld [smem:$0x3FB3]  }
0x2f: {  	lr =	sadd.s32 s0, s3;
	s0 =	sld [smem:$0x3FAA]  }
0x30: {  	s3 =	sld [smem:$0x3FAD]  }
0x31: {  	[smem:$0x3FB6] =	sst s10  }
0x32: {  	s10 =	sld [smem:$0x3FB4];
	_ =	sdelay $0x3  }
0x33: {  	p0 =	seq.s32 s10, $0x1;
	s10 =	sld [smem:$0x3FB6];
	_ =	sdelay $0x3  }
0x34: {  	[smem:$0x3FB6] =	sst s10  }
0x35: {  	s10 =	sld [smem:$0x3FB5];
	_ =	sdelay $0x3  }
0x36: {  	p1 =	seq.s32 s10, $0x1;
	s10 =	sld [smem:$0x3FB6];
	_ =	sdelay $0x3  }
0x37: {  	[smem:$0x3FB6] =	sst s10  }
0x38: {  	s10 =	sld [smem:$0x3FB7]  }
0x39: {  	_ = 	snop;
	(pc) =	sbr.ind lr, $3  }
0x3a: {  	_ = 	snop  }
0x3b: {  	_ = 	snop  }
0x3c: {  	p2 =	seq.s32 s10, $0x1;
	s10 =	sld [smem:$0x3FB6]  }
0x3d: {  	_ =	shalt  }
0x3e: {  	_ =	shalt  }
0x3f: {  	_ =	shalt  }
0x40: {  	_ =	shalt  }
0x41: {  	_ =	shalt  }
0x42: {  	_ =	shalt  }
0x43: {  	_ =	shalt  }
0x44: {  	_ =	shalt  }
0x45: {  	_ =	shalt  }
0x46: {  	_ =	shalt  }
0x47: {  	_ =	shalt  }
0x48: {  	_ =	shalt  }
0x49: {  	_ =	shalt  }
0x4a: {  	_ =	shalt  }
0x4b: {  	_ =	shalt  }
0x4c: {  	_ =	shalt  }
0x4d: {  	_ =	shalt  }
0x4e: {  	_ =	shalt  }
0x4f: {  	_ =	shalt  }
0x50: {  	_ =	shalt  }
0x51: {  	_ =	shalt  }
0x52: {  	_ =	shalt  }
0x53: {  	_ =	shalt  }
0x54: {  	_ =	shalt  }
0x55: {  	_ =	shalt  }
0x56: {  	_ =	shalt  }
0x57: {  	_ =	shalt  }
0x58: {  	_ =	shalt  }
0x59: {  	_ =	shalt  }
0x5a: {  	_ =	shalt  }
0x5b: {  	_ =	shalt  }
0x5c: {  	_ =	shalt  }
0x5d: {  	_ =	shalt  }
0x5e: {  	_ =	shalt  }
0x5f: {  	_ =	shalt  }
0x60: {  	_ =	shalt  }
0x61: {  	_ =	shalt  }
0x62: {  	_ =	shalt  }
0x63: {  	_ =	shalt  }
0x64: {  	_ =	shalt  }
0x65: {  	_ =	shalt  }
0x66: {  	_ =	shalt  }
0x67: {  	_ =	shalt  }
0x68: {  	_ =	shalt  }
0x69: {  	_ =	shalt  }
0x6a: {  	_ =	shalt  }
0x6b: {  	_ =	shalt  }
0x6c: {  	_ =	shalt  }
0x6d: {  	_ =	shalt  }
0x6e: {  	_ =	shalt  }
0x6f: {  	_ =	shalt  }
0x70: {  	_ =	shalt  }
0x71: {  	_ =	shalt  }
0x72: {  	_ =	shalt  }
0x73: {  	_ =	shalt  }
0x74: {  	_ =	shalt  }
0x75: {  	_ =	shalt  }
0x76: {  	_ =	shalt  }
0x77: {  	_ =	shalt  }
0x78: {  	_ =	shalt  }
0x79: {  	_ =	shalt  }
0x7a: {  	_ =	shalt  }
0x7b: {  	_ =	shalt  }
0x7c: {  	_ =	shalt  }
0x7d: {  	_ =	shalt  }
0x7e: {  	_ =	shalt  }
0x7f: {  	_ =	shalt  }
0x80: {  	_ =	shalt  }
0x81: {  	_ =	shalt  }
0x82: {  	_ =	shalt  }
0x83: {  	_ =	shalt  }
0x84: {  	_ =	shalt  }
0x85: {  	_ =	shalt  }
0x86: {  	_ =	shalt  }
0x87: {  	_ =	shalt  }
.Lfunc_end0:
.L_simem_size_0:
called_computation_lowered:
.L_overlay_start_0:
0x88: {  	s2 =	sld [smem:$0x3FD9]  }
0x89: {  	s3 =	sld [smem:$0x3FFE];
	_ =	sdelay $0x1  }
0x8a: {  	s1 =	srdreg.scid  }
0x8b: {  	s0 =	sand.u32 $0x1, s1  }
0x8c: {  	s16 =	sshll.u32 s0, $0xA;
	s2 =	sadd.s32 s3, s2  }
0x8d: {  	s2 =	sadd.s32 s2, s16  }
0x8e: {  	[smem:$0x3FC2] =	sst s2  }
0x8f: {  	_ = 	snop  }
0x90: {  	(tm) =	ssettm $0x1  }
0x91: {  	s17 =	sld [smem:$0x3FFB];
	_ =	sdelay $0x3  }
0x92: {  	_ =	strace s17  }
0x93: {  	s2 =	sld [smem:$0x3FFC];
	_ =	sdelay $0x3  }
0x94: {  	_ =	strace s2  }
0x95: {  	s2 =	sld [smem:$0x3FFD];
	_ =	sdelay $0x3  }
0x96: {  	_ =	strace s2  }
0x97: {  	_ =	strace $0x8FFFFFFF  }
0x98: {  	s18 =	sld [smem:$0x3FDB];
	_ =	sdelay $0x1  }
0x99: {  	s19 =	simm.s32 $_scs_section_size  }
0x9a: {  	s4 =	simm.s32 $_size__tile_overlayer_lowered;
	s5 =	simm.s32 $_tile_overlayer_lowered  }
0x9b: {  	s22 =	simm.s32 $0x1BFF;
	s21 =	sshll.u32 s5, $0x1;
	s2 =	sadd.s32 s19, s18  }
0x9c: {  	s6 =	simm.s32 $0x0;
	s20 =	sshll.u32 s4, $0x1;
	s4 =	sadd.s32 s21, s2  }
0x9d: {  	[timem:s6], [sflag:s22] =	dma.local [hbm:s4], s20  }
0x9e: {  	_ =	swait.ge [sflag:s22], s20  }
0x9f: {  	s3 =	ssub.s32 $0x0, s20;
	[sflag:s22] =	ssyncset.done $0x0  }
0xa0: {  	[sflag:s22] =	ssyncadd.s32 s3;
	_ =	sdelay $0x1  }
0xa1: {  	s23 =	simm.s32 $0x1B8B  }
0xa2: {  	_ =	swait.ge [sflag:s23], $0x1  }
0xa3: {  	[sflag:s23] =	ssyncset.done $0x0  }
0xa4: {  	s25 =	simm.s32 $0x1B8E;
	s24 =	sld [smem:$0x3FFE];
	[sflag:s23] =	ssyncadd.s32 $0xFFFFFFFF  }
0xa5: {  	s26 =	simm.s32 $execute0_lowered;
	[smem:$0x3FD2] =	sst s25  }
0xa6: {  	s4 =	sshll.u32 s26, $0x1;
	_ =	strace $0x80000046;
	[dreg:$0x1] =	wrdreg $0xFFFFFFFF  }
0xa7: {  	s28 =	simm.s32 $_size_execute0_lowered;
	s2 =	sadd.s32 s2, s4;
	[dreg:$0x0] =	wrdreg $0x0  }
0xa8: {  	s4 =	sshll.u32 s28, $0x1;
	[dreg:$0x2] =	wrdreg s2  }
0xa9: {  	[dreg:$0x3] =	wrdreg s4  }
0xaa: {  	[dreg:$0x4] =	wrdreg $0xC0  }
0xab: {  	_ =	task [dreg:s6], $0x5FFFF  }
0xac: {  	[dreg:$0x1] =	wrdreg $0xFFFFFFFF  }
0xad: {  	[dreg:$0x0] =	wrdreg $0x60  }
0xae: {  	[dreg:$0x2] =	wrdreg s24  }
0xaf: {  	[dreg:$0x3] =	wrdreg $0x0  }
0xb0: {  	[dreg:$0x4] =	wrdreg $0x9  }
0xb1: {  	_ =	task.clear_ibuf [dreg:s6], $0x5FFFF;
	_ =	strace $0x90000046  }
0xb2: {  	s29 =	simm.s32 $0x9;
	_ =	strace $0x80000048  }
0xb3: {  	_ =	swait.ge [sflag:s29], $0x1  }
0xb4: {  	[sflag:s29] =	ssyncadd.s32 $0xFFFFFFFF  }
0xb5: {  	_ =	strace $0x90000048  }
0xb6: {  	_ =	sfence  }
0xb7: {  	s30 =	sld [smem:$0x0];
	_ =	sdelay $0x2  }
0xb8: {  	s31 =	sshll.u32 s1, $0xD;
	s1 =	sshrl.u32 s1, $0x2  }
0xb9: {  	s3 =	sand.u32 $0x4000, s31;
	s1 =	sadd.s32 s1, s30  }
0xba: {  	s0 =	sor.u32 s3, s0;
	s1 =	sshll.u32 s1, $0x11  }
0xbb: {  	s0 =	sor.u32 s1, s0  }
0xbc: {  	s0 =	sadd.s32 $0x8F2B, s0  }
0xbd: {  	[sflag:s0] =	ssyncadd.remote.s32 $0x1  }
0xbe: {  	_ =	sfence.sel $0xFFFF  }
0xbf: {  	[dreg:$0x0] =	wrdreg $0xFFFFFFFF;
	(pc) =	sbr.abs _section_cstart, $3  }
0xc0: {  	[dreg:$0x1] =	wrdreg $0xFFFFFFFF  }
0xc1: {  	_ =	task.clear_ibuf [dreg:s6], $0x2FFFF;
	_ =	strace $0x9FFFFFFF  }
0xc2: {  	(tm) =	ssettm $0x7FFFFFFF  }
0xc3: {  	_ =	shalt  }
tec
execute0_lowered:
.L_overlay_start_1:
0x0: {  	(tag) =	ssettag $0x1  }
0x1: {  	s0 =	stileid.u32  }
0x2: {  	s17 =	rddreg [dreg:$0x0];
	s18 =	smul.u32 $0x1880, s0  }
0x3: {  	s2 =	rddreg [dreg:$0x1]  }
0x4: {  	s1 =	rddreg [dreg:$0x2];
	s3 =	simm.s32 $0x0;
	s4 =	sshrl.u32 s18, $0x3  }
0x5: {  	s6 =	simm.s32 $0x1880;
	[smem:$0x7FF] =	sst s3;
	s4 =	sadd.s32 s4, s17  }
0x6: {  	s5 =	simm.s32 $0x1;
	_ =	strace $0x80000047;
	s4 =	sadd.s32 $0x63400, s4  }
0x7: {  	[tilespmem:s6], [sflag:$0x1] =	stream.linear.gather [hbm4b:s4+s3], $0x1880, $0x38;
	[tilespmem:$0x7F20] =	vst v63  }
0x8: {  	_ =	swait.ge [sflag:s5], $0x1880  }
0x9: {  	s7 =	srdreg.scid;
	[sflag:s5] =	ssyncset.done $0x0  }
0xa: {  	s19 =	sand.u32 $0x1, s7;
	s7 =	sadd.s32 s18, s2;
	[sflag:s5] =	ssyncadd.s32 $0xFFFFE780  }
0xb: {  	[spmem:s7] =	stream.linear.scatter [tilespmem:s6], [sflag:$0x1], $0x1880, $0x38;
	[tilespmem:$0x7F20] =	vst v63  }
0xc: {  	s8 =	sshll.u32 s19, $0x4;
	_ =	swait.ge [sflag:s5], $0x1880  }
0xd: {  	s9 =	simm.s32 $0x5810;
	s8 =	sor.u32 s0, s8;
	[sflag:s5] =	ssyncset.done $0x0  }
0xe: {  	s10 =	smul.u32 $0xC350, s8;
	s8 =	sadd.s32 $0x66600, s17;
	[sflag:s5] =	ssyncadd.s32 $0xFFFFE780  }
0xf: {  	[tilespmem:s9], [sflag:$0x1] =	stream.linear.gather [hbm4b:s8+s3], $0x2710, $0x38;
	[tilespmem:$0x7F20] =	vst v63  }
0x10: {  	_ =	swait.ge [sflag:s5], $0x2710  }
0x11: {  	s10 =	sshrl.u32 s10, $0x3;
	[sflag:s5] =	ssyncset.done $0x0  }
0x12: {  	s16 =	sadd.s32 s10, s17;
	[sflag:s5] =	ssyncadd.s32 $0xFFFFD8F0  }
0x13: {  	s11 =	simm.s32 $0x3100;
	s10 =	sadd.s32 $0x32600, s16;
	[bflag:$0x0] =	sbarrier.arrive $0xFFFF  }
0x14: {  	[tilespmem:s11], [sflag:$0x1] =	stream.linear.gather [hbm4b:s10+s3], $0x2710, $0x38;
	[tilespmem:$0x7F20] =	vst v63  }
0x15: {  	_ =	swait.ge [sflag:s5], $0x2710  }
0x16: {  	[sflag:s5] =	ssyncset.done $0x0  }
0x17: {  	s12 =	simm.s32 $0x2710;
	[sflag:s5] =	ssyncadd.s32 $0xFFFFD8F0  }
0x18: {  	[spmem:s2] =	stream.indirect.scatter.add.f32 [tilespmem:s9], [sflag:$0x1], $0x1, s11, s12, $0xb8;
	[tilespmem:$0x7F20] =	vst v63  }
0x19: {  	_ =	swait.ge [sflag:s5], $0x2710  }
0x1a: {  	[sflag:s5] =	ssyncset.done $0x0  }
0x1b: {  	s13 =	sadd.s32 $0x32AE2, s16;
	[sflag:s5] =	ssyncadd.s32 $0xFFFFD8F0  }
0x1c: {  	[tilespmem:s11], [sflag:$0x1] =	stream.linear.gather [hbm4b:s13+s3], $0x2710, $0x38;
	[tilespmem:$0x7F20] =	vst v63  }
0x1d: {  	_ =	swait.ge [sflag:s5], $0x2710  }
0x1e: {  	[sflag:s5] =	ssyncset.done $0x0  }
0x1f: {  	[sflag:s5] =	ssyncadd.s32 $0xFFFFD8F0  }
0x20: {  	[spmem:s2] =	stream.indirect.scatter.add.f32 [tilespmem:s9], [sflag:$0x1], $0x1, s11, s12, $0xb8;
	[tilespmem:$0x7F20] =	vst v63  }
0x21: {  	_ =	swait.ge [sflag:s5], $0x2710  }
0x22: {  	[sflag:s5] =	ssyncset.done $0x0  }
0x23: {  	s14 =	sadd.s32 $0x32FC4, s16;
	[sflag:s5] =	ssyncadd.s32 $0xFFFFD8F0  }
0x24: {  	[tilespmem:s11], [sflag:$0x1] =	stream.linear.gather [hbm4b:s14+s3], $0x2710, $0x38;
	[tilespmem:$0x7F20] =	vst v63  }
0x25: {  	_ =	swait.ge [sflag:s5], $0x2710  }
0x26: {  	[sflag:s5] =	ssyncset.done $0x0  }
0x27: {  	[sflag:s5] =	ssyncadd.s32 $0xFFFFD8F0  }
0x28: {  	[spmem:s2] =	stream.indirect.scatter.add.f32 [tilespmem:s9], [sflag:$0x1], $0x1, s11, s12, $0xb8;
	[tilespmem:$0x7F20] =	vst v63  }
0x29: {  	_ =	swait.ge [sflag:s5], $0x2710  }
0x2a: {  	[sflag:s5] =	ssyncset.done $0x0  }
0x2b: {  	s15 =	sadd.s32 $0x334A6, s16;
	[sflag:s5] =	ssyncadd.s32 $0xFFFFD8F0  }
0x2c: {  	[tilespmem:s11], [sflag:$0x1] =	stream.linear.gather [hbm4b:s15+s3], $0x2710, $0x38;
	[tilespmem:$0x7F20] =	vst v63  }
0x2d: {  	_ =	swait.ge [sflag:s5], $0x2710  }
0x2e: {  	[sflag:s5] =	ssyncset.done $0x0  }
0x2f: {  	[sflag:s5] =	ssyncadd.s32 $0xFFFFD8F0  }
0x30: {  	[spmem:s2] =	stream.indirect.scatter.add.f32 [tilespmem:s9], [sflag:$0x1], $0x1, s11, s12, $0xb8;
	[tilespmem:$0x7F20] =	vst v63  }
0x31: {  	_ =	swait.ge [sflag:s5], $0x2710  }
0x32: {  	[sflag:s5] =	ssyncset.done $0x0  }
0x33: {  	s16 =	sadd.s32 $0x33988, s16;
	[sflag:s5] =	ssyncadd.s32 $0xFFFFD8F0  }
0x34: {  	[tilespmem:s11], [sflag:$0x1] =	stream.linear.gather [hbm4b:s16+s3], $0x2710, $0x38;
	[tilespmem:$0x7F20] =	vst v63  }
0x35: {  	_ =	swait.ge [sflag:s5], $0x2710  }
0x36: {  	[sflag:s5] =	ssyncset.done $0x0  }
0x37: {  	s20 =	smul.u32 $0x18800, s19;
	[sflag:s5] =	ssyncadd.s32 $0xFFFFD8F0  }
0x38: {  	[spmem:s2] =	stream.indirect.scatter.add.f32 [tilespmem:s9], [sflag:$0x1], $0x1, s11, s12, $0xb8;
	[tilespmem:$0x7F20] =	vst v63  }
0x39: {  	s19 =	ssub.s32 $0x2, s19;
	_ =	swait.ge [sflag:s5], $0x2710  }
0x3a: {  	s30 =	sshrl.u32 s19, $0x1;
	s18 =	sadd.s32 s18, s20;
	[sflag:s5] =	ssyncset.done $0x0  }
0x3b: {  	s31 =	ssub.s32 s19, s30;
	s18 =	sshrl.u32 s18, $0x3;
	[sflag:s5] =	ssyncadd.s32 $0xFFFFD8F0  }
0x3c: {  	s17 =	sadd.s32 s18, s17;
	s18 =	smax.u32 s31, $0x1;
	[bflag:$0x0] =	sbarrier.arrive $0xFFFF  }
0x3d: {  	[tilespmem:s6], [sflag:$0x1] =	stream.linear.gather [spmem:s7], $0x1880, $0x38;
	[tilespmem:$0x7F20] =	vst v63  }
0x3e: {  	p0 =	sne.s32 s18, $0x1;
	_ =	swait.ge [sflag:s5], $0x1880  }
.Ltmp0:
0x3f: {  	[sflag:s5] =	ssyncset.done $0x0;
	(pc) =	sbr.rel @!p0 .LBB2_2-.Ltmp0, $4  }
0x40: {  	s17 =	sadd.s32 $0x66C00, s17;
	[sflag:s5] =	ssyncadd.s32 $0xFFFFE780  }
0x41: {  	[hbm4b:s17+s3] =	stream.linear.scatter [tilespmem:s6], [sflag:$0x1], $0x1880, $0x38;
	[tilespmem:$0x7F20] =	vst v63  }
0x42: {  	_ =	swait.ge [sflag:s5], $0x1880  }
0x43: {  	s18 =	sadd.s32 $0xFFFFFFFF, s18;
	[sflag:s5] =	ssyncset.done $0x0  }
.LBB2_1:
0x44: {  	p0 =	sne.s32 s18, $0x1;
	s18 =	sadd.s32 $0xFFFFFFFF, s18;
	[sflag:s5] =	ssyncadd.s32 $0xFFFFE780  }
0x45: {  	[tilespmem:s6], [sflag:$0x1] =	stream.linear.gather [hbm4b:s4+s3], $0x1880, $0x38;
	[tilespmem:$0x7F20] =	vst v63  }
0x46: {  	_ =	swait.ge [sflag:s5], $0x1880  }
0x47: {  	[sflag:s5] =	ssyncset.done $0x0  }
0x48: {  	[sflag:s5] =	ssyncadd.s32 $0xFFFFE780  }
0x49: {  	[spmem:s7] =	stream.linear.scatter [tilespmem:s6], [sflag:$0x1], $0x1880, $0x38;
	[tilespmem:$0x7F20] =	vst v63  }
0x4a: {  	_ =	swait.ge [sflag:s5], $0x1880  }
0x4b: {  	[sflag:s5] =	ssyncset.done $0x0  }
0x4c: {  	[sflag:s5] =	ssyncadd.s32 $0xFFFFE780  }
0x4d: {  	[tilespmem:s9], [sflag:$0x1] =	stream.linear.gather [hbm4b:s8+s3], $0x2710, $0x38;
	[tilespmem:$0x7F20] =	vst v63  }
0x4e: {  	_ =	swait.ge [sflag:s5], $0x2710  }
0x4f: {  	[sflag:s5] =	ssyncset.done $0x0  }
0x50: {  	[sflag:s5] =	ssyncadd.s32 $0xFFFFD8F0  }
0x51: {  	[bflag:$0x0] =	sbarrier.arrive $0xFFFF  }
0x52: {  	[tilespmem:s11], [sflag:$0x1] =	stream.linear.gather [hbm4b:s10+s3], $0x2710, $0x38;
	[tilespmem:$0x7F20] =	vst v63  }
0x53: {  	_ =	swait.ge [sflag:s5], $0x2710  }
0x54: {  	[sflag:s5] =	ssyncset.done $0x0  }
0x55: {  	[sflag:s5] =	ssyncadd.s32 $0xFFFFD8F0  }
0x56: {  	[spmem:s2] =	stream.indirect.scatter.add.f32 [tilespmem:s9], [sflag:$0x1], $0x1, s11, s12, $0xb8;
	[tilespmem:$0x7F20] =	vst v63  }
0x57: {  	_ =	swait.ge [sflag:s5], $0x2710  }
0x58: {  	[sflag:s5] =	ssyncset.done $0x0  }
0x59: {  	[sflag:s5] =	ssyncadd.s32 $0xFFFFD8F0  }
0x5a: {  	[tilespmem:s11], [sflag:$0x1] =	stream.linear.gather [hbm4b:s13+s3], $0x2710, $0x38;
	[tilespmem:$0x7F20] =	vst v63  }
0x5b: {  	_ =	swait.ge [sflag:s5], $0x2710  }
0x5c: {  	[sflag:s5] =	ssyncset.done $0x0  }
0x5d: {  	[sflag:s5] =	ssyncadd.s32 $0xFFFFD8F0  }
0x5e: {  	[spmem:s2] =	stream.indirect.scatter.add.f32 [tilespmem:s9], [sflag:$0x1], $0x1, s11, s12, $0xb8;
	[tilespmem:$0x7F20] =	vst v63  }
0x5f: {  	_ =	swait.ge [sflag:s5], $0x2710  }
0x60: {  	[sflag:s5] =	ssyncset.done $0x0  }
0x61: {  	[sflag:s5] =	ssyncadd.s32 $0xFFFFD8F0  }
0x62: {  	[tilespmem:s11], [sflag:$0x1] =	stream.linear.gather [hbm4b:s14+s3], $0x2710, $0x38;
	[tilespmem:$0x7F20] =	vst v63  }
0x63: {  	_ =	swait.ge [sflag:s5], $0x2710  }
0x64: {  	[sflag:s5] =	ssyncset.done $0x0  }
0x65: {  	[sflag:s5] =	ssyncadd.s32 $0xFFFFD8F0  }
0x66: {  	[spmem:s2] =	stream.indirect.scatter.add.f32 [tilespmem:s9], [sflag:$0x1], $0x1, s11, s12, $0xb8;
	[tilespmem:$0x7F20] =	vst v63  }
0x67: {  	_ =	swait.ge [sflag:s5], $0x2710  }
0x68: {  	[sflag:s5] =	ssyncset.done $0x0  }
0x69: {  	[sflag:s5] =	ssyncadd.s32 $0xFFFFD8F0  }
0x6a: {  	[tilespmem:s11], [sflag:$0x1] =	stream.linear.gather [hbm4b:s15+s3], $0x2710, $0x38;
	[tilespmem:$0x7F20] =	vst v63  }
0x6b: {  	_ =	swait.ge [sflag:s5], $0x2710  }
0x6c: {  	[sflag:s5] =	ssyncset.done $0x0  }
0x6d: {  	[sflag:s5] =	ssyncadd.s32 $0xFFFFD8F0  }
0x6e: {  	[spmem:s2] =	stream.indirect.scatter.add.f32 [tilespmem:s9], [sflag:$0x1], $0x1, s11, s12, $0xb8;
	[tilespmem:$0x7F20] =	vst v63  }
0x6f: {  	_ =	swait.ge [sflag:s5], $0x2710  }
0x70: {  	[sflag:s5] =	ssyncset.done $0x0  }
0x71: {  	[sflag:s5] =	ssyncadd.s32 $0xFFFFD8F0  }
0x72: {  	[tilespmem:s11], [sflag:$0x1] =	stream.linear.gather [hbm4b:s16+s3], $0x2710, $0x38;
	[tilespmem:$0x7F20] =	vst v63  }
0x73: {  	_ =	swait.ge [sflag:s5], $0x2710  }
0x74: {  	[sflag:s5] =	ssyncset.done $0x0  }
0x75: {  	[sflag:s5] =	ssyncadd.s32 $0xFFFFD8F0  }
0x76: {  	[spmem:s2] =	stream.indirect.scatter.add.f32 [tilespmem:s9], [sflag:$0x1], $0x1, s11, s12, $0xb8;
	[tilespmem:$0x7F20] =	vst v63  }
0x77: {  	_ =	swait.ge [sflag:s5], $0x2710  }
0x78: {  	[sflag:s5] =	ssyncset.done $0x0  }
0x79: {  	[sflag:s5] =	ssyncadd.s32 $0xFFFFD8F0  }
0x7a: {  	[bflag:$0x0] =	sbarrier.arrive $0xFFFF  }
0x7b: {  	[tilespmem:s6], [sflag:$0x1] =	stream.linear.gather [spmem:s7], $0x1880, $0x38;
	[tilespmem:$0x7F20] =	vst v63  }
0x7c: {  	_ =	swait.ge [sflag:s5], $0x1880  }
.Ltmp1:
0x7d: {  	[sflag:s5] =	ssyncset.done $0x0;
	(pc) =	sbr.rel @p0 .LBB2_1-.Ltmp1, $4  }
0x7e: {  	[sflag:s5] =	ssyncadd.s32 $0xFFFFE780  }
0x7f: {  	[hbm4b:s17+s3] =	stream.linear.scatter [tilespmem:s6], [sflag:$0x1], $0x1880, $0x38;
	[tilespmem:$0x7F20] =	vst v63  }
0x80: {  	_ =	swait.ge [sflag:s5], $0x1880  }
0x81: {  	[sflag:s5] =	ssyncset.done $0x0  }
.LBB2_2:
0x82: {  	[sflag:s5] =	ssyncadd.s32 $0xFFFFE780  }
0x83: {  	_ =	sfence.sel $0x180000  }
0x84: {  	[bflag:$0x0] =	sbarrier.arrive $0xFFFF  }
0x85: {  	p0 =	sne.s32 s0, $0x0;
	_ =	strace $0x90000047  }
0x86: {  	s0 =	sadd.s32 @!p0 $0x100000, s1;
	[bflag:$0x2] =	sbarrier.arrive $0xFFFF  }
0x87: {  	[sflag:s0] =	ssyncadd.tile.s32 @!p0 $0x1;
	_ =	shalt  }
.Lfunc_end2:
_tile_overlayer_lowered:
.L_overlay_start_2:
0x88: {  	(tag) =	ssettag $0x2  }
0x89: {  	s0 =	rddreg [dreg:$0x0];
	s2 =	stileid.u32  }
0x8a: {  	s1 =	rddreg [dreg:$0x1];
	p0 =	sne.s32 s2, $0x0  }
0x8b: {  	s3 =	rddreg [dreg:$0x2];
	[bflag:$0x3] =	sbarrier.arrive $0xFFFF;
	s2 =	simm.s32 @!p0 $0x1C01  }
0x8c: {  	[timem:s3], [sflag:s2] =	dma.local @!p0 [hbm:s0], s1  }
0x8d: {  	s0 =	simm.s32 @!p0 $0x1  }
0x8e: {  	_ =	swait.ge @!p0 [sflag:s0], s1  }
0x8f: {  	s1 =	ssub.s32 @!p0 $0x0, s1;
	[sflag:s0] =	ssyncset.done @!p0 $0x0  }
0x90: {  	[sflag:s0] =	ssyncadd.s32 @!p0 s1  }
0x91: {  	[bflag:$0x3] =	sbarrier.arrive $0xFFFF  }
0x92: {  	_ =	shalt  }

// kernel: kernel.9.cloned.1.call-start
scs
__scs_entry_jumppad:
0x0: {  	(pc) =	sbr.rel $0x88, $3  }
0x1: {  	(tag) =	ssettag $0x0;
	lr =	simm.s32 $0x1  }
0x2: {  	[smem:$0x3F9B] =	sst lr;
	_ =	strace $0xD0000000  }
0x3: {  	_ = 	snop  }
0x4: {  	_ = 	snop  }
0x5: {  	_ = 	snop  }
0x6: {  	_ = 	snop  }
0x7: {  	_ = 	snop  }
__scs_overlays_trampoline_lowered:
0x8: {  	[smem:$0x3FAA] =	sst s0  }
0x9: {  	[smem:$0x3FAB] =	sst s1  }
0xa: {  	[smem:$0x3FAC] =	sst s2  }
0xb: {  	[smem:$0x3FAD] =	sst s3  }
0xc: {  	[smem:$0x3FAE] =	sst s4  }
0xd: {  	[smem:$0x3FAF] =	sst s5  }
0xe: {  	[smem:$0x3FB0] =	sst s6  }
0xf: {  	[smem:$0x3FB1] =	sst s7  }
0x10: {  	[smem:$0x3FB2] =	sst s8  }
0x11: {  	[smem:$0x3FB3] =	sst s9;
	s0 =	simm.s32 @!p0 $0x0  }
0x12: {  	s1 =	sld [smem:$0x3F99];
	s0 =	simm.s32 @p0 $0x1  }
0x13: {  	[smem:$0x3FB4] =	sst s0;
	s0 =	simm.s32 @!p1 $0x0  }
0x14: {  	s2 =	sld [smem:$0x3F98];
	s0 =	simm.s32 @p1 $0x1  }
0x15: {  	[smem:$0x3FB5] =	sst s0;
	s0 =	simm.s32 @!p2 $0x0  }
0x16: {  	s3 =	sld [smem:$0x3FDB];
	s0 =	simm.s32 @p2 $0x1  }
0x17: {  	s4 =	simm.s32 $0x1BF5;
	[smem:$0x3FB7] =	sst s0  }
0x18: {  	s0 =	sld [smem:$0x3F9A];
	_ =	swait.ge [sflag:s4], $0x0  }
0x19: {  	s7 =	sld [smem:$0x3F9B]  }
0x1a: {  	s8 =	sadd.s32 $0xFFFFE003, lr  }
0x1b: {  	s9 =	sadd.s32 $0xFFFFFEF7, lr;
	s5 =	simm.s32 $0xFFFFFFFF;
	p2 =	slt.u32 s8, $0xFFFFF086  }
0x1c: {  	p1 =	slt.u32 s9, $0xF7A;
	s5 =	simm.s32 @!p2 $0x0  }
0x1d: {  	s5 =	simm.s32 @p1 $0x1;
	p0 =	seq.s32 s7, s2  }
0x1e: {  	s7 =	smul.u32 @!p0 $0xF7A, s2;
	p2 =	seq.s32 @!p0 s5, $0x0  }
0x1f: {  	s9 =	smul.u32 $0xF7A, s1;
	s8 =	simm.s32 @!p0 $0x1BF5;
	p2 =	por !p2, p0  }
0x20: {  	[sflag:s8] =	ssyncset.s32 @!p0 $0xFFFFF086;
	s6 =	sadd.s32 @!p0 s3, s7;
	s7 =	simm.s32 @!p0 $0x108  }
0x21: {  	s3 =	sadd.s32 s3, s9;
	s6 =	sadd.s32 @!p0 $0x88, s6;
	s7 =	simm.s32 @p2 $0x1082  }
0x22: {  	[simem:s7], [sflag:s8] =	dma.local @!p0 [hbm:s6], $0xF7A  }
0x23: {  	s9 =	sor.u32 $0xD0000000, s2;
	s6 =	simm.s32 $0x108;
	_ =	swait.ge @!p0 [sflag:s8], $0x0  }
0x24: {  	s3 =	sadd.s32 $0x88, s3;
	s6 =	simm.s32 @!p1 $0x1082;
	[sflag:s4] =	ssyncset.s32 $0xFFFFF086  }
0x25: {  	[simem:s6], [sflag:s4] =	dma.local [hbm:s3], $0xF7A  }
0x26: {  	[smem:$0x3F9B] =	sst s1;
	(tag) =	ssettag s2;
	_ =	strace s9  }
0x27: {  	s1 =	sld [smem:$0x3FAB]  }
0x28: {  	s2 =	sld [smem:$0x3FAC]  }
0x29: {  	s4 =	sld [smem:$0x3FAE]  }
0x2a: {  	p0 =	seq.s32 s5, $0x0;
	s5 =	sld [smem:$0x3FAF]  }
0x2b: {  	s6 =	sld [smem:$0x3FB0]  }
0x2c: {  	s7 =	sld [smem:$0x3FB1]  }
0x2d: {  	s3 =	simm.s32 $0x108;
	s8 =	sld [smem:$0x3FB2]  }
0x2e: {  	s3 =	simm.s32 @!p0 $0x1082;
	s9 =	sld [smem:$0x3FB3]  }
0x2f: {  	lr =	sadd.s32 s0, s3;
	s0 =	sld [smem:$0x3FAA]  }
0x30: {  	s3 =	sld [smem:$0x3FAD]  }
0x31: {  	[smem:$0x3FB6] =	sst s10  }
0x32: {  	s10 =	sld [smem:$0x3FB4];
	_ =	sdelay $0x3  }
0x33: {  	p0 =	seq.s32 s10, $0x1;
	s10 =	sld [smem:$0x3FB6];
	_ =	sdelay $0x3  }
0x34: {  	[smem:$0x3FB6] =	sst s10  }
0x35: {  	s10 =	sld [smem:$0x3FB5];
	_ =	sdelay $0x3  }
0x36: {  	p1 =	seq.s32 s10, $0x1;
	s10 =	sld [smem:$0x3FB6];
	_ =	sdelay $0x3  }
0x37: {  	[smem:$0x3FB6] =	sst s10  }
0x38: {  	s10 =	sld [smem:$0x3FB7]  }
0x39: {  	_ = 	snop;
	(pc) =	sbr.ind lr, $3  }
0x3a: {  	_ = 	snop  }
0x3b: {  	_ = 	snop  }
0x3c: {  	p2 =	seq.s32 s10, $0x1;
	s10 =	sld [smem:$0x3FB6]  }
0x3d: {  	_ =	shalt  }
0x3e: {  	_ =	shalt  }
0x3f: {  	_ =	shalt  }
0x40: {  	_ =	shalt  }
0x41: {  	_ =	shalt  }
0x42: {  	_ =	shalt  }
0x43: {  	_ =	shalt  }
0x44: {  	_ =	shalt  }
0x45: {  	_ =	shalt  }
0x46: {  	_ =	shalt  }
0x47: {  	_ =	shalt  }
0x48: {  	_ =	shalt  }
0x49: {  	_ =	shalt  }
0x4a: {  	_ =	shalt  }
0x4b: {  	_ =	shalt  }
0x4c: {  	_ =	shalt  }
0x4d: {  	_ =	shalt  }
0x4e: {  	_ =	shalt  }
0x4f: {  	_ =	shalt  }
0x50: {  	_ =	shalt  }
0x51: {  	_ =	shalt  }
0x52: {  	_ =	shalt  }
0x53: {  	_ =	shalt  }
0x54: {  	_ =	shalt  }
0x55: {  	_ =	shalt  }
0x56: {  	_ =	shalt  }
0x57: {  	_ =	shalt  }
0x58: {  	_ =	shalt  }
0x59: {  	_ =	shalt  }
0x5a: {  	_ =	shalt  }
0x5b: {  	_ =	shalt  }
0x5c: {  	_ =	shalt  }
0x5d: {  	_ =	shalt  }
0x5e: {  	_ =	shalt  }
0x5f: {  	_ =	shalt  }
0x60: {  	_ =	shalt  }
0x61: {  	_ =	shalt  }
0x62: {  	_ =	shalt  }
0x63: {  	_ =	shalt  }
0x64: {  	_ =	shalt  }
0x65: {  	_ =	shalt  }
0x66: {  	_ =	shalt  }
0x67: {  	_ =	shalt  }
0x68: {  	_ =	shalt  }
0x69: {  	_ =	shalt  }
0x6a: {  	_ =	shalt  }
0x6b: {  	_ =	shalt  }
0x6c: {  	_ =	shalt  }
0x6d: {  	_ =	shalt  }
0x6e: {  	_ =	shalt  }
0x6f: {  	_ =	shalt  }
0x70: {  	_ =	shalt  }
0x71: {  	_ =	shalt  }
0x72: {  	_ =	shalt  }
0x73: {  	_ =	shalt  }
0x74: {  	_ =	shalt  }
0x75: {  	_ =	shalt  }
0x76: {  	_ =	shalt  }
0x77: {  	_ =	shalt  }
0x78: {  	_ =	shalt  }
0x79: {  	_ =	shalt  }
0x7a: {  	_ =	shalt  }
0x7b: {  	_ =	shalt  }
0x7c: {  	_ =	shalt  }
0x7d: {  	_ =	shalt  }
0x7e: {  	_ =	shalt  }
0x7f: {  	_ =	shalt  }
0x80: {  	_ =	shalt  }
0x81: {  	_ =	shalt  }
0x82: {  	_ =	shalt  }
0x83: {  	_ =	shalt  }
0x84: {  	_ =	shalt  }
0x85: {  	_ =	shalt  }
0x86: {  	_ =	shalt  }
0x87: {  	_ =	shalt  }
.Lfunc_end0:
.L_simem_size_0:
called_computation.1_lowered:
.L_overlay_start_0:
0x88: {  	s2 =	sld [smem:$0x3FD9]  }
0x89: {  	s3 =	sld [smem:$0x3FFE];
	_ =	sdelay $0x1  }
0x8a: {  	s1 =	srdreg.scid  }
0x8b: {  	s0 =	sand.u32 $0x1, s1  }
0x8c: {  	s16 =	sshll.u32 s0, $0xA;
	s2 =	sadd.s32 s3, s2  }
0x8d: {  	s2 =	sadd.s32 s2, s16  }
0x8e: {  	[smem:$0x3FC2] =	sst s2  }
0x8f: {  	_ = 	snop  }
0x90: {  	(tm) =	ssettm $0x1  }
0x91: {  	s17 =	sld [smem:$0x3FFB];
	_ =	sdelay $0x3  }
0x92: {  	_ =	strace s17  }
0x93: {  	s2 =	sld [smem:$0x3FFC];
	_ =	sdelay $0x3  }
0x94: {  	_ =	strace s2  }
0x95: {  	s2 =	sld [smem:$0x3FFD];
	_ =	sdelay $0x3  }
0x96: {  	_ =	strace s2  }
0x97: {  	_ =	strace $0x8FFFFFFF  }
0x98: {  	s18 =	sld [smem:$0x3FDB];
	_ =	sdelay $0x1  }
0x99: {  	s19 =	simm.s32 $_scs_section_size  }
0x9a: {  	s4 =	simm.s32 $_size__tile_overlayer_lowered;
	s5 =	simm.s32 $_tile_overlayer_lowered  }
0x9b: {  	s22 =	simm.s32 $0x1BFF;
	s21 =	sshll.u32 s5, $0x1;
	s2 =	sadd.s32 s19, s18  }
0x9c: {  	s6 =	simm.s32 $0x0;
	s20 =	sshll.u32 s4, $0x1;
	s4 =	sadd.s32 s21, s2  }
0x9d: {  	[timem:s6], [sflag:s22] =	dma.local [hbm:s4], s20  }
0x9e: {  	_ =	swait.ge [sflag:s22], s20  }
0x9f: {  	s3 =	ssub.s32 $0x0, s20;
	[sflag:s22] =	ssyncset.done $0x0  }
0xa0: {  	[sflag:s22] =	ssyncadd.s32 s3;
	_ =	sdelay $0x1  }
0xa1: {  	s23 =	simm.s32 $0x1B8B  }
0xa2: {  	_ =	swait.ge [sflag:s23], $0x1  }
0xa3: {  	[sflag:s23] =	ssyncset.done $0x0  }
0xa4: {  	s25 =	simm.s32 $0x1B8E;
	s24 =	sld [smem:$0x3FFE];
	[sflag:s23] =	ssyncadd.s32 $0xFFFFFFFF  }
0xa5: {  	s26 =	simm.s32 $execute0_lowered;
	[smem:$0x3FD2] =	sst s25  }
0xa6: {  	s4 =	sshll.u32 s26, $0x1;
	_ =	strace $0x80000049;
	[dreg:$0x1] =	wrdreg $0xFFFFFFFF  }
0xa7: {  	s28 =	simm.s32 $_size_execute0_lowered;
	s2 =	sadd.s32 s2, s4;
	[dreg:$0x0] =	wrdreg $0x0  }
0xa8: {  	s4 =	sshll.u32 s28, $0x1;
	[dreg:$0x2] =	wrdreg s2  }
0xa9: {  	[dreg:$0x3] =	wrdreg s4  }
0xaa: {  	[dreg:$0x4] =	wrdreg $0xC0  }
0xab: {  	_ =	task [dreg:s6], $0x5FFFF  }
0xac: {  	[dreg:$0x1] =	wrdreg $0xFFFFFFFF  }
0xad: {  	[dreg:$0x0] =	wrdreg $0x60  }
0xae: {  	[dreg:$0x2] =	wrdreg s24  }
0xaf: {  	[dreg:$0x3] =	wrdreg $0x18800  }
0xb0: {  	[dreg:$0x4] =	wrdreg $0x31000  }
0xb1: {  	[dreg:$0x5] =	wrdreg $0x49800  }
0xb2: {  	[dreg:$0x6] =	wrdreg $0x62000  }
0xb3: {  	[dreg:$0x7] =	wrdreg $0x7A800  }
0xb4: {  	[dreg:$0x8] =	wrdreg $0x0  }
0xb5: {  	[dreg:$0x9] =	wrdreg $0x9  }
0xb6: {  	_ =	task.clear_ibuf [dreg:s6], $0xAFFFF;
	_ =	strace $0x90000049  }
0xb7: {  	s29 =	simm.s32 $0x9;
	_ =	strace $0x8000004B  }
0xb8: {  	_ =	swait.ge [sflag:s29], $0x1  }
0xb9: {  	[sflag:s29] =	ssyncadd.s32 $0xFFFFFFFF  }
0xba: {  	_ =	strace $0x9000004B  }
0xbb: {  	_ =	sfence  }
0xbc: {  	s30 =	sld [smem:$0x0];
	_ =	sdelay $0x2  }
0xbd: {  	s31 =	sshll.u32 s1, $0xD;
	s1 =	sshrl.u32 s1, $0x2  }
0xbe: {  	s3 =	sand.u32 $0x4000, s31;
	s1 =	sadd.s32 s1, s30  }
0xbf: {  	s0 =	sor.u32 s3, s0;
	s1 =	sshll.u32 s1, $0x11  }
0xc0: {  	s0 =	sor.u32 s1, s0  }
0xc1: {  	s0 =	sadd.s32 $0x8F2B, s0  }
0xc2: {  	[sflag:s0] =	ssyncadd.remote.s32 $0x1  }
0xc3: {  	_ =	sfence.sel $0xFFFF  }
0xc4: {  	[dreg:$0x0] =	wrdreg $0xFFFFFFFF;
	(pc) =	sbr.abs _section_cstart, $3  }
0xc5: {  	[dreg:$0x1] =	wrdreg $0xFFFFFFFF  }
0xc6: {  	_ =	task.clear_ibuf [dreg:s6], $0x2FFFF;
	_ =	strace $0x9FFFFFFF  }
0xc7: {  	(tm) =	ssettm $0x7FFFFFFF  }
tec
execute0_lowered:
.L_overlay_start_1:
0x0: {  	(tag) =	ssettag $0x1  }
0x1: {  	s25 =	rddreg [dreg:$0x0]  }
0x2: {  	s1 =	rddreg [dreg:$0x1]  }
0x3: {  	s3 =	rddreg [dreg:$0x2]  }
0x4: {  	s4 =	rddreg [dreg:$0x3]  }
0x5: {  	s5 =	rddreg [dreg:$0x4]  }
0x6: {  	s6 =	rddreg [dreg:$0x5]  }
0x7: {  	s7 =	rddreg [dreg:$0x6]  }
0x8: {  	s0 =	stileid.u32;
	s2 =	srdreg.scid  }
0x9: {  	s8 =	simm.s32 $0x0;
	s15 =	smul.u32 $0x1880, s0;
	s2 =	sand.u32 $0x1, s2  }
0xa: {  	[smem:$0x7FF] =	sst s8;
	s10 =	sshll.u32 s2, $0x4  }
0xb: {  	s12 =	sadd.s32 $0x1800, s25;
	s9 =	sshrl.u32 s15, $0x3;
	s10 =	sor.u32 s0, s10  }
0xc: {  	s18 =	sadd.s32 s15, s7;
	s9 =	sadd.s32 s9, s25;
	s10 =	smul.u32 $0xC350, s10  }
0xd: {  	_ =	strace $0x8000004A;
	[dreg:$0xa] =	wrdreg s18;
	s11 =	sadd.s32 $0x63400, s9  }
0xe: {  	s9 =	sadd.s32 $0x66600, s9;
	[dreg:$0x8] =	wrdreg s11;
	s10 =	sshrl.u32 s10, $0x3  }
0xf: {  	[dreg:$0x9] =	wrdreg s9;
	s11 =	sadd.s32 $0x32600, s25;
	s19 =	sadd.s32 s12, s10  }
0x10: {  	s20 =	sadd.s32 s11, s10;
	s13 =	sadd.s32 $0x4E2, s10;
	[dreg:$0xb] =	wrdreg s19  }
0x11: {  	s23 =	sadd.s32 $0x9C4, s10;
	[dreg:$0xc] =	wrdreg s20;
	s21 =	sadd.s32 s12, s13  }
0x12: {  	s24 =	sadd.s32 s12, s23;
	s26 =	sadd.s32 s11, s23;
	s23 =	rddreg [dreg:$0x8]  }
0x13: {  	s22 =	sadd.s32 s11, s13;
	[dreg:$0xd] =	wrdreg s21  }
0x14: {  	s14 =	smul.u32 $0x18800, s2;
	[dreg:$0xe] =	wrdreg s22  }
0x15: {  	s0 =	sadd.s32 $0xEA6, s10;
	[dreg:$0xf] =	wrdreg s24  }
0x16: {  	s18 =	sadd.s32 s15, s14;
	s16 =	sadd.s32 s12, s0;
	[dreg:$0x10] =	wrdreg s26  }
0x17: {  	s10 =	sadd.s32 $0x1388, s10;
	s17 =	sadd.s32 s11, s0;
	[dreg:$0x11] =	wrdreg s16  }
0x18: {  	s19 =	sadd.s32 s12, s10;
	s20 =	sshrl.u32 s18, $0x3;
	[dreg:$0x12] =	wrdreg s17  }
0x19: {  	[dreg:$0x13] =	wrdreg s19;
	s21 =	sadd.s32 s11, s10;
	s31 =	sadd.s32 s20, s25  }
0x1a: {  	s10 =	simm.s32 $0x9300;
	[dreg:$0x14] =	wrdreg s21;
	s22 =	sadd.s32 $0x7C200, s31  }
0x1b: {  	[tilespmem:s10], [sflag:$0x1] =	stream.linear.gather [hbm4b:s23+s8], $0x1880, $0x38;
	[tilespmem:$0x1BCF0] =	vst v63  }
0x1c: {  	s24 =	sadd.s32 $0x82400, s31;
	[dreg:$0x15] =	wrdreg s22  }
0x1d: {  	s9 =	simm.s32 $0x1;
	[dreg:$0x16] =	wrdreg s24  }
0x1e: {  	_ =	swait.ge [sflag:s9], $0x1880  }
0x1f: {  	[sflag:s9] =	ssyncset.done $0x0  }
0x20: {  	s11 =	sadd.s32 s15, s1;
	[sflag:s9] =	ssyncadd.s32 $0xFFFFE780  }
0x21: {  	[spmem:s11] =	stream.linear.scatter [tilespmem:s10], [sflag:$0x1], $0x1880, $0x38;
	[tilespmem:$0x1BCF0] =	vst v63  }
0x22: {  	_ =	swait.ge [sflag:s9], $0x1880  }
0x23: {  	[sflag:s9] =	ssyncset.done $0x0  }
0x24: {  	s12 =	sadd.s32 s15, s3;
	[sflag:s9] =	ssyncadd.s32 $0xFFFFE780  }
0x25: {  	[spmem:s12] =	stream.linear.scatter [tilespmem:s10], [sflag:$0x1], $0x1880, $0x38;
	[tilespmem:$0x1BCF0] =	vst v63  }
0x26: {  	_ =	swait.ge [sflag:s9], $0x1880  }
0x27: {  	[sflag:s9] =	ssyncset.done $0x0  }
0x28: {  	s13 =	sadd.s32 s15, s4;
	[sflag:s9] =	ssyncadd.s32 $0xFFFFE780  }
0x29: {  	[spmem:s13] =	stream.linear.scatter [tilespmem:s10], [sflag:$0x1], $0x1880, $0x38;
	[tilespmem:$0x1BCF0] =	vst v63  }
0x2a: {  	_ =	swait.ge [sflag:s9], $0x1880  }
0x2b: {  	[sflag:s9] =	ssyncset.done $0x0  }
0x2c: {  	s14 =	sadd.s32 s15, s5;
	[sflag:s9] =	ssyncadd.s32 $0xFFFFE780  }
0x2d: {  	[spmem:s14] =	stream.linear.scatter [tilespmem:s10], [sflag:$0x1], $0x1880, $0x38;
	[tilespmem:$0x1BCF0] =	vst v63  }
0x2e: {  	_ =	swait.ge [sflag:s9], $0x1880  }
0x2f: {  	[sflag:s9] =	ssyncset.done $0x0  }
0x30: {  	s15 =	sadd.s32 s15, s6;
	[sflag:s9] =	ssyncadd.s32 $0xFFFFE780  }
0x31: {  	[spmem:s15] =	stream.linear.scatter [tilespmem:s10], [sflag:$0x1], $0x1880, $0x38;
	[tilespmem:$0x1BCF0] =	vst v63  }
0x32: {  	_ =	swait.ge [sflag:s9], $0x1880  }
0x33: {  	[sflag:s9] =	ssyncset.done $0x0  }
0x34: {  	s16 =	rddreg [dreg:$0x9];
	[sflag:s9] =	ssyncadd.s32 $0xFFFFE780  }
0x35: {  	[tilespmem:s10], [sflag:$0x1] =	stream.linear.gather [hbm4b:s16+s8], $0x1880, $0x38;
	[tilespmem:$0x1BCF0] =	vst v63  }
0x36: {  	_ =	swait.ge [sflag:s9], $0x1880  }
0x37: {  	[sflag:s9] =	ssyncset.done $0x0  }
0x38: {  	s26 =	rddreg [dreg:$0xa];
	[sflag:s9] =	ssyncadd.s32 $0xFFFFE780  }
0x39: {  	[spmem:s26] =	stream.linear.scatter [tilespmem:s10], [sflag:$0x1], $0x1880, $0x38;
	[tilespmem:$0x1BCF0] =	vst v63  }
0x3a: {  	_ =	swait.ge [sflag:s9], $0x1880  }
0x3b: {  	[sflag:s9] =	ssyncset.done $0x0  }
0x3c: {  	[sflag:s9] =	ssyncadd.s32 $0xFFFFE780  }
0x3d: {  	[bflag:$0x0] =	sbarrier.arrive $0xFFFF  }
0x3e: {  	s16 =	simm.s32 $0xAB80;
	s17 =	rddreg [dreg:$0xb]  }
0x3f: {  	[tilespmem:s16], [sflag:$0x1] =	stream.linear.gather [hbm4b:s17+s8], $0x2710, $0x38;
	[tilespmem:$0x1BCF0] =	vst v63  }
0x40: {  	_ =	swait.ge [sflag:s9], $0x2710  }
0x41: {  	[sflag:s9] =	ssyncset.done $0x0  }
0x42: {  	s17 =	simm.s32 $0xD290;
	s18 =	rddreg [dreg:$0xc];
	[sflag:s9] =	ssyncadd.s32 $0xFFFFD8F0  }
0x43: {  	[tilespmem:s17], [sflag:$0x1] =	stream.linear.gather [hbm4b:s18+s8], $0x2710, $0x38;
	[tilespmem:$0x1BCF0] =	vst v63  }
0x44: {  	_ =	swait.ge [sflag:s9], $0x2710  }
0x45: {  	s19 =	simm.s32 $0x2710;
	[sflag:s9] =	ssyncset.done $0x0  }
0x46: {  	s20 =	simm.s32 $0xF9A0;
	s18 =	sadd.s32 $0x69800, s25;
	[sflag:s9] =	ssyncadd.s32 $0xFFFFD8F0  }
0x47: {  	[tilespmem:s20], [sflag:$0x1] =	stream.indirect.gather [hbm4b:s18+s19], $0x1, s16, s19, $0xb8;
	[tilespmem:$0x1BCF0] =	vst v63  }
0x48: {  	_ =	swait.ge [sflag:s9], $0x2710  }
0x49: {  	[sflag:s9] =	ssyncset.done $0x0  }
0x4a: {  	s21 =	sadd.s32 $0x72E00, s25;
	s22 =	simm.s32 $0x120B0;
	[sflag:s9] =	ssyncadd.s32 $0xFFFFD8F0  }
0x4b: {  	[tilespmem:s22], [sflag:$0x1] =	stream.indirect.gather [hbm4b:s21+s19], $0x1, s16, s19, $0xb8;
	[tilespmem:$0x1BCF0] =	vst v63  }
0x4c: {  	_ =	swait.ge [sflag:s9], $0x2710  }
0x4d: {  	[sflag:s9] =	ssyncset.done $0x0  }
0x4e: {  	s23 =	sadd.s32 $0x6FC00, s25;
	s24 =	simm.s32 $0x147C0;
	[sflag:s9] =	ssyncadd.s32 $0xFFFFD8F0  }
0x4f: {  	[tilespmem:s24], [sflag:$0x1] =	stream.indirect.gather [hbm4b:s23+s19], $0x1, s16, s19, $0xb8;
	[tilespmem:$0x1BCF0] =	vst v63  }
0x50: {  	_ =	swait.ge [sflag:s9], $0x2710  }
0x51: {  	[sflag:s9] =	ssyncset.done $0x0  }
0x52: {  	s26 =	simm.s32 $0x16ED0;
	s25 =	sadd.s32 $0x6CA00, s25;
	[sflag:s9] =	ssyncadd.s32 $0xFFFFD8F0  }
0x53: {  	[tilespmem:s26], [sflag:$0x1] =	stream.indirect.gather [hbm4b:s25+s19], $0x1, s16, s19, $0xb8;
	[tilespmem:$0x1BCF0] =	vst v63  }
0x54: {  	_ =	swait.ge [sflag:s9], $0x2710  }
0x55: {  	[sflag:s9] =	ssyncset.done $0x0  }
0x56: {  	s28 =	simm.s32 $0x195E0;
	[sflag:s9] =	ssyncadd.s32 $0xFFFFD8F0  }
0x57: {  	[tilespmem:s28], [sflag:$0x1] =	stream.indirect.gather [spmem:s7], $0x1, s17, s19, $0xb8;
	[tilespmem:$0x1BCF0] =	vst v63  }
0x58: {  	_ =	swait.ge [sflag:s9], $0x2710  }
0x59: {  	[sflag:s9] =	ssyncset.done $0x0  }
0x5a: {  	[sflag:s9] =	ssyncadd.s32 $0xFFFFD8F0  }
0x5b: {  	[spmem:s1] =	stream.indirect.scatter.add.f32 [tilespmem:s20], [sflag:$0x1], $0x1, s17, s19, $0xb8;
	[tilespmem:$0x1BCF0] =	vst v63  }
0x5c: {  	_ =	swait.ge [sflag:s9], $0x2710  }
0x5d: {  	[sflag:s9] =	ssyncset.done $0x0  }
0x5e: {  	[sflag:s9] =	ssyncadd.s32 $0xFFFFD8F0  }
0x5f: {  	[spmem:s3] =	stream.indirect.scatter.add.f32 [tilespmem:s22], [sflag:$0x1], $0x1, s17, s19, $0xb8;
	[tilespmem:$0x1BCF0] =	vst v63  }
0x60: {  	_ =	swait.ge [sflag:s9], $0x2710  }
0x61: {  	[sflag:s9] =	ssyncset.done $0x0  }
0x62: {  	[sflag:s9] =	ssyncadd.s32 $0xFFFFD8F0  }
0x63: {  	[spmem:s4] =	stream.indirect.scatter.add.f32 [tilespmem:s24], [sflag:$0x1], $0x1, s17, s19, $0xb8;
	[tilespmem:$0x1BCF0] =	vst v63  }
0x64: {  	_ =	swait.ge [sflag:s9], $0x2710  }
0x65: {  	[sflag:s9] =	ssyncset.done $0x0  }
0x66: {  	[sflag:s9] =	ssyncadd.s32 $0xFFFFD8F0  }
0x67: {  	[spmem:s5] =	stream.indirect.scatter.add.f32 [tilespmem:s26], [sflag:$0x1], $0x1, s17, s19, $0xb8;
	[tilespmem:$0x1BCF0] =	vst v63  }
0x68: {  	_ =	swait.ge [sflag:s9], $0x2710  }
0x69: {  	[sflag:s9] =	ssyncset.done $0x0  }
0x6a: {  	[sflag:s9] =	ssyncadd.s32 $0xFFFFD8F0  }
0x6b: {  	[spmem:s6] =	stream.indirect.scatter.add.f32 [tilespmem:s28], [sflag:$0x1], $0x1, s16, s19, $0xb8;
	[tilespmem:$0x1BCF0] =	vst v63  }
0x6c: {  	_ =	swait.ge [sflag:s9], $0x2710  }
0x6d: {  	[sflag:s9] =	ssyncset.done $0x0  }
0x6e: {  	s29 =	rddreg [dreg:$0xd];
	[sflag:s9] =	ssyncadd.s32 $0xFFFFD8F0  }
0x6f: {  	[tilespmem:s16], [sflag:$0x1] =	stream.linear.gather [hbm4b:s29+s8], $0x2710, $0x38;
	[tilespmem:$0x1BCF0] =	vst v63  }
0x70: {  	_ =	swait.ge [sflag:s9], $0x2710  }
0x71: {  	[sflag:s9] =	ssyncset.done $0x0  }
0x72: {  	s29 =	rddreg [dreg:$0xe];
	[sflag:s9] =	ssyncadd.s32 $0xFFFFD8F0  }
0x73: {  	[tilespmem:s17], [sflag:$0x1] =	stream.linear.gather [hbm4b:s29+s8], $0x2710, $0x38;
	[tilespmem:$0x1BCF0] =	vst v63  }
0x74: {  	_ =	swait.ge [sflag:s9], $0x2710  }
0x75: {  	[sflag:s9] =	ssyncset.done $0x0  }
0x76: {  	[sflag:s9] =	ssyncadd.s32 $0xFFFFD8F0  }
0x77: {  	[tilespmem:s20], [sflag:$0x1] =	stream.indirect.gather [hbm4b:s18+s19], $0x1, s16, s19, $0xb8;
	[tilespmem:$0x1BCF0] =	vst v63  }
0x78: {  	_ =	swait.ge [sflag:s9], $0x2710  }
0x79: {  	[sflag:s9] =	ssyncset.done $0x0  }
0x7a: {  	[sflag:s9] =	ssyncadd.s32 $0xFFFFD8F0  }
0x7b: {  	[tilespmem:s22], [sflag:$0x1] =	stream.indirect.gather [hbm4b:s21+s19], $0x1, s16, s19, $0xb8;
	[tilespmem:$0x1BCF0] =	vst v63  }
0x7c: {  	_ =	swait.ge [sflag:s9], $0x2710  }
0x7d: {  	[sflag:s9] =	ssyncset.done $0x0  }
0x7e: {  	[sflag:s9] =	ssyncadd.s32 $0xFFFFD8F0  }
0x7f: {  	[tilespmem:s24], [sflag:$0x1] =	stream.indirect.gather [hbm4b:s23+s19], $0x1, s16, s19, $0xb8;
	[tilespmem:$0x1BCF0] =	vst v63  }
0x80: {  	_ =	swait.ge [sflag:s9], $0x2710  }
0x81: {  	[sflag:s9] =	ssyncset.done $0x0  }
0x82: {  	[sflag:s9] =	ssyncadd.s32 $0xFFFFD8F0  }
0x83: {  	[tilespmem:s26], [sflag:$0x1] =	stream.indirect.gather [hbm4b:s25+s19], $0x1, s16, s19, $0xb8;
	[tilespmem:$0x1BCF0] =	vst v63  }
0x84: {  	_ =	swait.ge [sflag:s9], $0x2710  }
0x85: {  	[sflag:s9] =	ssyncset.done $0x0  }
0x86: {  	[sflag:s9] =	ssyncadd.s32 $0xFFFFD8F0  }
0x87: {  	[tilespmem:s28], [sflag:$0x1] =	stream.indirect.gather [spmem:s7], $0x1, s17, s19, $0xb8;
	[tilespmem:$0x1BCF0] =	vst v63  }
0x88: {  	_ =	swait.ge [sflag:s9], $0x2710  }
0x89: {  	[sflag:s9] =	ssyncset.done $0x0  }
0x8a: {  	[sflag:s9] =	ssyncadd.s32 $0xFFFFD8F0  }
0x8b: {  	[spmem:s1] =	stream.indirect.scatter.add.f32 [tilespmem:s20], [sflag:$0x1], $0x1, s17, s19, $0xb8;
	[tilespmem:$0x1BCF0] =	vst v63  }
0x8c: {  	_ =	swait.ge [sflag:s9], $0x2710  }
0x8d: {  	[sflag:s9] =	ssyncset.done $0x0  }
0x8e: {  	[sflag:s9] =	ssyncadd.s32 $0xFFFFD8F0  }
0x8f: {  	[spmem:s3] =	stream.indirect.scatter.add.f32 [tilespmem:s22], [sflag:$0x1], $0x1, s17, s19, $0xb8;
	[tilespmem:$0x1BCF0] =	vst v63  }
0x90: {  	_ =	swait.ge [sflag:s9], $0x2710  }
0x91: {  	[sflag:s9] =	ssyncset.done $0x0  }
0x92: {  	[sflag:s9] =	ssyncadd.s32 $0xFFFFD8F0  }
0x93: {  	[spmem:s4] =	stream.indirect.scatter.add.f32 [tilespmem:s24], [sflag:$0x1], $0x1, s17, s19, $0xb8;
	[tilespmem:$0x1BCF0] =	vst v63  }
0x94: {  	_ =	swait.ge [sflag:s9], $0x2710  }
0x95: {  	[sflag:s9] =	ssyncset.done $0x0  }
0x96: {  	[sflag:s9] =	ssyncadd.s32 $0xFFFFD8F0  }
0x97: {  	[spmem:s5] =	stream.indirect.scatter.add.f32 [tilespmem:s26], [sflag:$0x1], $0x1, s17, s19, $0xb8;
	[tilespmem:$0x1BCF0] =	vst v63  }
0x98: {  	_ =	swait.ge [sflag:s9], $0x2710  }
0x99: {  	[sflag:s9] =	ssyncset.done $0x0  }
0x9a: {  	[sflag:s9] =	ssyncadd.s32 $0xFFFFD8F0  }
0x9b: {  	[spmem:s6] =	stream.indirect.scatter.add.f32 [tilespmem:s28], [sflag:$0x1], $0x1, s16, s19, $0xb8;
	[tilespmem:$0x1BCF0] =	vst v63  }
0x9c: {  	_ =	swait.ge [sflag:s9], $0x2710  }
0x9d: {  	[sflag:s9] =	ssyncset.done $0x0  }
0x9e: {  	s29 =	rddreg [dreg:$0xf];
	[sflag:s9] =	ssyncadd.s32 $0xFFFFD8F0  }
0x9f: {  	[tilespmem:s16], [sflag:$0x1] =	stream.linear.gather [hbm4b:s29+s8], $0x2710, $0x38;
	[tilespmem:$0x1BCF0] =	vst v63  }
0xa0: {  	_ =	swait.ge [sflag:s9], $0x2710  }
0xa1: {  	[sflag:s9] =	ssyncset.done $0x0  }
0xa2: {  	s29 =	rddreg [dreg:$0x10];
	[sflag:s9] =	ssyncadd.s32 $0xFFFFD8F0  }
0xa3: {  	[tilespmem:s17], [sflag:$0x1] =	stream.linear.gather [hbm4b:s29+s8], $0x2710, $0x38;
	[tilespmem:$0x1BCF0] =	vst v63  }
0xa4: {  	_ =	swait.ge [sflag:s9], $0x2710  }
0xa5: {  	[sflag:s9] =	ssyncset.done $0x0  }
0xa6: {  	[sflag:s9] =	ssyncadd.s32 $0xFFFFD8F0  }
0xa7: {  	[tilespmem:s20], [sflag:$0x1] =	stream.indirect.gather [hbm4b:s18+s19], $0x1, s16, s19, $0xb8;
	[tilespmem:$0x1BCF0] =	vst v63  }
0xa8: {  	_ =	swait.ge [sflag:s9], $0x2710  }
0xa9: {  	[sflag:s9] =	ssyncset.done $0x0  }
0xaa: {  	[sflag:s9] =	ssyncadd.s32 $0xFFFFD8F0  }
0xab: {  	[tilespmem:s22], [sflag:$0x1] =	stream.indirect.gather [hbm4b:s21+s19], $0x1, s16, s19, $0xb8;
	[tilespmem:$0x1BCF0] =	vst v63  }
0xac: {  	_ =	swait.ge [sflag:s9], $0x2710  }
0xad: {  	[sflag:s9] =	ssyncset.done $0x0  }
0xae: {  	[sflag:s9] =	ssyncadd.s32 $0xFFFFD8F0  }
0xaf: {  	[tilespmem:s24], [sflag:$0x1] =	stream.indirect.gather [hbm4b:s23+s19], $0x1, s16, s19, $0xb8;
	[tilespmem:$0x1BCF0] =	vst v63  }
0xb0: {  	_ =	swait.ge [sflag:s9], $0x2710  }
0xb1: {  	[sflag:s9] =	ssyncset.done $0x0  }
0xb2: {  	[sflag:s9] =	ssyncadd.s32 $0xFFFFD8F0  }
0xb3: {  	[tilespmem:s26], [sflag:$0x1] =	stream.indirect.gather [hbm4b:s25+s19], $0x1, s16, s19, $0xb8;
	[tilespmem:$0x1BCF0] =	vst v63  }
0xb4: {  	_ =	swait.ge [sflag:s9], $0x2710  }
0xb5: {  	[sflag:s9] =	ssyncset.done $0x0  }
0xb6: {  	[sflag:s9] =	ssyncadd.s32 $0xFFFFD8F0  }
0xb7: {  	[tilespmem:s28], [sflag:$0x1] =	stream.indirect.gather [spmem:s7], $0x1, s17, s19, $0xb8;
	[tilespmem:$0x1BCF0] =	vst v63  }
0xb8: {  	_ =	swait.ge [sflag:s9], $0x2710  }
0xb9: {  	[sflag:s9] =	ssyncset.done $0x0  }
0xba: {  	[sflag:s9] =	ssyncadd.s32 $0xFFFFD8F0  }
0xbb: {  	[spmem:s1] =	stream.indirect.scatter.add.f32 [tilespmem:s20], [sflag:$0x1], $0x1, s17, s19, $0xb8;
	[tilespmem:$0x1BCF0] =	vst v63  }
0xbc: {  	_ =	swait.ge [sflag:s9], $0x2710  }
0xbd: {  	[sflag:s9] =	ssyncset.done $0x0  }
0xbe: {  	[sflag:s9] =	ssyncadd.s32 $0xFFFFD8F0  }
0xbf: {  	[spmem:s3] =	stream.indirect.scatter.add.f32 [tilespmem:s22], [sflag:$0x1], $0x1, s17, s19, $0xb8;
	[tilespmem:$0x1BCF0] =	vst v63  }
0xc0: {  	_ =	swait.ge [sflag:s9], $0x2710  }
0xc1: {  	[sflag:s9] =	ssyncset.done $0x0  }
0xc2: {  	[sflag:s9] =	ssyncadd.s32 $0xFFFFD8F0  }
0xc3: {  	[spmem:s4] =	stream.indirect.scatter.add.f32 [tilespmem:s24], [sflag:$0x1], $0x1, s17, s19, $0xb8;
	[tilespmem:$0x1BCF0] =	vst v63  }
0xc4: {  	_ =	swait.ge [sflag:s9], $0x2710  }
0xc5: {  	[sflag:s9] =	ssyncset.done $0x0  }
0xc6: {  	[sflag:s9] =	ssyncadd.s32 $0xFFFFD8F0  }
0xc7: {  	[spmem:s5] =	stream.indirect.scatter.add.f32 [tilespmem:s26], [sflag:$0x1], $0x1, s17, s19, $0xb8;
	[tilespmem:$0x1BCF0] =	vst v63  }
0xc8: {  	_ =	swait.ge [sflag:s9], $0x2710  }
0xc9: {  	[sflag:s9] =	ssyncset.done $0x0  }
0xca: {  	[sflag:s9] =	ssyncadd.s32 $0xFFFFD8F0  }
0xcb: {  	[spmem:s6] =	stream.indirect.scatter.add.f32 [tilespmem:s28], [sflag:$0x1], $0x1, s16, s19, $0xb8;
	[tilespmem:$0x1BCF0] =	vst v63  }
0xcc: {  	_ =	swait.ge [sflag:s9], $0x2710  }
0xcd: {  	[sflag:s9] =	ssyncset.done $0x0  }
0xce: {  	s29 =	rddreg [dreg:$0x11];
	[sflag:s9] =	ssyncadd.s32 $0xFFFFD8F0  }
0xcf: {  	[tilespmem:s16], [sflag:$0x1] =	stream.linear.gather [hbm4b:s29+s8], $0x2710, $0x38;
	[tilespmem:$0x1BCF0] =	vst v63  }
0xd0: {  	_ =	swait.ge [sflag:s9], $0x2710  }
0xd1: {  	[sflag:s9] =	ssyncset.done $0x0  }
0xd2: {  	s29 =	rddreg [dreg:$0x12];
	[sflag:s9] =	ssyncadd.s32 $0xFFFFD8F0  }
0xd3: {  	[tilespmem:s17], [sflag:$0x1] =	stream.linear.gather [hbm4b:s29+s8], $0x2710, $0x38;
	[tilespmem:$0x1BCF0] =	vst v63  }
0xd4: {  	_ =	swait.ge [sflag:s9], $0x2710  }
0xd5: {  	[sflag:s9] =	ssyncset.done $0x0  }
0xd6: {  	[sflag:s9] =	ssyncadd.s32 $0xFFFFD8F0  }
0xd7: {  	[tilespmem:s20], [sflag:$0x1] =	stream.indirect.gather [hbm4b:s18+s19], $0x1, s16, s19, $0xb8;
	[tilespmem:$0x1BCF0] =	vst v63  }
0xd8: {  	_ =	swait.ge [sflag:s9], $0x2710  }
0xd9: {  	[sflag:s9] =	ssyncset.done $0x0  }
0xda: {  	[sflag:s9] =	ssyncadd.s32 $0xFFFFD8F0  }
0xdb: {  	[tilespmem:s22], [sflag:$0x1] =	stream.indirect.gather [hbm4b:s21+s19], $0x1, s16, s19, $0xb8;
	[tilespmem:$0x1BCF0] =	vst v63  }
0xdc: {  	_ =	swait.ge [sflag:s9], $0x2710  }
0xdd: {  	[sflag:s9] =	ssyncset.done $0x0  }
0xde: {  	[sflag:s9] =	ssyncadd.s32 $0xFFFFD8F0  }
0xdf: {  	[tilespmem:s24], [sflag:$0x1] =	stream.indirect.gather [hbm4b:s23+s19], $0x1, s16, s19, $0xb8;
	[tilespmem:$0x1BCF0] =	vst v63  }
0xe0: {  	_ =	swait.ge [sflag:s9], $0x2710  }
0xe1: {  	[sflag:s9] =	ssyncset.done $0x0  }
0xe2: {  	[sflag:s9] =	ssyncadd.s32 $0xFFFFD8F0  }
0xe3: {  	[tilespmem:s26], [sflag:$0x1] =	stream.indirect.gather [hbm4b:s25+s19], $0x1, s16, s19, $0xb8;
	[tilespmem:$0x1BCF0] =	vst v63  }
0xe4: {  	_ =	swait.ge [sflag:s9], $0x2710  }
0xe5: {  	[sflag:s9] =	ssyncset.done $0x0  }
0xe6: {  	[sflag:s9] =	ssyncadd.s32 $0xFFFFD8F0  }
0xe7: {  	[tilespmem:s28], [sflag:$0x1] =	stream.indirect.gather [spmem:s7], $0x1, s17, s19, $0xb8;
	[tilespmem:$0x1BCF0] =	vst v63  }
0xe8: {  	_ =	swait.ge [sflag:s9], $0x2710  }
0xe9: {  	[sflag:s9] =	ssyncset.done $0x0  }
0xea: {  	[sflag:s9] =	ssyncadd.s32 $0xFFFFD8F0  }
0xeb: {  	[spmem:s1] =	stream.indirect.scatter.add.f32 [tilespmem:s20], [sflag:$0x1], $0x1, s17, s19, $0xb8;
	[tilespmem:$0x1BCF0] =	vst v63  }
0xec: {  	_ =	swait.ge [sflag:s9], $0x2710  }
0xed: {  	[sflag:s9] =	ssyncset.done $0x0  }
0xee: {  	[sflag:s9] =	ssyncadd.s32 $0xFFFFD8F0  }
0xef: {  	[spmem:s3] =	stream.indirect.scatter.add.f32 [tilespmem:s22], [sflag:$0x1], $0x1, s17, s19, $0xb8;
	[tilespmem:$0x1BCF0] =	vst v63  }
0xf0: {  	_ =	swait.ge [sflag:s9], $0x2710  }
0xf1: {  	[sflag:s9] =	ssyncset.done $0x0  }
0xf2: {  	[sflag:s9] =	ssyncadd.s32 $0xFFFFD8F0  }
0xf3: {  	[spmem:s4] =	stream.indirect.scatter.add.f32 [tilespmem:s24], [sflag:$0x1], $0x1, s17, s19, $0xb8;
	[tilespmem:$0x1BCF0] =	vst v63  }
0xf4: {  	_ =	swait.ge [sflag:s9], $0x2710  }
0xf5: {  	[sflag:s9] =	ssyncset.done $0x0  }
0xf6: {  	[sflag:s9] =	ssyncadd.s32 $0xFFFFD8F0  }
0xf7: {  	[spmem:s5] =	stream.indirect.scatter.add.f32 [tilespmem:s26], [sflag:$0x1], $0x1, s17, s19, $0xb8;
	[tilespmem:$0x1BCF0] =	vst v63  }
0xf8: {  	_ =	swait.ge [sflag:s9], $0x2710  }
0xf9: {  	[sflag:s9] =	ssyncset.done $0x0  }
0xfa: {  	[sflag:s9] =	ssyncadd.s32 $0xFFFFD8F0  }
0xfb: {  	[spmem:s6] =	stream.indirect.scatter.add.f32 [tilespmem:s28], [sflag:$0x1], $0x1, s16, s19, $0xb8;
	[tilespmem:$0x1BCF0] =	vst v63  }
0xfc: {  	_ =	swait.ge [sflag:s9], $0x2710  }
0xfd: {  	[sflag:s9] =	ssyncset.done $0x0  }
0xfe: {  	s29 =	rddreg [dreg:$0x13];
	[sflag:s9] =	ssyncadd.s32 $0xFFFFD8F0  }
0xff: {  	[tilespmem:s16], [sflag:$0x1] =	stream.linear.gather [hbm4b:s29+s8], $0x2710, $0x38;
	[tilespmem:$0x1BCF0] =	vst v63  }
0x100: {  	_ =	swait.ge [sflag:s9], $0x2710  }
0x101: {  	[sflag:s9] =	ssyncset.done $0x0  }
0x102: {  	s29 =	rddreg [dreg:$0x14];
	[sflag:s9] =	ssyncadd.s32 $0xFFFFD8F0  }
0x103: {  	[tilespmem:s17], [sflag:$0x1] =	stream.linear.gather [hbm4b:s29+s8], $0x2710, $0x38;
	[tilespmem:$0x1BCF0] =	vst v63  }
0x104: {  	_ =	swait.ge [sflag:s9], $0x2710  }
0x105: {  	[sflag:s9] =	ssyncset.done $0x0  }
0x106: {  	[sflag:s9] =	ssyncadd.s32 $0xFFFFD8F0  }
0x107: {  	[tilespmem:s20], [sflag:$0x1] =	stream.indirect.gather [hbm4b:s18+s19], $0x1, s16, s19, $0xb8;
	[tilespmem:$0x1BCF0] =	vst v63  }
0x108: {  	_ =	swait.ge [sflag:s9], $0x2710  }
0x109: {  	[sflag:s9] =	ssyncset.done $0x0  }
0x10a: {  	[sflag:s9] =	ssyncadd.s32 $0xFFFFD8F0  }
0x10b: {  	[tilespmem:s22], [sflag:$0x1] =	stream.indirect.gather [hbm4b:s21+s19], $0x1, s16, s19, $0xb8;
	[tilespmem:$0x1BCF0] =	vst v63  }
0x10c: {  	_ =	swait.ge [sflag:s9], $0x2710  }
0x10d: {  	[sflag:s9] =	ssyncset.done $0x0  }
0x10e: {  	[sflag:s9] =	ssyncadd.s32 $0xFFFFD8F0  }
0x10f: {  	[tilespmem:s24], [sflag:$0x1] =	stream.indirect.gather [hbm4b:s23+s19], $0x1, s16, s19, $0xb8;
	[tilespmem:$0x1BCF0] =	vst v63  }
0x110: {  	_ =	swait.ge [sflag:s9], $0x2710  }
0x111: {  	[sflag:s9] =	ssyncset.done $0x0  }
0x112: {  	[sflag:s9] =	ssyncadd.s32 $0xFFFFD8F0  }
0x113: {  	[tilespmem:s26], [sflag:$0x1] =	stream.indirect.gather [hbm4b:s25+s19], $0x1, s16, s19, $0xb8;
	[tilespmem:$0x1BCF0] =	vst v63  }
0x114: {  	_ =	swait.ge [sflag:s9], $0x2710  }
0x115: {  	[sflag:s9] =	ssyncset.done $0x0  }
0x116: {  	[sflag:s9] =	ssyncadd.s32 $0xFFFFD8F0  }
0x117: {  	[tilespmem:s28], [sflag:$0x1] =	stream.indirect.gather [spmem:s7], $0x1, s17, s19, $0xb8;
	[tilespmem:$0x1BCF0] =	vst v63  }
0x118: {  	_ =	swait.ge [sflag:s9], $0x2710  }
0x119: {  	[sflag:s9] =	ssyncset.done $0x0  }
0x11a: {  	[sflag:s9] =	ssyncadd.s32 $0xFFFFD8F0  }
0x11b: {  	[spmem:s1] =	stream.indirect.scatter.add.f32 [tilespmem:s20], [sflag:$0x1], $0x1, s17, s19, $0xb8;
	[tilespmem:$0x1BCF0] =	vst v63  }
0x11c: {  	_ =	swait.ge [sflag:s9], $0x2710  }
0x11d: {  	[sflag:s9] =	ssyncset.done $0x0  }
0x11e: {  	[sflag:s9] =	ssyncadd.s32 $0xFFFFD8F0  }
0x11f: {  	[spmem:s3] =	stream.indirect.scatter.add.f32 [tilespmem:s22], [sflag:$0x1], $0x1, s17, s19, $0xb8;
	[tilespmem:$0x1BCF0] =	vst v63  }
0x120: {  	_ =	swait.ge [sflag:s9], $0x2710  }
0x121: {  	[sflag:s9] =	ssyncset.done $0x0  }
0x122: {  	[sflag:s9] =	ssyncadd.s32 $0xFFFFD8F0  }
0x123: {  	[spmem:s4] =	stream.indirect.scatter.add.f32 [tilespmem:s24], [sflag:$0x1], $0x1, s17, s19, $0xb8;
	[tilespmem:$0x1BCF0] =	vst v63  }
0x124: {  	_ =	swait.ge [sflag:s9], $0x2710  }
0x125: {  	[sflag:s9] =	ssyncset.done $0x0  }
0x126: {  	[sflag:s9] =	ssyncadd.s32 $0xFFFFD8F0  }
0x127: {  	[spmem:s5] =	stream.indirect.scatter.add.f32 [tilespmem:s26], [sflag:$0x1], $0x1, s17, s19, $0xb8;
	[tilespmem:$0x1BCF0] =	vst v63  }
0x128: {  	_ =	swait.ge [sflag:s9], $0x2710  }
0x129: {  	[sflag:s9] =	ssyncset.done $0x0  }
0x12a: {  	[sflag:s9] =	ssyncadd.s32 $0xFFFFD8F0  }
0x12b: {  	[spmem:s6] =	stream.indirect.scatter.add.f32 [tilespmem:s28], [sflag:$0x1], $0x1, s16, s19, $0xb8;
	[tilespmem:$0x1BCF0] =	vst v63  }
0x12c: {  	_ =	swait.ge [sflag:s9], $0x2710  }
0x12d: {  	[sflag:s9] =	ssyncset.done $0x0  }
0x12e: {  	[sflag:s9] =	ssyncadd.s32 $0xFFFFD8F0  }
0x12f: {  	[bflag:$0x0] =	sbarrier.arrive $0xFFFF  }
0x130: {  	[tilespmem:s10], [sflag:$0x1] =	stream.linear.gather [spmem:s11], $0x1880, $0x38;
	[tilespmem:$0x1BCF0] =	vst v63  }
0x131: {  	_ =	swait.ge [sflag:s9], $0x1880  }
0x132: {  	[sflag:s9] =	ssyncset.done $0x0  }
0x133: {  	s29 =	rddreg [dreg:$0x15];
	[sflag:s9] =	ssyncadd.s32 $0xFFFFE780  }
0x134: {  	[hbm4b:s29+s8] =	stream.linear.scatter [tilespmem:s10], [sflag:$0x1], $0x1880, $0x38;
	[tilespmem:$0x1BCF0] =	vst v63  }
0x135: {  	_ =	swait.ge [sflag:s9], $0x1880  }
0x136: {  	[sflag:s9] =	ssyncset.done $0x0  }
0x137: {  	[sflag:s9] =	ssyncadd.s32 $0xFFFFE780  }
0x138: {  	[tilespmem:s10], [sflag:$0x1] =	stream.linear.gather [spmem:s12], $0x1880, $0x38;
	[tilespmem:$0x1BCF0] =	vst v63  }
0x139: {  	_ =	swait.ge [sflag:s9], $0x1880  }
0x13a: {  	[sflag:s9] =	ssyncset.done $0x0  }
0x13b: {  	s29 =	rddreg [dreg:$0x16];
	[sflag:s9] =	ssyncadd.s32 $0xFFFFE780  }
0x13c: {  	[hbm4b:s29+s8] =	stream.linear.scatter [tilespmem:s10], [sflag:$0x1], $0x1880, $0x38;
	[tilespmem:$0x1BCF0] =	vst v63  }
0x13d: {  	_ =	swait.ge [sflag:s9], $0x1880  }
0x13e: {  	[sflag:s9] =	ssyncset.done $0x0  }
0x13f: {  	[sflag:s9] =	ssyncadd.s32 $0xFFFFE780  }
0x140: {  	[tilespmem:s10], [sflag:$0x1] =	stream.linear.gather [spmem:s13], $0x1880, $0x38;
	[tilespmem:$0x1BCF0] =	vst v63  }
0x141: {  	_ =	swait.ge [sflag:s9], $0x1880  }
0x142: {  	[sflag:s9] =	ssyncset.done $0x0  }
0x143: {  	s29 =	sadd.s32 $0x88600, s31;
	[sflag:s9] =	ssyncadd.s32 $0xFFFFE780  }
0x144: {  	[hbm4b:s29+s8] =	stream.linear.scatter [tilespmem:s10], [sflag:$0x1], $0x1880, $0x38;
	[tilespmem:$0x1BCF0] =	vst v63  }
0x145: {  	_ =	swait.ge [sflag:s9], $0x1880  }
0x146: {  	[sflag:s9] =	ssyncset.done $0x0  }
0x147: {  	[sflag:s9] =	ssyncadd.s32 $0xFFFFE780  }
0x148: {  	[tilespmem:s10], [sflag:$0x1] =	stream.linear.gather [spmem:s14], $0x1880, $0x38;
	[tilespmem:$0x1BCF0] =	vst v63  }
0x149: {  	_ =	swait.ge [sflag:s9], $0x1880  }
0x14a: {  	s2 =	ssub.s32 $0x2, s2;
	[sflag:s9] =	ssyncset.done $0x0  }
0x14b: {  	s0 =	sshrl.u32 s2, $0x1;
	s30 =	sadd.s32 $0x8E800, s31;
	[sflag:s9] =	ssyncadd.s32 $0xFFFFE780  }
0x14c: {  	[hbm4b:s30+s8] =	stream.linear.scatter [tilespmem:s10], [sflag:$0x1], $0x1880, $0x38;
	[tilespmem:$0x1BCF0] =	vst v63  }
0x14d: {  	s0 =	ssub.s32 s2, s0;
	_ =	swait.ge [sflag:s9], $0x1880  }
0x14e: {  	s0 =	smax.u32 s0, $0x1;
	[sflag:s9] =	ssyncset.done $0x0  }
0x14f: {  	p0 =	sne.s32 s0, $0x1;
	[sflag:s9] =	ssyncadd.s32 $0xFFFFE780  }
0x150: {  	[tilespmem:s10], [sflag:$0x1] =	stream.linear.gather [spmem:s15], $0x1880, $0x38;
	[tilespmem:$0x1BCF0] =	vst v63  }
.Ltmp0:
0x151: {  	_ =	swait.ge [sflag:s9], $0x1880;
	(pc) =	sbr.rel @!p0 .LBB2_2-.Ltmp0, $4  }
0x152: {  	[sflag:s9] =	ssyncset.done $0x0  }
0x153: {  	s31 =	sadd.s32 $0x76000, s31;
	[sflag:s9] =	ssyncadd.s32 $0xFFFFE780  }
0x154: {  	[hbm4b:s31+s8] =	stream.linear.scatter [tilespmem:s10], [sflag:$0x1], $0x1880, $0x38;
	[tilespmem:$0x1BCF0] =	vst v63  }
0x155: {  	s2 =	sadd.s32 $0xFFFFFFFF, s0;
	_ =	swait.ge [sflag:s9], $0x1880  }
.LBB2_1:
0x156: {  	[sflag:s9] =	ssyncset.done $0x0  }
0x157: {  	s0 =	rddreg [dreg:$0x8];
	[sflag:s9] =	ssyncadd.s32 $0xFFFFE780  }
0x158: {  	[tilespmem:s10], [sflag:$0x1] =	stream.linear.gather [hbm4b:s0+s8], $0x1880, $0x38;
	[tilespmem:$0x1BCF0] =	vst v63  }
0x159: {  	_ =	swait.ge [sflag:s9], $0x1880  }
0x15a: {  	[sflag:s9] =	ssyncset.done $0x0  }
0x15b: {  	[sflag:s9] =	ssyncadd.s32 $0xFFFFE780  }
0x15c: {  	[spmem:s11] =	stream.linear.scatter [tilespmem:s10], [sflag:$0x1], $0x1880, $0x38;
	[tilespmem:$0x1BCF0] =	vst v63  }
0x15d: {  	_ =	swait.ge [sflag:s9], $0x1880  }
0x15e: {  	[sflag:s9] =	ssyncset.done $0x0  }
0x15f: {  	[sflag:s9] =	ssyncadd.s32 $0xFFFFE780  }
0x160: {  	[spmem:s12] =	stream.linear.scatter [tilespmem:s10], [sflag:$0x1], $0x1880, $0x38;
	[tilespmem:$0x1BCF0] =	vst v63  }
0x161: {  	_ =	swait.ge [sflag:s9], $0x1880  }
0x162: {  	[sflag:s9] =	ssyncset.done $0x0  }
0x163: {  	[sflag:s9] =	ssyncadd.s32 $0xFFFFE780  }
0x164: {  	[spmem:s13] =	stream.linear.scatter [tilespmem:s10], [sflag:$0x1], $0x1880, $0x38;
	[tilespmem:$0x1BCF0] =	vst v63  }
0x165: {  	_ =	swait.ge [sflag:s9], $0x1880  }
0x166: {  	[sflag:s9] =	ssyncset.done $0x0  }
0x167: {  	[sflag:s9] =	ssyncadd.s32 $0xFFFFE780  }
0x168: {  	[spmem:s14] =	stream.linear.scatter [tilespmem:s10], [sflag:$0x1], $0x1880, $0x38;
	[tilespmem:$0x1BCF0] =	vst v63  }
0x169: {  	_ =	swait.ge [sflag:s9], $0x1880  }
0x16a: {  	[sflag:s9] =	ssyncset.done $0x0  }
0x16b: {  	[sflag:s9] =	ssyncadd.s32 $0xFFFFE780  }
0x16c: {  	[spmem:s15] =	stream.linear.scatter [tilespmem:s10], [sflag:$0x1], $0x1880, $0x38;
	[tilespmem:$0x1BCF0] =	vst v63  }
0x16d: {  	_ =	swait.ge [sflag:s9], $0x1880  }
0x16e: {  	[sflag:s9] =	ssyncset.done $0x0  }
0x16f: {  	s0 =	rddreg [dreg:$0x9];
	[sflag:s9] =	ssyncadd.s32 $0xFFFFE780  }
0x170: {  	[tilespmem:s10], [sflag:$0x1] =	stream.linear.gather [hbm4b:s0+s8], $0x1880, $0x38;
	[tilespmem:$0x1BCF0] =	vst v63  }
0x171: {  	_ =	swait.ge [sflag:s9], $0x1880  }
0x172: {  	[sflag:s9] =	ssyncset.done $0x0  }
0x173: {  	s0 =	rddreg [dreg:$0xa];
	[sflag:s9] =	ssyncadd.s32 $0xFFFFE780  }
0x174: {  	[spmem:s0] =	stream.linear.scatter [tilespmem:s10], [sflag:$0x1], $0x1880, $0x38;
	[tilespmem:$0x1BCF0] =	vst v63  }
0x175: {  	_ =	swait.ge [sflag:s9], $0x1880  }
0x176: {  	[sflag:s9] =	ssyncset.done $0x0  }
0x177: {  	[sflag:s9] =	ssyncadd.s32 $0xFFFFE780  }
0x178: {  	[bflag:$0x0] =	sbarrier.arrive $0xFFFF  }
0x179: {  	s0 =	rddreg [dreg:$0xb]  }
0x17a: {  	[tilespmem:s16], [sflag:$0x1] =	stream.linear.gather [hbm4b:s0+s8], $0x2710, $0x38;
	[tilespmem:$0x1BCF0] =	vst v63  }
0x17b: {  	_ =	swait.ge [sflag:s9], $0x2710  }
0x17c: {  	[sflag:s9] =	ssyncset.done $0x0  }
0x17d: {  	s0 =	rddreg [dreg:$0xc];
	[sflag:s9] =	ssyncadd.s32 $0xFFFFD8F0  }
0x17e: {  	[tilespmem:s17], [sflag:$0x1] =	stream.linear.gather [hbm4b:s0+s8], $0x2710, $0x38;
	[tilespmem:$0x1BCF0] =	vst v63  }
0x17f: {  	_ =	swait.ge [sflag:s9], $0x2710  }
0x180: {  	[sflag:s9] =	ssyncset.done $0x0  }
0x181: {  	[sflag:s9] =	ssyncadd.s32 $0xFFFFD8F0  }
0x182: {  	[tilespmem:s20], [sflag:$0x1] =	stream.indirect.gather [hbm4b:s18+s19], $0x1, s16, s19, $0xb8;
	[tilespmem:$0x1BCF0] =	vst v63  }
0x183: {  	_ =	swait.ge [sflag:s9], $0x2710  }
0x184: {  	[sflag:s9] =	ssyncset.done $0x0  }
0x185: {  	[sflag:s9] =	ssyncadd.s32 $0xFFFFD8F0  }
0x186: {  	[tilespmem:s22], [sflag:$0x1] =	stream.indirect.gather [hbm4b:s21+s19], $0x1, s16, s19, $0xb8;
	[tilespmem:$0x1BCF0] =	vst v63  }
0x187: {  	_ =	swait.ge [sflag:s9], $0x2710  }
0x188: {  	[sflag:s9] =	ssyncset.done $0x0  }
0x189: {  	[sflag:s9] =	ssyncadd.s32 $0xFFFFD8F0  }
0x18a: {  	[tilespmem:s24], [sflag:$0x1] =	stream.indirect.gather [hbm4b:s23+s19], $0x1, s16, s19, $0xb8;
	[tilespmem:$0x1BCF0] =	vst v63  }
0x18b: {  	_ =	swait.ge [sflag:s9], $0x2710  }
0x18c: {  	[sflag:s9] =	ssyncset.done $0x0  }
0x18d: {  	[sflag:s9] =	ssyncadd.s32 $0xFFFFD8F0  }
0x18e: {  	[tilespmem:s26], [sflag:$0x1] =	stream.indirect.gather [hbm4b:s25+s19], $0x1, s16, s19, $0xb8;
	[tilespmem:$0x1BCF0] =	vst v63  }
0x18f: {  	_ =	swait.ge [sflag:s9], $0x2710  }
0x190: {  	[sflag:s9] =	ssyncset.done $0x0  }
0x191: {  	[sflag:s9] =	ssyncadd.s32 $0xFFFFD8F0  }
0x192: {  	[tilespmem:s28], [sflag:$0x1] =	stream.indirect.gather [spmem:s7], $0x1, s17, s19, $0xb8;
	[tilespmem:$0x1BCF0] =	vst v63  }
0x193: {  	_ =	swait.ge [sflag:s9], $0x2710  }
0x194: {  	[sflag:s9] =	ssyncset.done $0x0  }
0x195: {  	[sflag:s9] =	ssyncadd.s32 $0xFFFFD8F0  }
0x196: {  	[spmem:s1] =	stream.indirect.scatter.add.f32 [tilespmem:s20], [sflag:$0x1], $0x1, s17, s19, $0xb8;
	[tilespmem:$0x1BCF0] =	vst v63  }
0x197: {  	_ =	swait.ge [sflag:s9], $0x2710  }
0x198: {  	[sflag:s9] =	ssyncset.done $0x0  }
0x199: {  	[sflag:s9] =	ssyncadd.s32 $0xFFFFD8F0  }
0x19a: {  	[spmem:s3] =	stream.indirect.scatter.add.f32 [tilespmem:s22], [sflag:$0x1], $0x1, s17, s19, $0xb8;
	[tilespmem:$0x1BCF0] =	vst v63  }
0x19b: {  	_ =	swait.ge [sflag:s9], $0x2710  }
0x19c: {  	[sflag:s9] =	ssyncset.done $0x0  }
0x19d: {  	[sflag:s9] =	ssyncadd.s32 $0xFFFFD8F0  }
0x19e: {  	[spmem:s4] =	stream.indirect.scatter.add.f32 [tilespmem:s24], [sflag:$0x1], $0x1, s17, s19, $0xb8;
	[tilespmem:$0x1BCF0] =	vst v63  }
0x19f: {  	_ =	swait.ge [sflag:s9], $0x2710  }
0x1a0: {  	[sflag:s9] =	ssyncset.done $0x0  }
0x1a1: {  	[sflag:s9] =	ssyncadd.s32 $0xFFFFD8F0  }
0x1a2: {  	[spmem:s5] =	stream.indirect.scatter.add.f32 [tilespmem:s26], [sflag:$0x1], $0x1, s17, s19, $0xb8;
	[tilespmem:$0x1BCF0] =	vst v63  }
0x1a3: {  	_ =	swait.ge [sflag:s9], $0x2710  }
0x1a4: {  	[sflag:s9] =	ssyncset.done $0x0  }
0x1a5: {  	[sflag:s9] =	ssyncadd.s32 $0xFFFFD8F0  }
0x1a6: {  	[spmem:s6] =	stream.indirect.scatter.add.f32 [tilespmem:s28], [sflag:$0x1], $0x1, s16, s19, $0xb8;
	[tilespmem:$0x1BCF0] =	vst v63  }
0x1a7: {  	_ =	swait.ge [sflag:s9], $0x2710  }
0x1a8: {  	[sflag:s9] =	ssyncset.done $0x0  }
0x1a9: {  	s0 =	rddreg [dreg:$0xd];
	[sflag:s9] =	ssyncadd.s32 $0xFFFFD8F0  }
0x1aa: {  	[tilespmem:s16], [sflag:$0x1] =	stream.linear.gather [hbm4b:s0+s8], $0x2710, $0x38;
	[tilespmem:$0x1BCF0] =	vst v63  }
0x1ab: {  	_ =	swait.ge [sflag:s9], $0x2710  }
0x1ac: {  	[sflag:s9] =	ssyncset.done $0x0  }
0x1ad: {  	s0 =	rddreg [dreg:$0xe];
	[sflag:s9] =	ssyncadd.s32 $0xFFFFD8F0  }
0x1ae: {  	[tilespmem:s17], [sflag:$0x1] =	stream.linear.gather [hbm4b:s0+s8], $0x2710, $0x38;
	[tilespmem:$0x1BCF0] =	vst v63  }
0x1af: {  	_ =	swait.ge [sflag:s9], $0x2710  }
0x1b0: {  	[sflag:s9] =	ssyncset.done $0x0  }
0x1b1: {  	[sflag:s9] =	ssyncadd.s32 $0xFFFFD8F0  }
0x1b2: {  	[tilespmem:s20], [sflag:$0x1] =	stream.indirect.gather [hbm4b:s18+s19], $0x1, s16, s19, $0xb8;
	[tilespmem:$0x1BCF0] =	vst v63  }
0x1b3: {  	_ =	swait.ge [sflag:s9], $0x2710  }
0x1b4: {  	[sflag:s9] =	ssyncset.done $0x0  }
0x1b5: {  	[sflag:s9] =	ssyncadd.s32 $0xFFFFD8F0  }
0x1b6: {  	[tilespmem:s22], [sflag:$0x1] =	stream.indirect.gather [hbm4b:s21+s19], $0x1, s16, s19, $0xb8;
	[tilespmem:$0x1BCF0] =	vst v63  }
0x1b7: {  	_ =	swait.ge [sflag:s9], $0x2710  }
0x1b8: {  	[sflag:s9] =	ssyncset.done $0x0  }
0x1b9: {  	[sflag:s9] =	ssyncadd.s32 $0xFFFFD8F0  }
0x1ba: {  	[tilespmem:s24], [sflag:$0x1] =	stream.indirect.gather [hbm4b:s23+s19], $0x1, s16, s19, $0xb8;
	[tilespmem:$0x1BCF0] =	vst v63  }
0x1bb: {  	_ =	swait.ge [sflag:s9], $0x2710  }
0x1bc: {  	[sflag:s9] =	ssyncset.done $0x0  }
0x1bd: {  	[sflag:s9] =	ssyncadd.s32 $0xFFFFD8F0  }
0x1be: {  	[tilespmem:s26], [sflag:$0x1] =	stream.indirect.gather [hbm4b:s25+s19], $0x1, s16, s19, $0xb8;
	[tilespmem:$0x1BCF0] =	vst v63  }
0x1bf: {  	_ =	swait.ge [sflag:s9], $0x2710  }
0x1c0: {  	[sflag:s9] =	ssyncset.done $0x0  }
0x1c1: {  	[sflag:s9] =	ssyncadd.s32 $0xFFFFD8F0  }
0x1c2: {  	[tilespmem:s28], [sflag:$0x1] =	stream.indirect.gather [spmem:s7], $0x1, s17, s19, $0xb8;
	[tilespmem:$0x1BCF0] =	vst v63  }
0x1c3: {  	_ =	swait.ge [sflag:s9], $0x2710  }
0x1c4: {  	[sflag:s9] =	ssyncset.done $0x0  }
0x1c5: {  	[sflag:s9] =	ssyncadd.s32 $0xFFFFD8F0  }
0x1c6: {  	[spmem:s1] =	stream.indirect.scatter.add.f32 [tilespmem:s20], [sflag:$0x1], $0x1, s17, s19, $0xb8;
	[tilespmem:$0x1BCF0] =	vst v63  }
0x1c7: {  	_ =	swait.ge [sflag:s9], $0x2710  }
0x1c8: {  	[sflag:s9] =	ssyncset.done $0x0  }
0x1c9: {  	[sflag:s9] =	ssyncadd.s32 $0xFFFFD8F0  }
0x1ca: {  	[spmem:s3] =	stream.indirect.scatter.add.f32 [tilespmem:s22], [sflag:$0x1], $0x1, s17, s19, $0xb8;
	[tilespmem:$0x1BCF0] =	vst v63  }
0x1cb: {  	_ =	swait.ge [sflag:s9], $0x2710  }
0x1cc: {  	[sflag:s9] =	ssyncset.done $0x0  }
0x1cd: {  	[sflag:s9] =	ssyncadd.s32 $0xFFFFD8F0  }
0x1ce: {  	[spmem:s4] =	stream.indirect.scatter.add.f32 [tilespmem:s24], [sflag:$0x1], $0x1, s17, s19, $0xb8;
	[tilespmem:$0x1BCF0] =	vst v63  }
0x1cf: {  	_ =	swait.ge [sflag:s9], $0x2710  }
0x1d0: {  	[sflag:s9] =	ssyncset.done $0x0  }
0x1d1: {  	[sflag:s9] =	ssyncadd.s32 $0xFFFFD8F0  }
0x1d2: {  	[spmem:s5] =	stream.indirect.scatter.add.f32 [tilespmem:s26], [sflag:$0x1], $0x1, s17, s19, $0xb8;
	[tilespmem:$0x1BCF0] =	vst v63  }
0x1d3: {  	_ =	swait.ge [sflag:s9], $0x2710  }
0x1d4: {  	[sflag:s9] =	ssyncset.done $0x0  }
0x1d5: {  	[sflag:s9] =	ssyncadd.s32 $0xFFFFD8F0  }
0x1d6: {  	[spmem:s6] =	stream.indirect.scatter.add.f32 [tilespmem:s28], [sflag:$0x1], $0x1, s16, s19, $0xb8;
	[tilespmem:$0x1BCF0] =	vst v63  }
0x1d7: {  	_ =	swait.ge [sflag:s9], $0x2710  }
0x1d8: {  	[sflag:s9] =	ssyncset.done $0x0  }
0x1d9: {  	s0 =	rddreg [dreg:$0xf];
	[sflag:s9] =	ssyncadd.s32 $0xFFFFD8F0  }
0x1da: {  	[tilespmem:s16], [sflag:$0x1] =	stream.linear.gather [hbm4b:s0+s8], $0x2710, $0x38;
	[tilespmem:$0x1BCF0] =	vst v63  }
0x1db: {  	_ =	swait.ge [sflag:s9], $0x2710  }
0x1dc: {  	[sflag:s9] =	ssyncset.done $0x0  }
0x1dd: {  	s0 =	rddreg [dreg:$0x10];
	[sflag:s9] =	ssyncadd.s32 $0xFFFFD8F0  }
0x1de: {  	[tilespmem:s17], [sflag:$0x1] =	stream.linear.gather [hbm4b:s0+s8], $0x2710, $0x38;
	[tilespmem:$0x1BCF0] =	vst v63  }
0x1df: {  	_ =	swait.ge [sflag:s9], $0x2710  }
0x1e0: {  	[sflag:s9] =	ssyncset.done $0x0  }
0x1e1: {  	[sflag:s9] =	ssyncadd.s32 $0xFFFFD8F0  }
0x1e2: {  	[tilespmem:s20], [sflag:$0x1] =	stream.indirect.gather [hbm4b:s18+s19], $0x1, s16, s19, $0xb8;
	[tilespmem:$0x1BCF0] =	vst v63  }
0x1e3: {  	_ =	swait.ge [sflag:s9], $0x2710  }
0x1e4: {  	[sflag:s9] =	ssyncset.done $0x0  }
0x1e5: {  	[sflag:s9] =	ssyncadd.s32 $0xFFFFD8F0  }
0x1e6: {  	[tilespmem:s22], [sflag:$0x1] =	stream.indirect.gather [hbm4b:s21+s19], $0x1, s16, s19, $0xb8;
	[tilespmem:$0x1BCF0] =	vst v63  }
0x1e7: {  	_ =	swait.ge [sflag:s9], $0x2710  }
0x1e8: {  	[sflag:s9] =	ssyncset.done $0x0  }
0x1e9: {  	[sflag:s9] =	ssyncadd.s32 $0xFFFFD8F0  }
0x1ea: {  	[tilespmem:s24], [sflag:$0x1] =	stream.indirect.gather [hbm4b:s23+s19], $0x1, s16, s19, $0xb8;
	[tilespmem:$0x1BCF0] =	vst v63  }
0x1eb: {  	_ =	swait.ge [sflag:s9], $0x2710  }
0x1ec: {  	[sflag:s9] =	ssyncset.done $0x0  }
0x1ed: {  	[sflag:s9] =	ssyncadd.s32 $0xFFFFD8F0  }
0x1ee: {  	[tilespmem:s26], [sflag:$0x1] =	stream.indirect.gather [hbm4b:s25+s19], $0x1, s16, s19, $0xb8;
	[tilespmem:$0x1BCF0] =	vst v63  }
0x1ef: {  	_ =	swait.ge [sflag:s9], $0x2710  }
0x1f0: {  	[sflag:s9] =	ssyncset.done $0x0  }
0x1f1: {  	[sflag:s9] =	ssyncadd.s32 $0xFFFFD8F0  }
0x1f2: {  	[tilespmem:s28], [sflag:$0x1] =	stream.indirect.gather [spmem:s7], $0x1, s17, s19, $0xb8;
	[tilespmem:$0x1BCF0] =	vst v63  }
0x1f3: {  	_ =	swait.ge [sflag:s9], $0x2710  }
0x1f4: {  	[sflag:s9] =	ssyncset.done $0x0  }
0x1f5: {  	[sflag:s9] =	ssyncadd.s32 $0xFFFFD8F0  }
0x1f6: {  	[spmem:s1] =	stream.indirect.scatter.add.f32 [tilespmem:s20], [sflag:$0x1], $0x1, s17, s19, $0xb8;
	[tilespmem:$0x1BCF0] =	vst v63  }
0x1f7: {  	_ =	swait.ge [sflag:s9], $0x2710  }
0x1f8: {  	[sflag:s9] =	ssyncset.done $0x0  }
0x1f9: {  	[sflag:s9] =	ssyncadd.s32 $0xFFFFD8F0  }
0x1fa: {  	[spmem:s3] =	stream.indirect.scatter.add.f32 [tilespmem:s22], [sflag:$0x1], $0x1, s17, s19, $0xb8;
	[tilespmem:$0x1BCF0] =	vst v63  }
0x1fb: {  	_ =	swait.ge [sflag:s9], $0x2710  }
0x1fc: {  	[sflag:s9] =	ssyncset.done $0x0  }
0x1fd: {  	[sflag:s9] =	ssyncadd.s32 $0xFFFFD8F0  }
0x1fe: {  	[spmem:s4] =	stream.indirect.scatter.add.f32 [tilespmem:s24], [sflag:$0x1], $0x1, s17, s19, $0xb8;
	[tilespmem:$0x1BCF0] =	vst v63  }
0x1ff: {  	_ =	swait.ge [sflag:s9], $0x2710  }
0x200: {  	[sflag:s9] =	ssyncset.done $0x0  }
0x201: {  	[sflag:s9] =	ssyncadd.s32 $0xFFFFD8F0  }
0x202: {  	[spmem:s5] =	stream.indirect.scatter.add.f32 [tilespmem:s26], [sflag:$0x1], $0x1, s17, s19, $0xb8;
	[tilespmem:$0x1BCF0] =	vst v63  }
0x203: {  	_ =	swait.ge [sflag:s9], $0x2710  }
0x204: {  	[sflag:s9] =	ssyncset.done $0x0  }
0x205: {  	[sflag:s9] =	ssyncadd.s32 $0xFFFFD8F0  }
0x206: {  	[spmem:s6] =	stream.indirect.scatter.add.f32 [tilespmem:s28], [sflag:$0x1], $0x1, s16, s19, $0xb8;
	[tilespmem:$0x1BCF0] =	vst v63  }
0x207: {  	_ =	swait.ge [sflag:s9], $0x2710  }
0x208: {  	[sflag:s9] =	ssyncset.done $0x0  }
0x209: {  	s0 =	rddreg [dreg:$0x11];
	[sflag:s9] =	ssyncadd.s32 $0xFFFFD8F0  }
0x20a: {  	[tilespmem:s16], [sflag:$0x1] =	stream.linear.gather [hbm4b:s0+s8], $0x2710, $0x38;
	[tilespmem:$0x1BCF0] =	vst v63  }
0x20b: {  	_ =	swait.ge [sflag:s9], $0x2710  }
0x20c: {  	[sflag:s9] =	ssyncset.done $0x0  }
0x20d: {  	s0 =	rddreg [dreg:$0x12];
	[sflag:s9] =	ssyncadd.s32 $0xFFFFD8F0  }
0x20e: {  	[tilespmem:s17], [sflag:$0x1] =	stream.linear.gather [hbm4b:s0+s8], $0x2710, $0x38;
	[tilespmem:$0x1BCF0] =	vst v63  }
0x20f: {  	_ =	swait.ge [sflag:s9], $0x2710  }
0x210: {  	[sflag:s9] =	ssyncset.done $0x0  }
0x211: {  	[sflag:s9] =	ssyncadd.s32 $0xFFFFD8F0  }
0x212: {  	[tilespmem:s20], [sflag:$0x1] =	stream.indirect.gather [hbm4b:s18+s19], $0x1, s16, s19, $0xb8;
	[tilespmem:$0x1BCF0] =	vst v63  }
0x213: {  	_ =	swait.ge [sflag:s9], $0x2710  }
0x214: {  	[sflag:s9] =	ssyncset.done $0x0  }
0x215: {  	[sflag:s9] =	ssyncadd.s32 $0xFFFFD8F0  }
0x216: {  	[tilespmem:s22], [sflag:$0x1] =	stream.indirect.gather [hbm4b:s21+s19], $0x1, s16, s19, $0xb8;
	[tilespmem:$0x1BCF0] =	vst v63  }
0x217: {  	_ =	swait.ge [sflag:s9], $0x2710  }
0x218: {  	[sflag:s9] =	ssyncset.done $0x0  }
0x219: {  	[sflag:s9] =	ssyncadd.s32 $0xFFFFD8F0  }
0x21a: {  	[tilespmem:s24], [sflag:$0x1] =	stream.indirect.gather [hbm4b:s23+s19], $0x1, s16, s19, $0xb8;
	[tilespmem:$0x1BCF0] =	vst v63  }
0x21b: {  	_ =	swait.ge [sflag:s9], $0x2710  }
0x21c: {  	[sflag:s9] =	ssyncset.done $0x0  }
0x21d: {  	[sflag:s9] =	ssyncadd.s32 $0xFFFFD8F0  }
0x21e: {  	[tilespmem:s26], [sflag:$0x1] =	stream.indirect.gather [hbm4b:s25+s19], $0x1, s16, s19, $0xb8;
	[tilespmem:$0x1BCF0] =	vst v63  }
0x21f: {  	_ =	swait.ge [sflag:s9], $0x2710  }
0x220: {  	[sflag:s9] =	ssyncset.done $0x0  }
0x221: {  	[sflag:s9] =	ssyncadd.s32 $0xFFFFD8F0  }
0x222: {  	[tilespmem:s28], [sflag:$0x1] =	stream.indirect.gather [spmem:s7], $0x1, s17, s19, $0xb8;
	[tilespmem:$0x1BCF0] =	vst v63  }
0x223: {  	_ =	swait.ge [sflag:s9], $0x2710  }
0x224: {  	[sflag:s9] =	ssyncset.done $0x0  }
0x225: {  	[sflag:s9] =	ssyncadd.s32 $0xFFFFD8F0  }
0x226: {  	[spmem:s1] =	stream.indirect.scatter.add.f32 [tilespmem:s20], [sflag:$0x1], $0x1, s17, s19, $0xb8;
	[tilespmem:$0x1BCF0] =	vst v63  }
0x227: {  	_ =	swait.ge [sflag:s9], $0x2710  }
0x228: {  	[sflag:s9] =	ssyncset.done $0x0  }
0x229: {  	[sflag:s9] =	ssyncadd.s32 $0xFFFFD8F0  }
0x22a: {  	[spmem:s3] =	stream.indirect.scatter.add.f32 [tilespmem:s22], [sflag:$0x1], $0x1, s17, s19, $0xb8;
	[tilespmem:$0x1BCF0] =	vst v63  }
0x22b: {  	_ =	swait.ge [sflag:s9], $0x2710  }
0x22c: {  	[sflag:s9] =	ssyncset.done $0x0  }
0x22d: {  	[sflag:s9] =	ssyncadd.s32 $0xFFFFD8F0  }
0x22e: {  	[spmem:s4] =	stream.indirect.scatter.add.f32 [tilespmem:s24], [sflag:$0x1], $0x1, s17, s19, $0xb8;
	[tilespmem:$0x1BCF0] =	vst v63  }
0x22f: {  	_ =	swait.ge [sflag:s9], $0x2710  }
0x230: {  	[sflag:s9] =	ssyncset.done $0x0  }
0x231: {  	[sflag:s9] =	ssyncadd.s32 $0xFFFFD8F0  }
0x232: {  	[spmem:s5] =	stream.indirect.scatter.add.f32 [tilespmem:s26], [sflag:$0x1], $0x1, s17, s19, $0xb8;
	[tilespmem:$0x1BCF0] =	vst v63  }
0x233: {  	_ =	swait.ge [sflag:s9], $0x2710  }
0x234: {  	[sflag:s9] =	ssyncset.done $0x0  }
0x235: {  	[sflag:s9] =	ssyncadd.s32 $0xFFFFD8F0  }
0x236: {  	[spmem:s6] =	stream.indirect.scatter.add.f32 [tilespmem:s28], [sflag:$0x1], $0x1, s16, s19, $0xb8;
	[tilespmem:$0x1BCF0] =	vst v63  }
0x237: {  	_ =	swait.ge [sflag:s9], $0x2710  }
0x238: {  	[sflag:s9] =	ssyncset.done $0x0  }
0x239: {  	s0 =	rddreg [dreg:$0x13];
	[sflag:s9] =	ssyncadd.s32 $0xFFFFD8F0  }
0x23a: {  	[tilespmem:s16], [sflag:$0x1] =	stream.linear.gather [hbm4b:s0+s8], $0x2710, $0x38;
	[tilespmem:$0x1BCF0] =	vst v63  }
0x23b: {  	_ =	swait.ge [sflag:s9], $0x2710  }
0x23c: {  	[sflag:s9] =	ssyncset.done $0x0  }
0x23d: {  	s0 =	rddreg [dreg:$0x14];
	[sflag:s9] =	ssyncadd.s32 $0xFFFFD8F0  }
0x23e: {  	[tilespmem:s17], [sflag:$0x1] =	stream.linear.gather [hbm4b:s0+s8], $0x2710, $0x38;
	[tilespmem:$0x1BCF0] =	vst v63  }
0x23f: {  	_ =	swait.ge [sflag:s9], $0x2710  }
0x240: {  	[sflag:s9] =	ssyncset.done $0x0  }
0x241: {  	[sflag:s9] =	ssyncadd.s32 $0xFFFFD8F0  }
0x242: {  	[tilespmem:s20], [sflag:$0x1] =	stream.indirect.gather [hbm4b:s18+s19], $0x1, s16, s19, $0xb8;
	[tilespmem:$0x1BCF0] =	vst v63  }
0x243: {  	_ =	swait.ge [sflag:s9], $0x2710  }
0x244: {  	[sflag:s9] =	ssyncset.done $0x0  }
0x245: {  	[sflag:s9] =	ssyncadd.s32 $0xFFFFD8F0  }
0x246: {  	[tilespmem:s22], [sflag:$0x1] =	stream.indirect.gather [hbm4b:s21+s19], $0x1, s16, s19, $0xb8;
	[tilespmem:$0x1BCF0] =	vst v63  }
0x247: {  	_ =	swait.ge [sflag:s9], $0x2710  }
0x248: {  	[sflag:s9] =	ssyncset.done $0x0  }
0x249: {  	[sflag:s9] =	ssyncadd.s32 $0xFFFFD8F0  }
0x24a: {  	[tilespmem:s24], [sflag:$0x1] =	stream.indirect.gather [hbm4b:s23+s19], $0x1, s16, s19, $0xb8;
	[tilespmem:$0x1BCF0] =	vst v63  }
0x24b: {  	_ =	swait.ge [sflag:s9], $0x2710  }
0x24c: {  	[sflag:s9] =	ssyncset.done $0x0  }
0x24d: {  	[sflag:s9] =	ssyncadd.s32 $0xFFFFD8F0  }
0x24e: {  	[tilespmem:s26], [sflag:$0x1] =	stream.indirect.gather [hbm4b:s25+s19], $0x1, s16, s19, $0xb8;
	[tilespmem:$0x1BCF0] =	vst v63  }
0x24f: {  	_ =	swait.ge [sflag:s9], $0x2710  }
0x250: {  	[sflag:s9] =	ssyncset.done $0x0  }
0x251: {  	[sflag:s9] =	ssyncadd.s32 $0xFFFFD8F0  }
0x252: {  	[tilespmem:s28], [sflag:$0x1] =	stream.indirect.gather [spmem:s7], $0x1, s17, s19, $0xb8;
	[tilespmem:$0x1BCF0] =	vst v63  }
0x253: {  	_ =	swait.ge [sflag:s9], $0x2710  }
0x254: {  	[sflag:s9] =	ssyncset.done $0x0  }
0x255: {  	[sflag:s9] =	ssyncadd.s32 $0xFFFFD8F0  }
0x256: {  	[spmem:s1] =	stream.indirect.scatter.add.f32 [tilespmem:s20], [sflag:$0x1], $0x1, s17, s19, $0xb8;
	[tilespmem:$0x1BCF0] =	vst v63  }
0x257: {  	_ =	swait.ge [sflag:s9], $0x2710  }
0x258: {  	[sflag:s9] =	ssyncset.done $0x0  }
0x259: {  	[sflag:s9] =	ssyncadd.s32 $0xFFFFD8F0  }
0x25a: {  	[spmem:s3] =	stream.indirect.scatter.add.f32 [tilespmem:s22], [sflag:$0x1], $0x1, s17, s19, $0xb8;
	[tilespmem:$0x1BCF0] =	vst v63  }
0x25b: {  	_ =	swait.ge [sflag:s9], $0x2710  }
0x25c: {  	[sflag:s9] =	ssyncset.done $0x0  }
0x25d: {  	[sflag:s9] =	ssyncadd.s32 $0xFFFFD8F0  }
0x25e: {  	[spmem:s4] =	stream.indirect.scatter.add.f32 [tilespmem:s24], [sflag:$0x1], $0x1, s17, s19, $0xb8;
	[tilespmem:$0x1BCF0] =	vst v63  }
0x25f: {  	_ =	swait.ge [sflag:s9], $0x2710  }
0x260: {  	[sflag:s9] =	ssyncset.done $0x0  }
0x261: {  	[sflag:s9] =	ssyncadd.s32 $0xFFFFD8F0  }
0x262: {  	[spmem:s5] =	stream.indirect.scatter.add.f32 [tilespmem:s26], [sflag:$0x1], $0x1, s17, s19, $0xb8;
	[tilespmem:$0x1BCF0] =	vst v63  }
0x263: {  	_ =	swait.ge [sflag:s9], $0x2710  }
0x264: {  	[sflag:s9] =	ssyncset.done $0x0  }
0x265: {  	[sflag:s9] =	ssyncadd.s32 $0xFFFFD8F0  }
0x266: {  	[spmem:s6] =	stream.indirect.scatter.add.f32 [tilespmem:s28], [sflag:$0x1], $0x1, s16, s19, $0xb8;
	[tilespmem:$0x1BCF0] =	vst v63  }
0x267: {  	_ =	swait.ge [sflag:s9], $0x2710  }
0x268: {  	[sflag:s9] =	ssyncset.done $0x0  }
0x269: {  	[sflag:s9] =	ssyncadd.s32 $0xFFFFD8F0  }
0x26a: {  	[bflag:$0x0] =	sbarrier.arrive $0xFFFF  }
0x26b: {  	[tilespmem:s10], [sflag:$0x1] =	stream.linear.gather [spmem:s11], $0x1880, $0x38;
	[tilespmem:$0x1BCF0] =	vst v63  }
0x26c: {  	_ =	swait.ge [sflag:s9], $0x1880  }
0x26d: {  	[sflag:s9] =	ssyncset.done $0x0  }
0x26e: {  	s0 =	rddreg [dreg:$0x15];
	[sflag:s9] =	ssyncadd.s32 $0xFFFFE780  }
0x26f: {  	[hbm4b:s0+s8] =	stream.linear.scatter [tilespmem:s10], [sflag:$0x1], $0x1880, $0x38;
	[tilespmem:$0x1BCF0] =	vst v63  }
0x270: {  	_ =	swait.ge [sflag:s9], $0x1880  }
0x271: {  	[sflag:s9] =	ssyncset.done $0x0  }
0x272: {  	[sflag:s9] =	ssyncadd.s32 $0xFFFFE780  }
0x273: {  	[tilespmem:s10], [sflag:$0x1] =	stream.linear.gather [spmem:s12], $0x1880, $0x38;
	[tilespmem:$0x1BCF0] =	vst v63  }
0x274: {  	_ =	swait.ge [sflag:s9], $0x1880  }
0x275: {  	[sflag:s9] =	ssyncset.done $0x0  }
0x276: {  	s0 =	rddreg [dreg:$0x16];
	[sflag:s9] =	ssyncadd.s32 $0xFFFFE780  }
0x277: {  	[hbm4b:s0+s8] =	stream.linear.scatter [tilespmem:s10], [sflag:$0x1], $0x1880, $0x38;
	[tilespmem:$0x1BCF0] =	vst v63  }
0x278: {  	_ =	swait.ge [sflag:s9], $0x1880  }
0x279: {  	[sflag:s9] =	ssyncset.done $0x0  }
0x27a: {  	[sflag:s9] =	ssyncadd.s32 $0xFFFFE780  }
0x27b: {  	[tilespmem:s10], [sflag:$0x1] =	stream.linear.gather [spmem:s13], $0x1880, $0x38;
	[tilespmem:$0x1BCF0] =	vst v63  }
0x27c: {  	_ =	swait.ge [sflag:s9], $0x1880  }
0x27d: {  	[sflag:s9] =	ssyncset.done $0x0  }
0x27e: {  	[sflag:s9] =	ssyncadd.s32 $0xFFFFE780  }
0x27f: {  	[hbm4b:s29+s8] =	stream.linear.scatter [tilespmem:s10], [sflag:$0x1], $0x1880, $0x38;
	[tilespmem:$0x1BCF0] =	vst v63  }
0x280: {  	_ =	swait.ge [sflag:s9], $0x1880  }
0x281: {  	[sflag:s9] =	ssyncset.done $0x0  }
0x282: {  	[sflag:s9] =	ssyncadd.s32 $0xFFFFE780  }
0x283: {  	[tilespmem:s10], [sflag:$0x1] =	stream.linear.gather [spmem:s14], $0x1880, $0x38;
	[tilespmem:$0x1BCF0] =	vst v63  }
0x284: {  	_ =	swait.ge [sflag:s9], $0x1880  }
0x285: {  	[sflag:s9] =	ssyncset.done $0x0  }
0x286: {  	[sflag:s9] =	ssyncadd.s32 $0xFFFFE780  }
0x287: {  	[hbm4b:s30+s8] =	stream.linear.scatter [tilespmem:s10], [sflag:$0x1], $0x1880, $0x38;
	[tilespmem:$0x1BCF0] =	vst v63  }
0x288: {  	_ =	swait.ge [sflag:s9], $0x1880  }
0x289: {  	[sflag:s9] =	ssyncset.done $0x0  }
0x28a: {  	p0 =	sne.s32 s2, $0x1;
	[sflag:s9] =	ssyncadd.s32 $0xFFFFE780  }
0x28b: {  	[tilespmem:s10], [sflag:$0x1] =	stream.linear.gather [spmem:s15], $0x1880, $0x38;
	[tilespmem:$0x1BCF0] =	vst v63  }
.Ltmp1:
0x28c: {  	_ =	swait.ge [sflag:s9], $0x1880;
	(pc) =	sbr.rel @p0 .LBB2_1-.Ltmp1, $4  }
0x28d: {  	[sflag:s9] =	ssyncset.done $0x0  }
0x28e: {  	[sflag:s9] =	ssyncadd.s32 $0xFFFFE780  }
0x28f: {  	[hbm4b:s31+s8] =	stream.linear.scatter [tilespmem:s10], [sflag:$0x1], $0x1880, $0x38;
	[tilespmem:$0x1BCF0] =	vst v63  }
0x290: {  	s2 =	sadd.s32 $0xFFFFFFFF, s2;
	_ =	swait.ge [sflag:s9], $0x1880  }
.LBB2_2:
0x291: {  	[sflag:s9] =	ssyncset.done $0x0  }
0x292: {  	[sflag:s9] =	ssyncadd.s32 $0xFFFFE780  }
0x293: {  	_ =	sfence.sel $0x180000  }
0x294: {  	[bflag:$0x0] =	sbarrier.arrive $0xFFFF  }
0x295: {  	_ =	strace $0x9000004A  }
0x296: {  	s0 =	stileid.u32;
	[bflag:$0x2] =	sbarrier.arrive $0xFFFF  }
0x297: {  	p0 =	sne.s32 s0, $0x0;
	s0 =	rddreg [dreg:$0x7]  }
0x298: {  	s0 =	sadd.s32 @!p0 $0x100000, s0  }
0x299: {  	[sflag:s0] =	ssyncadd.tile.s32 @!p0 $0x1;
	_ =	shalt  }
.Lfunc_end2:
_tile_overlayer_lowered:
.L_overlay_start_2:
0x29a: {  	(tag) =	ssettag $0x2  }
0x29b: {  	s0 =	rddreg [dreg:$0x0];
	s2 =	stileid.u32  }
0x29c: {  	s1 =	rddreg [dreg:$0x1];
	p0 =	sne.s32 s2, $0x0  }
0x29d: {  	s3 =	rddreg [dreg:$0x2];
	[bflag:$0x3] =	sbarrier.arrive $0xFFFF;
	s2 =	simm.s32 @!p0 $0x1C01  }
0x29e: {  	[timem:s3], [sflag:s2] =	dma.local @!p0 [hbm:s0], s1  }
0x29f: {  	s0 =	simm.s32 @!p0 $0x1  }
0x2a0: {  	_ =	swait.ge @!p0 [sflag:s0], s1  }
0x2a1: {  	s1 =	ssub.s32 @!p0 $0x0, s1;
	[sflag:s0] =	ssyncset.done @!p0 $0x0  }
0x2a2: {  	[sflag:s0] =	ssyncadd.s32 @!p0 s1  }
0x2a3: {  	[bflag:$0x3] =	sbarrier.arrive $0xFFFF  }
0x2a4: {  	_ =	shalt  }

</sc_bundles>
